<compile_context>
chip_gen: v7x
topology: tpu7x:2x2x1
jax: 0.10.2.dev20260603
libtpu: 0.0.44.dev20260713+nightly
codegen_flags: <defaults>
</compile_context>

<pallas_src>
import functools

import jax
import jax.numpy as jnp
from jax import lax
from jax.experimental import pallas as pl
from jax.experimental.pallas import tpu as pltpu
from jax.experimental.pallas import tpu_sc as plsc

NC, NS = 2, 16
NW = NC * NS
NB_SAMPLES = 16384
S = 50
D = 32
SPW = NB_SAMPLES // NW
IPW = SPW * S
SLOT_W = D * NB_SAMPLES
TILE_ROW_W = 8 * NB_SAMPLES

_mesh = plsc.VectorSubcoreMesh(core_axis_name="c", subcore_axis_name="s")


@functools.partial(
    pl.kernel,
    out_type=jax.ShapeDtypeStruct((S * D * NB_SAMPLES,), jnp.float32),
    mesh=_mesh,
    scratch_types=[
        pltpu.VMEM((SPW, S), jnp.int32),
        pltpu.VMEM((IPW,), jnp.int32),
        pltpu.VMEM((2, SPW, D), jnp.float32),
        pltpu.VMEM((2, D * SPW), jnp.float32),
        pltpu.SemaphoreType.DMA,
        pltpu.SemaphoreType.DMA,
        pltpu.SemaphoreType.DMA,
        pltpu.SemaphoreType.DMA,
    ],
    compiler_params=pltpu.CompilerParams(
        use_tc_tiling_on_sc=False, needs_layout_passes=False),
)
def _gather_kernel(idx_hbm, table_hbm, out_hbm, idx_v, idxt_v, g_v, t_v,
                   g0, g1, s0, s1):
    wid = lax.axis_index("s") * NC + lax.axis_index("c")
    b0 = wid * SPW
    gsem = (g0, g1)
    ssem = (s0, s1)

    pltpu.sync_copy(idx_hbm.at[pl.ds(b0, SPW), :], idx_v)

    lanes = lax.iota(jnp.int32, 16)
    p_lo = (lanes // 8) * 4096 + (lanes % 8) * 128
    p_hi = p_lo + 8192

    @pl.loop(0, S)
    def _slot(s):
        svec = jnp.full((16,), 0, jnp.int32) + s

        @plsc.parallel_loop(0, SPW // 16)
        def _grp(g):
            rvec = lanes + g * 16
            idxt_v[pl.ds(s * SPW + g * 16, 16)] = plsc.load_gather(
                idx_v, [rvec, svec])

    def fire_gather(s, b):
        pltpu.async_copy(
            table_hbm.at[idxt_v.at[pl.ds(s * SPW, SPW)]], g_v.at[b], gsem[b])

    def wait_gather(s, b):
        pltpu.make_async_copy(
            table_hbm.at[idxt_v.at[pl.ds(s * SPW, SPW)]], g_v.at[b], gsem[b]).wait()

    def drain_stores(b):
        for ti in range(4):
            pltpu.make_async_copy(
                t_v.at[b, pl.ds(ti * 4096, 4096)],
                out_hbm.at[pl.ds(0, 4096)], ssem[b]).wait()

    fire_gather(0, 0)

    @pl.loop(0, S, step=2)
    def _pipe(si):
        for b in range(2):
            s = si + b
            wait_gather(s, b)

            @pl.when(s + 1 < S)
            def _next():
                fire_gather(s + 1, 1 - b)

            @pl.when(s >= 2)
            def _drain():
                drain_stores(b)

            for tj in range(4):
                @plsc.parallel_loop(0, 128, unroll=16)
                def _row(c):
                    r = tj * 128 + c
                    base = tj * 1024 + c
                    plsc.store_scatter(t_v.at[b], [p_lo + base],
                                       g_v[b, r, pl.ds(0, 16)])
                    plsc.store_scatter(t_v.at[b], [p_hi + base],
                                       g_v[b, r, pl.ds(16, 16)])

            for ti in range(4):
                pltpu.async_copy(
                    t_v.at[b, pl.ds(ti * 4096, 4096)],
                    out_hbm.at[pl.ds(s * SLOT_W + ti * TILE_ROW_W
                                     + wid * 4096, 4096)],
                    ssem[b])

    for b in range(2):
        drain_stores(b)


def kernel(input, item_embedding):
    out1d = _gather_kernel(input, item_embedding)
    v = out1d.reshape(S, 4, 128, 8, 128)
    return v.transpose(2, 4, 0, 1, 3).reshape(NB_SAMPLES, S, D)

# --- scband reference (transcript-rebuilt; emitter-appended) ---
"""Pipeline reference for scband-item-embedding-32100585571052 (READ-ONLY COPY).

The authoritative reference and input builder live on the scoring server;
editing this copy changes nothing except your own understanding.
"""

import jax, jax.numpy as jnp
import numpy as np

NUM_ITEMS = 1000000
NUM_LATENT = 32

def setup_inputs(seed: int = 0) -> dict:
    key = jax.random.key(seed)
    k1, k2 = jax.random.split(key)
    indices = jax.random.randint(k1, (16384, 50), 0, NUM_ITEMS, dtype=jnp.int64 if jax.config.jax_enable_x64 else jnp.int32)
    # kaiming_uniform_ with default a=sqrt(5): bound = sqrt(6 / ((1 + a^2) * fan_in)) where fan_in = num_latent_factors
    a = np.sqrt(5.0)
    gain = np.sqrt(2.0 / (1.0 + a * a))
    bound = gain * np.sqrt(3.0 / NUM_LATENT)
    item_embedding = jax.random.uniform(k2, (NUM_ITEMS, NUM_LATENT), minval=-bound, maxval=bound, dtype=jnp.float32)
    return {"input": indices, "item_embedding": item_embedding}

def reference(input, item_embedding):
    # item_embedding[input] : gather rows of the table
    return jnp.take(item_embedding, input, axis=0)

if __name__ == "__main__":
    import jax
    _d = setup_inputs()
    print(jax.jit(kernel)(*tuple(_d.values())))

</pallas_src>

<mosaic_0001>
#map = affine_map<(d0, d1) -> (0, 0)>
#map1 = affine_map<(d0, d1) -> (0)>
module attributes {stable_mosaic.version = 14 : i64} {
  func.func @_gather_kernel(%arg0: i32, %arg1: i32, %arg2: memref<16384x50xi32, #tpu.memory_space<hbm>>, %arg3: memref<1000000x32xf32, #tpu.memory_space<hbm>>, %arg4: memref<26214400xf32, #tpu.memory_space<hbm>>, %arg5: memref<512x50xi32, #tpu.memory_space<vmem>>, %arg6: memref<25600xi32, #tpu.memory_space<vmem>>, %arg7: memref<2x512x32xf32, #tpu.memory_space<vmem>>, %arg8: memref<2x16384xf32, #tpu.memory_space<vmem>>, %arg9: memref<!tpu.dma_semaphore, #tpu.memory_space<semaphore_mem>>, %arg10: memref<!tpu.dma_semaphore, #tpu.memory_space<semaphore_mem>>, %arg11: memref<!tpu.dma_semaphore, #tpu.memory_space<semaphore_mem>>, %arg12: memref<!tpu.dma_semaphore, #tpu.memory_space<semaphore_mem>>) attributes {dimension_semantics = [#tpu.dimension_semantics<core_parallel>, #tpu.dimension_semantics<subcore_parallel>], iteration_bounds = array<i64: 2, 16>, scalar_prefetch = 0 : i64, scratch_operands = 8 : i64, tpu.core_type = #tpu.core_type<sc_vector_subcore>, window_params = [{transform_indices = #map}, {transform_indices = #map}, {transform_indices = #map1}]} {
    %mul3A = arith.constant 2 : i32
    %mul3A_0 = arith.muli %arg1, %mul3A : i32
    %add3A = arith.addi %mul3A_0, %arg0 : i32
    %mul3A_1 = arith.constant 512 : i32
    %mul3A_2 = arith.muli %add3A, %mul3A_1 : i32
    "tpu.region"() ({
      %run_scoped3A = tpu.sem_alloc : memref<!tpu.dma_semaphore, #tpu.memory_space<semaphore_mem>>
      %dma_start3A_161 = arith.constant 0 : i32
      %dma_start3A_162 = tpu.memref_slice %arg2[%mul3A_2, %dma_start3A_161] : memref<16384x50xi32, #tpu.memory_space<hbm>> -> memref<512x50xi32, #tpu.memory_space<hbm>>
      %dma_start3A_163 = arith.constant 0 : i32
      %dma_start3A_164 = tpu.memref_slice %arg2[%mul3A_2, %dma_start3A_163] : memref<16384x50xi32, #tpu.memory_space<hbm>> -> memref<512x50xi32, #tpu.memory_space<hbm>>
      tpu.enqueue_dma source(%dma_start3A_164 : memref<512x50xi32, #tpu.memory_space<hbm>>) target(%arg5 : memref<512x50xi32, #tpu.memory_space<vmem>>) target_semaphore(%run_scoped3A : memref<!tpu.dma_semaphore, #tpu.memory_space<semaphore_mem>>)
      %dma_wait3A_165 = arith.constant 0 : i32
      %dma_wait3A_166 = tpu.memref_slice %arg2[%mul3A_2, %dma_wait3A_165] : memref<16384x50xi32, #tpu.memory_space<hbm>> -> memref<512x50xi32, #tpu.memory_space<hbm>>
      %dma_wait3A_167 = arith.constant 0 : i32
      %dma_wait3A_168 = tpu.memref_slice %arg2[%mul3A_2, %dma_wait3A_167] : memref<16384x50xi32, #tpu.memory_space<hbm>> -> memref<512x50xi32, #tpu.memory_space<hbm>>
      tpu.wait_dma2 semaphore(%run_scoped3A : memref<!tpu.dma_semaphore, #tpu.memory_space<semaphore_mem>>) src(%dma_wait3A_168 : memref<512x50xi32, #tpu.memory_space<hbm>>) dst(%arg5 : memref<512x50xi32, #tpu.memory_space<vmem>>)
      tpu.yield
    }) : () -> ()
    %iota3A = tpu.iota {dimensions = array<i32: 0>} : vector<16xi32>
    %jit3A = arith.constant 8 : i32
    %div3A = vector.broadcast %jit3A : i32 to vector<16xi32>
    %div3A_3 = arith.divsi %iota3A, %div3A : vector<16xi32>
    %sign3A = arith.constant 0 : i32
    %sign3A_4 = vector.broadcast %sign3A : i32 to vector<16xi32>
    %sign3A_5 = arith.cmpi sgt, %iota3A, %sign3A_4 : vector<16xi32>
    %sign3A_6 = arith.extui %sign3A_5 : vector<16xi1> to vector<16xi32>
    %sign3A_7 = arith.constant 0 : i32
    %sign3A_8 = vector.broadcast %sign3A_7 : i32 to vector<16xi32>
    %sign3A_9 = arith.cmpi slt, %iota3A, %sign3A_8 : vector<16xi32>
    %sign3A_10 = arith.extui %sign3A_9 : vector<16xi1> to vector<16xi32>
    %sign3A_11 = arith.subi %sign3A_6, %sign3A_10 : vector<16xi32>
    %sign3A_12 = arith.constant 0 : i32
    %sign3A_13 = arith.cmpi sgt, %jit3A, %sign3A_12 : i32
    %sign3A_14 = arith.extui %sign3A_13 : i1 to i32
    %sign3A_15 = arith.constant 0 : i32
    %sign3A_16 = arith.cmpi slt, %jit3A, %sign3A_15 : i32
    %sign3A_17 = arith.extui %sign3A_16 : i1 to i32
    %sign3A_18 = arith.subi %sign3A_14, %sign3A_17 : i32
    %ne3A = vector.broadcast %sign3A_18 : i32 to vector<16xi32>
    %ne3A_19 = arith.cmpi ne, %sign3A_11, %ne3A : vector<16xi32>
    %rem3A = vector.broadcast %jit3A : i32 to vector<16xi32>
    %rem3A_20 = arith.remsi %iota3A, %rem3A : vector<16xi32>
    %ne3A_21 = arith.constant 0 : i32
    %ne3A_22 = vector.broadcast %ne3A_21 : i32 to vector<16xi32>
    %ne3A_23 = arith.cmpi ne, %rem3A_20, %ne3A_22 : vector<16xi32>
    %and3A = arith.andi %ne3A_19, %ne3A_23 : vector<16xi1>
    %sub3A = arith.constant 1 : i32
    %sub3A_24 = vector.broadcast %sub3A : i32 to vector<16xi32>
    %sub3A_25 = arith.subi %div3A_3, %sub3A_24 : vector<16xi32>
    %select_n3A = arith.select %and3A, %sub3A_25, %div3A_3 : vector<16xi1>, vector<16xi32>
    %mul3A_26 = arith.constant 4096 : i32
    %mul3A_27 = vector.broadcast %mul3A_26 : i32 to vector<16xi32>
    %mul3A_28 = arith.muli %select_n3A, %mul3A_27 : vector<16xi32>
    %jit3A_29 = arith.constant 8 : i32
    %eq3A = arith.constant 0 : i32
    %eq3A_30 = arith.cmpi eq, %jit3A_29, %eq3A : i32
    %jit3A_31 = arith.constant 1 : i32
    %select_n3A_32 = arith.select %eq3A_30, %jit3A_31, %jit3A_29 : i32
    %rem3A_33 = vector.broadcast %select_n3A_32 : i32 to vector<16xi32>
    %rem3A_34 = arith.remsi %iota3A, %rem3A_33 : vector<16xi32>
    %ne3A_35 = arith.constant 0 : i32
    %ne3A_36 = vector.broadcast %ne3A_35 : i32 to vector<16xi32>
    %ne3A_37 = arith.cmpi ne, %rem3A_34, %ne3A_36 : vector<16xi32>
    %lt3A = arith.constant 0 : i32
    %lt3A_38 = vector.broadcast %lt3A : i32 to vector<16xi32>
    %lt3A_39 = arith.cmpi slt, %rem3A_34, %lt3A_38 : vector<16xi32>
    %lt3A_40 = arith.constant 0 : i32
    %lt3A_41 = arith.cmpi slt, %select_n3A_32, %lt3A_40 : i32
    %ne3A_42 = vector.broadcast %lt3A_41 : i1 to vector<16xi1>
    %ne3A_43 = vector.broadcast %ne3A_42 : vector<16xi1> to vector<16xi1>
    %ne3A_44 = arith.xori %lt3A_39, %ne3A_43 : vector<16xi1>
    %and3A_45 = arith.andi %ne3A_44, %ne3A_37 : vector<16xi1>
    %add3A_46 = vector.broadcast %select_n3A_32 : i32 to vector<16xi32>
    %add3A_47 = arith.addi %rem3A_34, %add3A_46 : vector<16xi32>
    %select_n3A_48 = arith.select %and3A_45, %add3A_47, %rem3A_34 : vector<16xi1>, vector<16xi32>
    %mul3A_49 = arith.constant 128 : i32
    %mul3A_50 = vector.broadcast %mul3A_49 : i32 to vector<16xi32>
    %mul3A_51 = arith.muli %select_n3A_48, %mul3A_50 : vector<16xi32>
    %add3A_52 = arith.addi %mul3A_28, %mul3A_51 : vector<16xi32>
    %add3A_53 = arith.constant 8192 : i32
    %add3A_54 = vector.broadcast %add3A_53 : i32 to vector<16xi32>
    %add3A_55 = arith.addi %add3A_52, %add3A_54 : vector<16xi32>
    %scan3A = arith.constant 0 : i32
    %scan3A_56 = arith.constant 50 : i32
    %scan3A_57 = arith.addi %scan3A, %scan3A_56 : i32
    %scan3A_58 = arith.constant 1 : i32
    scf.for %scan3A_161 = %scan3A to %scan3A_57 step %scan3A_58  : i32 {
      %mul3A_162 = arith.constant 1 : i32
      %mul3A_163 = arith.muli %scan3A_161, %mul3A_162 : i32
      %add3A_164 = arith.constant 0 : i32
      %add3A_165 = arith.addi %add3A_164, %mul3A_163 : i32
      %broadcast_in_dim3A = arith.constant 0 : i32
      %broadcast_in_dim3A_166 = vector.broadcast %broadcast_in_dim3A : i32 to vector<16xi32>
      %add3A_167 = vector.broadcast %add3A_165 : i32 to vector<16xi32>
      %add3A_168 = arith.addi %broadcast_in_dim3A_166, %add3A_167 : vector<16xi32>
      %parallel_loop3A = arith.constant 0 : i32
      %parallel_loop3A_169 = arith.constant 32 : i32
      %parallel_loop3A_170 = arith.constant 1 : i32
      scf.for %parallel_loop3A_171 = %parallel_loop3A to %parallel_loop3A_169 step %parallel_loop3A_170  : i32 {
        %parallel_loop3A_172 = arith.constant 16 : i32
        %parallel_loop3A_173 = arith.muli %parallel_loop3A_171, %parallel_loop3A_172 : i32
        %parallel_loop3A_174 = vector.broadcast %parallel_loop3A_173 : i32 to vector<16xi32>
        %parallel_loop3A_175 = arith.addi %iota3A, %parallel_loop3A_174 : vector<16xi32>
        %parallel_loop3A_176 = tpu.vector_load_idx %arg5[%parallel_loop3A_175, %add3A_168] : memref<512x50xi32, #tpu.memory_space<vmem>>[vector<16xi32>, vector<16xi32>], vector<16xi32>,
        %parallel_loop3A_177 = arith.constant 512 : i32
        %parallel_loop3A_178 = arith.muli %add3A_165, %parallel_loop3A_177 : i32
        %parallel_loop3A_179 = arith.constant 16 : i32
        %parallel_loop3A_180 = arith.muli %parallel_loop3A_171, %parallel_loop3A_179 : i32
        %parallel_loop3A_181 = arith.addi %parallel_loop3A_178, %parallel_loop3A_180 : i32
        %parallel_loop3A_182 = arith.index_cast %parallel_loop3A_181 : i32 to index
        %parallel_loop3A_183 = tpu.vector_load %arg6[%parallel_loop3A_182] {strides = array<i32>} : memref<25600xi32, #tpu.memory_space<vmem>>, vector<16xi32>,
        tpu.vector_store %arg6[%parallel_loop3A_182], %parallel_loop3A_176 {strides = array<i32>} : memref<25600xi32, #tpu.memory_space<vmem>>, vector<16xi32>,
      } {sc.loop_unroll_factor = 1 : i64, sc.parallel_access}
    }
    %scan3A_59 = arith.constant 50 : i32
    %dma_start3A = arith.constant 0 : i32
    %dma_start3A_60 = arith.constant 0 : i32
    %dma_start3A_61 = arith.constant 0 : i32
    %dma_start3A_62 = tpu.memref_slice %arg7[%dma_start3A, %dma_start3A_60, %dma_start3A_61] : memref<2x512x32xf32, #tpu.memory_space<vmem>> -> memref<1x512x32xf32, #tpu.memory_space<vmem>>
    %dma_start3A_63 = tpu.memref_squeeze %dma_start3A_62 : memref<1x512x32xf32, #tpu.memory_space<vmem>> -> memref<512x32xf32, #tpu.memory_space<vmem>>
    %dma_start3A_64 = arith.constant 0 : i32
    %dma_start3A_65 = tpu.memref_slice %arg6[%dma_start3A_64] : memref<25600xi32, #tpu.memory_space<vmem>> -> memref<512xi32, #tpu.memory_space<vmem>>
    %dma_start3A_66 = arith.constant 0 : i32
    %dma_start3A_67 = arith.constant 0 : i32
    %dma_start3A_68 = tpu.memref_slice %arg3[%dma_start3A_66, %dma_start3A_67] : memref<1000000x32xf32, #tpu.memory_space<hbm>> -> memref<1000000x32xf32, #tpu.memory_space<hbm>>
    tpu.enqueue_indirect_dma source(%dma_start3A_68 : memref<1000000x32xf32, #tpu.memory_space<hbm>>) target(%dma_start3A_63 : memref<512x32xf32, #tpu.memory_space<vmem>>) offsets(%dma_start3A_65 : memref<512xi32, #tpu.memory_space<vmem>>) semaphore(%arg9 : memref<!tpu.dma_semaphore, #tpu.memory_space<semaphore_mem>>)
    %scan3A_69 = arith.constant 0 : i32
    %scan3A_70 = arith.constant 25 : i32
    %scan3A_71 = arith.addi %scan3A_69, %scan3A_70 : i32
    %scan3A_72 = arith.constant 1 : i32
    scf.for %scan3A_161 = %scan3A_69 to %scan3A_71 step %scan3A_72  : i32 {
      %mul3A_162 = arith.constant 2 : i32
      %mul3A_163 = arith.muli %scan3A_161, %mul3A_162 : i32
      %add3A_164 = arith.constant 0 : i32
      %add3A_165 = arith.addi %add3A_164, %mul3A_163 : i32
      %add3A_166 = arith.constant 0 : i32
      %add3A_167 = arith.addi %add3A_165, %add3A_166 : i32
      %mul3A_168 = arith.constant 512 : i32
      %mul3A_169 = arith.muli %add3A_167, %mul3A_168 : i32
      %dma_wait3A_170 = arith.constant 0 : i32
      %dma_wait3A_171 = arith.constant 0 : i32
      %dma_wait3A_172 = arith.constant 0 : i32
      %dma_wait3A_173 = tpu.memref_slice %arg7[%dma_wait3A_170, %dma_wait3A_171, %dma_wait3A_172] : memref<2x512x32xf32, #tpu.memory_space<vmem>> -> memref<1x512x32xf32, #tpu.memory_space<vmem>>
      %dma_wait3A_174 = tpu.memref_squeeze %dma_wait3A_173 : memref<1x512x32xf32, #tpu.memory_space<vmem>> -> memref<512x32xf32, #tpu.memory_space<vmem>>
      %dma_wait3A_175 = tpu.memref_slice %arg6[%mul3A_169] : memref<25600xi32, #tpu.memory_space<vmem>> -> memref<512xi32, #tpu.memory_space<vmem>>
      %dma_wait3A_176 = arith.constant 0 : i32
      %dma_wait3A_177 = arith.constant 0 : i32
      %dma_wait3A_178 = tpu.memref_slice %arg3[%dma_wait3A_176, %dma_wait3A_177] : memref<1000000x32xf32, #tpu.memory_space<hbm>> -> memref<1000000x32xf32, #tpu.memory_space<hbm>>
      tpu.wait_indirect_dma semaphore(%arg9 : memref<!tpu.dma_semaphore, #tpu.memory_space<semaphore_mem>>) src(%dma_wait3A_178 : memref<1000000x32xf32, #tpu.memory_space<hbm>>) dst(%dma_wait3A_174 : memref<512x32xf32, #tpu.memory_space<vmem>>)
      %add3A_179 = arith.constant 1 : i32
      %add3A_180 = arith.addi %add3A_167, %add3A_179 : i32
      %lt3A_181 = arith.constant 50 : i32
      %lt3A_182 = arith.cmpi slt, %add3A_180, %lt3A_181 : i32
      %convert_element_type3A = arith.extui %lt3A_182 : i1 to i32
      %cond3A = arith.constant 0 : i32
      %cond3A_183 = arith.cmpi ne, %convert_element_type3A, %cond3A : i32
      scf.if %cond3A_183 {
        %add3A_364 = arith.constant 1 : i32
        %add3A_365 = arith.addi %add3A_167, %add3A_364 : i32
        %mul3A_366 = arith.constant 512 : i32
        %mul3A_367 = arith.muli %add3A_365, %mul3A_366 : i32
        %dma_start3A_368 = arith.constant 1 : i32
        %dma_start3A_369 = arith.constant 0 : i32
        %dma_start3A_370 = arith.constant 0 : i32
        %dma_start3A_371 = tpu.memref_slice %arg7[%dma_start3A_368, %dma_start3A_369, %dma_start3A_370] : memref<2x512x32xf32, #tpu.memory_space<vmem>> -> memref<1x512x32xf32, #tpu.memory_space<vmem>>
        %dma_start3A_372 = tpu.memref_squeeze %dma_start3A_371 : memref<1x512x32xf32, #tpu.memory_space<vmem>> -> memref<512x32xf32, #tpu.memory_space<vmem>>
        %dma_start3A_373 = tpu.memref_slice %arg6[%mul3A_367] : memref<25600xi32, #tpu.memory_space<vmem>> -> memref<512xi32, #tpu.memory_space<vmem>>
        %dma_start3A_374 = arith.constant 0 : i32
        %dma_start3A_375 = arith.constant 0 : i32
        %dma_start3A_376 = tpu.memref_slice %arg3[%dma_start3A_374, %dma_start3A_375] : memref<1000000x32xf32, #tpu.memory_space<hbm>> -> memref<1000000x32xf32, #tpu.memory_space<hbm>>
        tpu.enqueue_indirect_dma source(%dma_start3A_376 : memref<1000000x32xf32, #tpu.memory_space<hbm>>) target(%dma_start3A_372 : memref<512x32xf32, #tpu.memory_space<vmem>>) offsets(%dma_start3A_373 : memref<512xi32, #tpu.memory_space<vmem>>) semaphore(%arg10 : memref<!tpu.dma_semaphore, #tpu.memory_space<semaphore_mem>>)
      } else {
      }
      %ge3A = arith.constant 2 : i32
      %ge3A_184 = arith.cmpi sge, %add3A_167, %ge3A : i32
      %convert_element_type3A_185 = arith.extui %ge3A_184 : i1 to i32
      %cond3A_186 = arith.constant 0 : i32
      %cond3A_187 = arith.cmpi ne, %convert_element_type3A_185, %cond3A_186 : i32
      scf.if %cond3A_187 {
        %dma_wait3A_364 = arith.constant 0 : i32
        %dma_wait3A_365 = arith.constant 0 : i32
        %dma_wait3A_366 = tpu.memref_slice %arg8[%dma_wait3A_364, %dma_wait3A_365] : memref<2x16384xf32, #tpu.memory_space<vmem>> -> memref<1x4096xf32, #tpu.memory_space<vmem>>
        %dma_wait3A_367 = tpu.memref_squeeze %dma_wait3A_366 : memref<1x4096xf32, #tpu.memory_space<vmem>> -> memref<4096xf32, #tpu.memory_space<vmem>>
        %dma_wait3A_368 = arith.constant 0 : i32
        %dma_wait3A_369 = tpu.memref_slice %arg4[%dma_wait3A_368] : memref<26214400xf32, #tpu.memory_space<hbm>> -> memref<4096xf32, #tpu.memory_space<hbm>>
        %dma_wait3A_370 = arith.constant 0 : i32
        %dma_wait3A_371 = tpu.memref_slice %arg4[%dma_wait3A_370] : memref<26214400xf32, #tpu.memory_space<hbm>> -> memref<4096xf32, #tpu.memory_space<hbm>>
        %dma_wait3A_372 = arith.constant 0 : i32
        %dma_wait3A_373 = tpu.memref_slice %arg8[%dma_wait3A_364, %dma_wait3A_372] : memref<2x16384xf32, #tpu.memory_space<vmem>> -> memref<1x4096xf32, #tpu.memory_space<vmem>>
        %dma_wait3A_374 = tpu.memref_squeeze %dma_wait3A_373 : memref<1x4096xf32, #tpu.memory_space<vmem>> -> memref<4096xf32, #tpu.memory_space<vmem>>
        tpu.wait_dma2 semaphore(%arg11 : memref<!tpu.dma_semaphore, #tpu.memory_space<semaphore_mem>>) src(%dma_wait3A_374 : memref<4096xf32, #tpu.memory_space<vmem>>) dst(%dma_wait3A_371 : memref<4096xf32, #tpu.memory_space<hbm>>)
        %dma_wait3A_375 = arith.constant 0 : i32
        %dma_wait3A_376 = arith.constant 4096 : i32
        %dma_wait3A_377 = tpu.memref_slice %arg8[%dma_wait3A_375, %dma_wait3A_376] : memref<2x16384xf32, #tpu.memory_space<vmem>> -> memref<1x4096xf32, #tpu.memory_space<vmem>>
        %dma_wait3A_378 = tpu.memref_squeeze %dma_wait3A_377 : memref<1x4096xf32, #tpu.memory_space<vmem>> -> memref<4096xf32, #tpu.memory_space<vmem>>
        %dma_wait3A_379 = arith.constant 0 : i32
        %dma_wait3A_380 = tpu.memref_slice %arg4[%dma_wait3A_379] : memref<26214400xf32, #tpu.memory_space<hbm>> -> memref<4096xf32, #tpu.memory_space<hbm>>
        %dma_wait3A_381 = arith.constant 0 : i32
        %dma_wait3A_382 = tpu.memref_slice %arg4[%dma_wait3A_381] : memref<26214400xf32, #tpu.memory_space<hbm>> -> memref<4096xf32, #tpu.memory_space<hbm>>
        %dma_wait3A_383 = arith.constant 4096 : i32
        %dma_wait3A_384 = tpu.memref_slice %arg8[%dma_wait3A_375, %dma_wait3A_383] : memref<2x16384xf32, #tpu.memory_space<vmem>> -> memref<1x4096xf32, #tpu.memory_space<vmem>>
        %dma_wait3A_385 = tpu.memref_squeeze %dma_wait3A_384 : memref<1x4096xf32, #tpu.memory_space<vmem>> -> memref<4096xf32, #tpu.memory_space<vmem>>
        tpu.wait_dma2 semaphore(%arg11 : memref<!tpu.dma_semaphore, #tpu.memory_space<semaphore_mem>>) src(%dma_wait3A_385 : memref<4096xf32, #tpu.memory_space<vmem>>) dst(%dma_wait3A_382 : memref<4096xf32, #tpu.memory_space<hbm>>)
        %dma_wait3A_386 = arith.constant 0 : i32
        %dma_wait3A_387 = arith.constant 8192 : i32
        %dma_wait3A_388 = tpu.memref_slice %arg8[%dma_wait3A_386, %dma_wait3A_387] : memref<2x16384xf32, #tpu.memory_space<vmem>> -> memref<1x4096xf32, #tpu.memory_space<vmem>>
        %dma_wait3A_389 = tpu.memref_squeeze %dma_wait3A_388 : memref<1x4096xf32, #tpu.memory_space<vmem>> -> memref<4096xf32, #tpu.memory_space<vmem>>
        %dma_wait3A_390 = arith.constant 0 : i32
        %dma_wait3A_391 = tpu.memref_slice %arg4[%dma_wait3A_390] : memref<26214400xf32, #tpu.memory_space<hbm>> -> memref<4096xf32, #tpu.memory_space<hbm>>
        %dma_wait3A_392 = arith.constant 0 : i32
        %dma_wait3A_393 = tpu.memref_slice %arg4[%dma_wait3A_392] : memref<26214400xf32, #tpu.memory_space<hbm>> -> memref<4096xf32, #tpu.memory_space<hbm>>
        %dma_wait3A_394 = arith.constant 8192 : i32
        %dma_wait3A_395 = tpu.memref_slice %arg8[%dma_wait3A_386, %dma_wait3A_394] : memref<2x16384xf32, #tpu.memory_space<vmem>> -> memref<1x4096xf32, #tpu.memory_space<vmem>>
        %dma_wait3A_396 = tpu.memref_squeeze %dma_wait3A_395 : memref<1x4096xf32, #tpu.memory_space<vmem>> -> memref<4096xf32, #tpu.memory_space<vmem>>
        tpu.wait_dma2 semaphore(%arg11 : memref<!tpu.dma_semaphore, #tpu.memory_space<semaphore_mem>>) src(%dma_wait3A_396 : memref<4096xf32, #tpu.memory_space<vmem>>) dst(%dma_wait3A_393 : memref<4096xf32, #tpu.memory_space<hbm>>)
        %dma_wait3A_397 = arith.constant 0 : i32
        %dma_wait3A_398 = arith.constant 12288 : i32
        %dma_wait3A_399 = tpu.memref_slice %arg8[%dma_wait3A_397, %dma_wait3A_398] : memref<2x16384xf32, #tpu.memory_space<vmem>> -> memref<1x4096xf32, #tpu.memory_space<vmem>>
        %dma_wait3A_400 = tpu.memref_squeeze %dma_wait3A_399 : memref<1x4096xf32, #tpu.memory_space<vmem>> -> memref<4096xf32, #tpu.memory_space<vmem>>
        %dma_wait3A_401 = arith.constant 0 : i32
        %dma_wait3A_402 = tpu.memref_slice %arg4[%dma_wait3A_401] : memref<26214400xf32, #tpu.memory_space<hbm>> -> memref<4096xf32, #tpu.memory_space<hbm>>
        %dma_wait3A_403 = arith.constant 0 : i32
        %dma_wait3A_404 = tpu.memref_slice %arg4[%dma_wait3A_403] : memref<26214400xf32, #tpu.memory_space<hbm>> -> memref<4096xf32, #tpu.memory_space<hbm>>
        %dma_wait3A_405 = arith.constant 12288 : i32
        %dma_wait3A_406 = tpu.memref_slice %arg8[%dma_wait3A_397, %dma_wait3A_405] : memref<2x16384xf32, #tpu.memory_space<vmem>> -> memref<1x4096xf32, #tpu.memory_space<vmem>>
        %dma_wait3A_407 = tpu.memref_squeeze %dma_wait3A_406 : memref<1x4096xf32, #tpu.memory_space<vmem>> -> memref<4096xf32, #tpu.memory_space<vmem>>
        tpu.wait_dma2 semaphore(%arg11 : memref<!tpu.dma_semaphore, #tpu.memory_space<semaphore_mem>>) src(%dma_wait3A_407 : memref<4096xf32, #tpu.memory_space<vmem>>) dst(%dma_wait3A_404 : memref<4096xf32, #tpu.memory_space<hbm>>)
      } else {
      }
      %parallel_loop3A = arith.constant 0 : i32
      %parallel_loop3A_188 = arith.constant 128 : i32
      %parallel_loop3A_189 = arith.constant 1 : i32
      scf.for %parallel_loop3A_364 = %parallel_loop3A to %parallel_loop3A_188 step %parallel_loop3A_189  : i32 {
        %parallel_loop3A_365 = arith.constant 0 : i32
        %parallel_loop3A_366 = arith.addi %parallel_loop3A_365, %parallel_loop3A_364 : i32
        %parallel_loop3A_367 = arith.constant 0 : i32
        %parallel_loop3A_368 = arith.addi %parallel_loop3A_367, %parallel_loop3A_364 : i32
        %parallel_loop3A_369 = vector.broadcast %parallel_loop3A_368 : i32 to vector<16xi32>
        %parallel_loop3A_370 = arith.addi %add3A_52, %parallel_loop3A_369 : vector<16xi32>
        %parallel_loop3A_371 = arith.constant 0 : i32
        %parallel_loop3A_372 = arith.index_cast %parallel_loop3A_371 : i32 to index
        %parallel_loop3A_373 = arith.index_cast %parallel_loop3A_366 : i32 to index
        %parallel_loop3A_374 = arith.constant 0 : index
        %parallel_loop3A_375 = tpu.vector_load %arg7[%parallel_loop3A_372, %parallel_loop3A_373, %parallel_loop3A_374] {strides = array<i32>} : memref<2x512x32xf32, #tpu.memory_space<vmem>>, vector<16xf32>,
        %parallel_loop3A_376 = arith.constant 0 : i32
        %parallel_loop3A_377 = arith.constant 0 : i32
        %parallel_loop3A_378 = tpu.memref_slice %arg8[%parallel_loop3A_376, %parallel_loop3A_377] : memref<2x16384xf32, #tpu.memory_space<vmem>> -> memref<1x16384xf32, #tpu.memory_space<vmem>>
        %parallel_loop3A_379 = tpu.memref_squeeze %parallel_loop3A_378 : memref<1x16384xf32, #tpu.memory_space<vmem>> -> memref<16384xf32, #tpu.memory_space<vmem>>
        tpu.vector_store_idx %parallel_loop3A_379[%parallel_loop3A_370], %parallel_loop3A_375 : memref<16384xf32, #tpu.memory_space<vmem>>[vector<16xi32>], vector<16xf32>,
        %parallel_loop3A_380 = vector.broadcast %parallel_loop3A_368 : i32 to vector<16xi32>
        %parallel_loop3A_381 = arith.addi %add3A_55, %parallel_loop3A_380 : vector<16xi32>
        %parallel_loop3A_382 = arith.constant 0 : i32
        %parallel_loop3A_383 = arith.index_cast %parallel_loop3A_382 : i32 to index
        %parallel_loop3A_384 = arith.index_cast %parallel_loop3A_366 : i32 to index
        %parallel_loop3A_385 = arith.constant 16 : index
        %parallel_loop3A_386 = tpu.vector_load %arg7[%parallel_loop3A_383, %parallel_loop3A_384, %parallel_loop3A_385] {strides = array<i32>} : memref<2x512x32xf32, #tpu.memory_space<vmem>>, vector<16xf32>,
        %parallel_loop3A_387 = arith.constant 0 : i32
        %parallel_loop3A_388 = arith.constant 0 : i32
        %parallel_loop3A_389 = tpu.memref_slice %arg8[%parallel_loop3A_387, %parallel_loop3A_388] : memref<2x16384xf32, #tpu.memory_space<vmem>> -> memref<1x16384xf32, #tpu.memory_space<vmem>>
        %parallel_loop3A_390 = tpu.memref_squeeze %parallel_loop3A_389 : memref<1x16384xf32, #tpu.memory_space<vmem>> -> memref<16384xf32, #tpu.memory_space<vmem>>
        tpu.vector_store_idx %parallel_loop3A_390[%parallel_loop3A_381], %parallel_loop3A_386 : memref<16384xf32, #tpu.memory_space<vmem>>[vector<16xi32>], vector<16xf32>,
      } {sc.loop_unroll_factor = 16 : i64, sc.parallel_access}
      %parallel_loop3A_190 = arith.constant 0 : i32
      %parallel_loop3A_191 = arith.constant 128 : i32
      %parallel_loop3A_192 = arith.constant 1 : i32
      scf.for %parallel_loop3A_364 = %parallel_loop3A_190 to %parallel_loop3A_191 step %parallel_loop3A_192  : i32 {
        %parallel_loop3A_365 = arith.constant 128 : i32
        %parallel_loop3A_366 = arith.addi %parallel_loop3A_365, %parallel_loop3A_364 : i32
        %parallel_loop3A_367 = arith.constant 1024 : i32
        %parallel_loop3A_368 = arith.addi %parallel_loop3A_367, %parallel_loop3A_364 : i32
        %parallel_loop3A_369 = vector.broadcast %parallel_loop3A_368 : i32 to vector<16xi32>
        %parallel_loop3A_370 = arith.addi %add3A_52, %parallel_loop3A_369 : vector<16xi32>
        %parallel_loop3A_371 = arith.constant 0 : i32
        %parallel_loop3A_372 = arith.index_cast %parallel_loop3A_371 : i32 to index
        %parallel_loop3A_373 = arith.index_cast %parallel_loop3A_366 : i32 to index
        %parallel_loop3A_374 = arith.constant 0 : index
        %parallel_loop3A_375 = tpu.vector_load %arg7[%parallel_loop3A_372, %parallel_loop3A_373, %parallel_loop3A_374] {strides = array<i32>} : memref<2x512x32xf32, #tpu.memory_space<vmem>>, vector<16xf32>,
        %parallel_loop3A_376 = arith.constant 0 : i32
        %parallel_loop3A_377 = arith.constant 0 : i32
        %parallel_loop3A_378 = tpu.memref_slice %arg8[%parallel_loop3A_376, %parallel_loop3A_377] : memref<2x16384xf32, #tpu.memory_space<vmem>> -> memref<1x16384xf32, #tpu.memory_space<vmem>>
        %parallel_loop3A_379 = tpu.memref_squeeze %parallel_loop3A_378 : memref<1x16384xf32, #tpu.memory_space<vmem>> -> memref<16384xf32, #tpu.memory_space<vmem>>
        tpu.vector_store_idx %parallel_loop3A_379[%parallel_loop3A_370], %parallel_loop3A_375 : memref<16384xf32, #tpu.memory_space<vmem>>[vector<16xi32>], vector<16xf32>,
        %parallel_loop3A_380 = vector.broadcast %parallel_loop3A_368 : i32 to vector<16xi32>
        %parallel_loop3A_381 = arith.addi %add3A_55, %parallel_loop3A_380 : vector<16xi32>
        %parallel_loop3A_382 = arith.constant 0 : i32
        %parallel_loop3A_383 = arith.index_cast %parallel_loop3A_382 : i32 to index
        %parallel_loop3A_384 = arith.index_cast %parallel_loop3A_366 : i32 to index
        %parallel_loop3A_385 = arith.constant 16 : index
        %parallel_loop3A_386 = tpu.vector_load %arg7[%parallel_loop3A_383, %parallel_loop3A_384, %parallel_loop3A_385] {strides = array<i32>} : memref<2x512x32xf32, #tpu.memory_space<vmem>>, vector<16xf32>,
        %parallel_loop3A_387 = arith.constant 0 : i32
        %parallel_loop3A_388 = arith.constant 0 : i32
        %parallel_loop3A_389 = tpu.memref_slice %arg8[%parallel_loop3A_387, %parallel_loop3A_388] : memref<2x16384xf32, #tpu.memory_space<vmem>> -> memref<1x16384xf32, #tpu.memory_space<vmem>>
        %parallel_loop3A_390 = tpu.memref_squeeze %parallel_loop3A_389 : memref<1x16384xf32, #tpu.memory_space<vmem>> -> memref<16384xf32, #tpu.memory_space<vmem>>
        tpu.vector_store_idx %parallel_loop3A_390[%parallel_loop3A_381], %parallel_loop3A_386 : memref<16384xf32, #tpu.memory_space<vmem>>[vector<16xi32>], vector<16xf32>,
      } {sc.loop_unroll_factor = 16 : i64, sc.parallel_access}
      %parallel_loop3A_193 = arith.constant 0 : i32
      %parallel_loop3A_194 = arith.constant 128 : i32
      %parallel_loop3A_195 = arith.constant 1 : i32
      scf.for %parallel_loop3A_364 = %parallel_loop3A_193 to %parallel_loop3A_194 step %parallel_loop3A_195  : i32 {
        %parallel_loop3A_365 = arith.constant 256 : i32
        %parallel_loop3A_366 = arith.addi %parallel_loop3A_365, %parallel_loop3A_364 : i32
        %parallel_loop3A_367 = arith.constant 2048 : i32
        %parallel_loop3A_368 = arith.addi %parallel_loop3A_367, %parallel_loop3A_364 : i32
        %parallel_loop3A_369 = vector.broadcast %parallel_loop3A_368 : i32 to vector<16xi32>
        %parallel_loop3A_370 = arith.addi %add3A_52, %parallel_loop3A_369 : vector<16xi32>
        %parallel_loop3A_371 = arith.constant 0 : i32
        %parallel_loop3A_372 = arith.index_cast %parallel_loop3A_371 : i32 to index
        %parallel_loop3A_373 = arith.index_cast %parallel_loop3A_366 : i32 to index
        %parallel_loop3A_374 = arith.constant 0 : index
        %parallel_loop3A_375 = tpu.vector_load %arg7[%parallel_loop3A_372, %parallel_loop3A_373, %parallel_loop3A_374] {strides = array<i32>} : memref<2x512x32xf32, #tpu.memory_space<vmem>>, vector<16xf32>,
        %parallel_loop3A_376 = arith.constant 0 : i32
        %parallel_loop3A_377 = arith.constant 0 : i32
        %parallel_loop3A_378 = tpu.memref_slice %arg8[%parallel_loop3A_376, %parallel_loop3A_377] : memref<2x16384xf32, #tpu.memory_space<vmem>> -> memref<1x16384xf32, #tpu.memory_space<vmem>>
        %parallel_loop3A_379 = tpu.memref_squeeze %parallel_loop3A_378 : memref<1x16384xf32, #tpu.memory_space<vmem>> -> memref<16384xf32, #tpu.memory_space<vmem>>
        tpu.vector_store_idx %parallel_loop3A_379[%parallel_loop3A_370], %parallel_loop3A_375 : memref<16384xf32, #tpu.memory_space<vmem>>[vector<16xi32>], vector<16xf32>,
        %parallel_loop3A_380 = vector.broadcast %parallel_loop3A_368 : i32 to vector<16xi32>
        %parallel_loop3A_381 = arith.addi %add3A_55, %parallel_loop3A_380 : vector<16xi32>
        %parallel_loop3A_382 = arith.constant 0 : i32
        %parallel_loop3A_383 = arith.index_cast %parallel_loop3A_382 : i32 to index
        %parallel_loop3A_384 = arith.index_cast %parallel_loop3A_366 : i32 to index
        %parallel_loop3A_385 = arith.constant 16 : index
        %parallel_loop3A_386 = tpu.vector_load %arg7[%parallel_loop3A_383, %parallel_loop3A_384, %parallel_loop3A_385] {strides = array<i32>} : memref<2x512x32xf32, #tpu.memory_space<vmem>>, vector<16xf32>,
        %parallel_loop3A_387 = arith.constant 0 : i32
        %parallel_loop3A_388 = arith.constant 0 : i32
        %parallel_loop3A_389 = tpu.memref_slice %arg8[%parallel_loop3A_387, %parallel_loop3A_388] : memref<2x16384xf32, #tpu.memory_space<vmem>> -> memref<1x16384xf32, #tpu.memory_space<vmem>>
        %parallel_loop3A_390 = tpu.memref_squeeze %parallel_loop3A_389 : memref<1x16384xf32, #tpu.memory_space<vmem>> -> memref<16384xf32, #tpu.memory_space<vmem>>
        tpu.vector_store_idx %parallel_loop3A_390[%parallel_loop3A_381], %parallel_loop3A_386 : memref<16384xf32, #tpu.memory_space<vmem>>[vector<16xi32>], vector<16xf32>,
      } {sc.loop_unroll_factor = 16 : i64, sc.parallel_access}
      %parallel_loop3A_196 = arith.constant 0 : i32
      %parallel_loop3A_197 = arith.constant 128 : i32
      %parallel_loop3A_198 = arith.constant 1 : i32
      scf.for %parallel_loop3A_364 = %parallel_loop3A_196 to %parallel_loop3A_197 step %parallel_loop3A_198  : i32 {
        %parallel_loop3A_365 = arith.constant 384 : i32
        %parallel_loop3A_366 = arith.addi %parallel_loop3A_365, %parallel_loop3A_364 : i32
        %parallel_loop3A_367 = arith.constant 3072 : i32
        %parallel_loop3A_368 = arith.addi %parallel_loop3A_367, %parallel_loop3A_364 : i32
        %parallel_loop3A_369 = vector.broadcast %parallel_loop3A_368 : i32 to vector<16xi32>
        %parallel_loop3A_370 = arith.addi %add3A_52, %parallel_loop3A_369 : vector<16xi32>
        %parallel_loop3A_371 = arith.constant 0 : i32
        %parallel_loop3A_372 = arith.index_cast %parallel_loop3A_371 : i32 to index
        %parallel_loop3A_373 = arith.index_cast %parallel_loop3A_366 : i32 to index
        %parallel_loop3A_374 = arith.constant 0 : index
        %parallel_loop3A_375 = tpu.vector_load %arg7[%parallel_loop3A_372, %parallel_loop3A_373, %parallel_loop3A_374] {strides = array<i32>} : memref<2x512x32xf32, #tpu.memory_space<vmem>>, vector<16xf32>,
        %parallel_loop3A_376 = arith.constant 0 : i32
        %parallel_loop3A_377 = arith.constant 0 : i32
        %parallel_loop3A_378 = tpu.memref_slice %arg8[%parallel_loop3A_376, %parallel_loop3A_377] : memref<2x16384xf32, #tpu.memory_space<vmem>> -> memref<1x16384xf32, #tpu.memory_space<vmem>>
        %parallel_loop3A_379 = tpu.memref_squeeze %parallel_loop3A_378 : memref<1x16384xf32, #tpu.memory_space<vmem>> -> memref<16384xf32, #tpu.memory_space<vmem>>
        tpu.vector_store_idx %parallel_loop3A_379[%parallel_loop3A_370], %parallel_loop3A_375 : memref<16384xf32, #tpu.memory_space<vmem>>[vector<16xi32>], vector<16xf32>,
        %parallel_loop3A_380 = vector.broadcast %parallel_loop3A_368 : i32 to vector<16xi32>
        %parallel_loop3A_381 = arith.addi %add3A_55, %parallel_loop3A_380 : vector<16xi32>
        %parallel_loop3A_382 = arith.constant 0 : i32
        %parallel_loop3A_383 = arith.index_cast %parallel_loop3A_382 : i32 to index
        %parallel_loop3A_384 = arith.index_cast %parallel_loop3A_366 : i32 to index
        %parallel_loop3A_385 = arith.constant 16 : index
        %parallel_loop3A_386 = tpu.vector_load %arg7[%parallel_loop3A_383, %parallel_loop3A_384, %parallel_loop3A_385] {strides = array<i32>} : memref<2x512x32xf32, #tpu.memory_space<vmem>>, vector<16xf32>,
        %parallel_loop3A_387 = arith.constant 0 : i32
        %parallel_loop3A_388 = arith.constant 0 : i32
        %parallel_loop3A_389 = tpu.memref_slice %arg8[%parallel_loop3A_387, %parallel_loop3A_388] : memref<2x16384xf32, #tpu.memory_space<vmem>> -> memref<1x16384xf32, #tpu.memory_space<vmem>>
        %parallel_loop3A_390 = tpu.memref_squeeze %parallel_loop3A_389 : memref<1x16384xf32, #tpu.memory_space<vmem>> -> memref<16384xf32, #tpu.memory_space<vmem>>
        tpu.vector_store_idx %parallel_loop3A_390[%parallel_loop3A_381], %parallel_loop3A_386 : memref<16384xf32, #tpu.memory_space<vmem>>[vector<16xi32>], vector<16xf32>,
      } {sc.loop_unroll_factor = 16 : i64, sc.parallel_access}
      %mul3A_199 = arith.constant 524288 : i32
      %mul3A_200 = arith.muli %add3A_167, %mul3A_199 : i32
      %add3A_201 = arith.constant 0 : i32
      %add3A_202 = arith.addi %mul3A_200, %add3A_201 : i32
      %mul3A_203 = arith.constant 4096 : i32
      %mul3A_204 = arith.muli %add3A, %mul3A_203 : i32
      %add3A_205 = arith.addi %add3A_202, %mul3A_204 : i32
      %dma_start3A_206 = arith.constant 0 : i32
      %dma_start3A_207 = arith.constant 0 : i32
      %dma_start3A_208 = tpu.memref_slice %arg8[%dma_start3A_206, %dma_start3A_207] : memref<2x16384xf32, #tpu.memory_space<vmem>> -> memref<1x4096xf32, #tpu.memory_space<vmem>>
      %dma_start3A_209 = tpu.memref_squeeze %dma_start3A_208 : memref<1x4096xf32, #tpu.memory_space<vmem>> -> memref<4096xf32, #tpu.memory_space<vmem>>
      %dma_start3A_210 = tpu.memref_slice %arg4[%add3A_205] : memref<26214400xf32, #tpu.memory_space<hbm>> -> memref<4096xf32, #tpu.memory_space<hbm>>
      %dma_start3A_211 = tpu.memref_slice %arg4[%add3A_205] : memref<26214400xf32, #tpu.memory_space<hbm>> -> memref<4096xf32, #tpu.memory_space<hbm>>
      %dma_start3A_212 = arith.constant 0 : i32
      %dma_start3A_213 = tpu.memref_slice %arg8[%dma_start3A_206, %dma_start3A_212] : memref<2x16384xf32, #tpu.memory_space<vmem>> -> memref<1x4096xf32, #tpu.memory_space<vmem>>
      %dma_start3A_214 = tpu.memref_squeeze %dma_start3A_213 : memref<1x4096xf32, #tpu.memory_space<vmem>> -> memref<4096xf32, #tpu.memory_space<vmem>>
      tpu.enqueue_dma source(%dma_start3A_214 : memref<4096xf32, #tpu.memory_space<vmem>>) target(%dma_start3A_211 : memref<4096xf32, #tpu.memory_space<hbm>>) target_semaphore(%arg11 : memref<!tpu.dma_semaphore, #tpu.memory_space<semaphore_mem>>)
      %mul3A_215 = arith.constant 524288 : i32
      %mul3A_216 = arith.muli %add3A_167, %mul3A_215 : i32
      %add3A_217 = arith.constant 131072 : i32
      %add3A_218 = arith.addi %mul3A_216, %add3A_217 : i32
      %mul3A_219 = arith.constant 4096 : i32
      %mul3A_220 = arith.muli %add3A, %mul3A_219 : i32
      %add3A_221 = arith.addi %add3A_218, %mul3A_220 : i32
      %dma_start3A_222 = arith.constant 0 : i32
      %dma_start3A_223 = arith.constant 4096 : i32
      %dma_start3A_224 = tpu.memref_slice %arg8[%dma_start3A_222, %dma_start3A_223] : memref<2x16384xf32, #tpu.memory_space<vmem>> -> memref<1x4096xf32, #tpu.memory_space<vmem>>
      %dma_start3A_225 = tpu.memref_squeeze %dma_start3A_224 : memref<1x4096xf32, #tpu.memory_space<vmem>> -> memref<4096xf32, #tpu.memory_space<vmem>>
      %dma_start3A_226 = tpu.memref_slice %arg4[%add3A_221] : memref<26214400xf32, #tpu.memory_space<hbm>> -> memref<4096xf32, #tpu.memory_space<hbm>>
      %dma_start3A_227 = tpu.memref_slice %arg4[%add3A_221] : memref<26214400xf32, #tpu.memory_space<hbm>> -> memref<4096xf32, #tpu.memory_space<hbm>>
      %dma_start3A_228 = arith.constant 4096 : i32
      %dma_start3A_229 = tpu.memref_slice %arg8[%dma_start3A_222, %dma_start3A_228] : memref<2x16384xf32, #tpu.memory_space<vmem>> -> memref<1x4096xf32, #tpu.memory_space<vmem>>
      %dma_start3A_230 = tpu.memref_squeeze %dma_start3A_229 : memref<1x4096xf32, #tpu.memory_space<vmem>> -> memref<4096xf32, #tpu.memory_space<vmem>>
      tpu.enqueue_dma source(%dma_start3A_230 : memref<4096xf32, #tpu.memory_space<vmem>>) target(%dma_start3A_227 : memref<4096xf32, #tpu.memory_space<hbm>>) target_semaphore(%arg11 : memref<!tpu.dma_semaphore, #tpu.memory_space<semaphore_mem>>)
      %mul3A_231 = arith.constant 524288 : i32
      %mul3A_232 = arith.muli %add3A_167, %mul3A_231 : i32
      %add3A_233 = arith.constant 262144 : i32
      %add3A_234 = arith.addi %mul3A_232, %add3A_233 : i32
      %mul3A_235 = arith.constant 4096 : i32
      %mul3A_236 = arith.muli %add3A, %mul3A_235 : i32
      %add3A_237 = arith.addi %add3A_234, %mul3A_236 : i32
      %dma_start3A_238 = arith.constant 0 : i32
      %dma_start3A_239 = arith.constant 8192 : i32
      %dma_start3A_240 = tpu.memref_slice %arg8[%dma_start3A_238, %dma_start3A_239] : memref<2x16384xf32, #tpu.memory_space<vmem>> -> memref<1x4096xf32, #tpu.memory_space<vmem>>
      %dma_start3A_241 = tpu.memref_squeeze %dma_start3A_240 : memref<1x4096xf32, #tpu.memory_space<vmem>> -> memref<4096xf32, #tpu.memory_space<vmem>>
      %dma_start3A_242 = tpu.memref_slice %arg4[%add3A_237] : memref<26214400xf32, #tpu.memory_space<hbm>> -> memref<4096xf32, #tpu.memory_space<hbm>>
      %dma_start3A_243 = tpu.memref_slice %arg4[%add3A_237] : memref<26214400xf32, #tpu.memory_space<hbm>> -> memref<4096xf32, #tpu.memory_space<hbm>>
      %dma_start3A_244 = arith.constant 8192 : i32
      %dma_start3A_245 = tpu.memref_slice %arg8[%dma_start3A_238, %dma_start3A_244] : memref<2x16384xf32, #tpu.memory_space<vmem>> -> memref<1x4096xf32, #tpu.memory_space<vmem>>
      %dma_start3A_246 = tpu.memref_squeeze %dma_start3A_245 : memref<1x4096xf32, #tpu.memory_space<vmem>> -> memref<4096xf32, #tpu.memory_space<vmem>>
      tpu.enqueue_dma source(%dma_start3A_246 : memref<4096xf32, #tpu.memory_space<vmem>>) target(%dma_start3A_243 : memref<4096xf32, #tpu.memory_space<hbm>>) target_semaphore(%arg11 : memref<!tpu.dma_semaphore, #tpu.memory_space<semaphore_mem>>)
      %mul3A_247 = arith.constant 524288 : i32
      %mul3A_248 = arith.muli %add3A_167, %mul3A_247 : i32
      %add3A_249 = arith.constant 393216 : i32
      %add3A_250 = arith.addi %mul3A_248, %add3A_249 : i32
      %mul3A_251 = arith.constant 4096 : i32
      %mul3A_252 = arith.muli %add3A, %mul3A_251 : i32
      %add3A_253 = arith.addi %add3A_250, %mul3A_252 : i32
      %dma_start3A_254 = arith.constant 0 : i32
      %dma_start3A_255 = arith.constant 12288 : i32
      %dma_start3A_256 = tpu.memref_slice %arg8[%dma_start3A_254, %dma_start3A_255] : memref<2x16384xf32, #tpu.memory_space<vmem>> -> memref<1x4096xf32, #tpu.memory_space<vmem>>
      %dma_start3A_257 = tpu.memref_squeeze %dma_start3A_256 : memref<1x4096xf32, #tpu.memory_space<vmem>> -> memref<4096xf32, #tpu.memory_space<vmem>>
      %dma_start3A_258 = tpu.memref_slice %arg4[%add3A_253] : memref<26214400xf32, #tpu.memory_space<hbm>> -> memref<4096xf32, #tpu.memory_space<hbm>>
      %dma_start3A_259 = tpu.memref_slice %arg4[%add3A_253] : memref<26214400xf32, #tpu.memory_space<hbm>> -> memref<4096xf32, #tpu.memory_space<hbm>>
      %dma_start3A_260 = arith.constant 12288 : i32
      %dma_start3A_261 = tpu.memref_slice %arg8[%dma_start3A_254, %dma_start3A_260] : memref<2x16384xf32, #tpu.memory_space<vmem>> -> memref<1x4096xf32, #tpu.memory_space<vmem>>
      %dma_start3A_262 = tpu.memref_squeeze %dma_start3A_261 : memref<1x4096xf32, #tpu.memory_space<vmem>> -> memref<4096xf32, #tpu.memory_space<vmem>>
      tpu.enqueue_dma source(%dma_start3A_262 : memref<4096xf32, #tpu.memory_space<vmem>>) target(%dma_start3A_259 : memref<4096xf32, #tpu.memory_space<hbm>>) target_semaphore(%arg11 : memref<!tpu.dma_semaphore, #tpu.memory_space<semaphore_mem>>)
      %add3A_263 = arith.constant 1 : i32
      %add3A_264 = arith.addi %add3A_165, %add3A_263 : i32
      %mul3A_265 = arith.constant 512 : i32
      %mul3A_266 = arith.muli %add3A_264, %mul3A_265 : i32
      %dma_wait3A_267 = arith.constant 1 : i32
      %dma_wait3A_268 = arith.constant 0 : i32
      %dma_wait3A_269 = arith.constant 0 : i32
      %dma_wait3A_270 = tpu.memref_slice %arg7[%dma_wait3A_267, %dma_wait3A_268, %dma_wait3A_269] : memref<2x512x32xf32, #tpu.memory_space<vmem>> -> memref<1x512x32xf32, #tpu.memory_space<vmem>>
      %dma_wait3A_271 = tpu.memref_squeeze %dma_wait3A_270 : memref<1x512x32xf32, #tpu.memory_space<vmem>> -> memref<512x32xf32, #tpu.memory_space<vmem>>
      %dma_wait3A_272 = tpu.memref_slice %arg6[%mul3A_266] : memref<25600xi32, #tpu.memory_space<vmem>> -> memref<512xi32, #tpu.memory_space<vmem>>
      %dma_wait3A_273 = arith.constant 0 : i32
      %dma_wait3A_274 = arith.constant 0 : i32
      %dma_wait3A_275 = tpu.memref_slice %arg3[%dma_wait3A_273, %dma_wait3A_274] : memref<1000000x32xf32, #tpu.memory_space<hbm>> -> memref<1000000x32xf32, #tpu.memory_space<hbm>>
      tpu.wait_indirect_dma semaphore(%arg10 : memref<!tpu.dma_semaphore, #tpu.memory_space<semaphore_mem>>) src(%dma_wait3A_275 : memref<1000000x32xf32, #tpu.memory_space<hbm>>) dst(%dma_wait3A_271 : memref<512x32xf32, #tpu.memory_space<vmem>>)
      %add3A_276 = arith.constant 1 : i32
      %add3A_277 = arith.addi %add3A_264, %add3A_276 : i32
      %lt3A_278 = arith.constant 50 : i32
      %lt3A_279 = arith.cmpi slt, %add3A_277, %lt3A_278 : i32
      %convert_element_type3A_280 = arith.extui %lt3A_279 : i1 to i32
      %cond3A_281 = arith.constant 0 : i32
      %cond3A_282 = arith.cmpi ne, %convert_element_type3A_280, %cond3A_281 : i32
      scf.if %cond3A_282 {
        %add3A_364 = arith.constant 1 : i32
        %add3A_365 = arith.addi %add3A_264, %add3A_364 : i32
        %mul3A_366 = arith.constant 512 : i32
        %mul3A_367 = arith.muli %add3A_365, %mul3A_366 : i32
        %dma_start3A_368 = arith.constant 0 : i32
        %dma_start3A_369 = arith.constant 0 : i32
        %dma_start3A_370 = arith.constant 0 : i32
        %dma_start3A_371 = tpu.memref_slice %arg7[%dma_start3A_368, %dma_start3A_369, %dma_start3A_370] : memref<2x512x32xf32, #tpu.memory_space<vmem>> -> memref<1x512x32xf32, #tpu.memory_space<vmem>>
        %dma_start3A_372 = tpu.memref_squeeze %dma_start3A_371 : memref<1x512x32xf32, #tpu.memory_space<vmem>> -> memref<512x32xf32, #tpu.memory_space<vmem>>
        %dma_start3A_373 = tpu.memref_slice %arg6[%mul3A_367] : memref<25600xi32, #tpu.memory_space<vmem>> -> memref<512xi32, #tpu.memory_space<vmem>>
        %dma_start3A_374 = arith.constant 0 : i32
        %dma_start3A_375 = arith.constant 0 : i32
        %dma_start3A_376 = tpu.memref_slice %arg3[%dma_start3A_374, %dma_start3A_375] : memref<1000000x32xf32, #tpu.memory_space<hbm>> -> memref<1000000x32xf32, #tpu.memory_space<hbm>>
        tpu.enqueue_indirect_dma source(%dma_start3A_376 : memref<1000000x32xf32, #tpu.memory_space<hbm>>) target(%dma_start3A_372 : memref<512x32xf32, #tpu.memory_space<vmem>>) offsets(%dma_start3A_373 : memref<512xi32, #tpu.memory_space<vmem>>) semaphore(%arg9 : memref<!tpu.dma_semaphore, #tpu.memory_space<semaphore_mem>>)
      } else {
      }
      %ge3A_283 = arith.constant 2 : i32
      %ge3A_284 = arith.cmpi sge, %add3A_264, %ge3A_283 : i32
      %convert_element_type3A_285 = arith.extui %ge3A_284 : i1 to i32
      %cond3A_286 = arith.constant 0 : i32
      %cond3A_287 = arith.cmpi ne, %convert_element_type3A_285, %cond3A_286 : i32
      scf.if %cond3A_287 {
        %dma_wait3A_364 = arith.constant 1 : i32
        %dma_wait3A_365 = arith.constant 0 : i32
        %dma_wait3A_366 = tpu.memref_slice %arg8[%dma_wait3A_364, %dma_wait3A_365] : memref<2x16384xf32, #tpu.memory_space<vmem>> -> memref<1x4096xf32, #tpu.memory_space<vmem>>
        %dma_wait3A_367 = tpu.memref_squeeze %dma_wait3A_366 : memref<1x4096xf32, #tpu.memory_space<vmem>> -> memref<4096xf32, #tpu.memory_space<vmem>>
        %dma_wait3A_368 = arith.constant 0 : i32
        %dma_wait3A_369 = tpu.memref_slice %arg4[%dma_wait3A_368] : memref<26214400xf32, #tpu.memory_space<hbm>> -> memref<4096xf32, #tpu.memory_space<hbm>>
        %dma_wait3A_370 = arith.constant 0 : i32
        %dma_wait3A_371 = tpu.memref_slice %arg4[%dma_wait3A_370] : memref<26214400xf32, #tpu.memory_space<hbm>> -> memref<4096xf32, #tpu.memory_space<hbm>>
        %dma_wait3A_372 = arith.constant 0 : i32
        %dma_wait3A_373 = tpu.memref_slice %arg8[%dma_wait3A_364, %dma_wait3A_372] : memref<2x16384xf32, #tpu.memory_space<vmem>> -> memref<1x4096xf32, #tpu.memory_space<vmem>>
        %dma_wait3A_374 = tpu.memref_squeeze %dma_wait3A_373 : memref<1x4096xf32, #tpu.memory_space<vmem>> -> memref<4096xf32, #tpu.memory_space<vmem>>
        tpu.wait_dma2 semaphore(%arg12 : memref<!tpu.dma_semaphore, #tpu.memory_space<semaphore_mem>>) src(%dma_wait3A_374 : memref<4096xf32, #tpu.memory_space<vmem>>) dst(%dma_wait3A_371 : memref<4096xf32, #tpu.memory_space<hbm>>)
        %dma_wait3A_375 = arith.constant 1 : i32
        %dma_wait3A_376 = arith.constant 4096 : i32
        %dma_wait3A_377 = tpu.memref_slice %arg8[%dma_wait3A_375, %dma_wait3A_376] : memref<2x16384xf32, #tpu.memory_space<vmem>> -> memref<1x4096xf32, #tpu.memory_space<vmem>>
        %dma_wait3A_378 = tpu.memref_squeeze %dma_wait3A_377 : memref<1x4096xf32, #tpu.memory_space<vmem>> -> memref<4096xf32, #tpu.memory_space<vmem>>
        %dma_wait3A_379 = arith.constant 0 : i32
        %dma_wait3A_380 = tpu.memref_slice %arg4[%dma_wait3A_379] : memref<26214400xf32, #tpu.memory_space<hbm>> -> memref<4096xf32, #tpu.memory_space<hbm>>
        %dma_wait3A_381 = arith.constant 0 : i32
        %dma_wait3A_382 = tpu.memref_slice %arg4[%dma_wait3A_381] : memref<26214400xf32, #tpu.memory_space<hbm>> -> memref<4096xf32, #tpu.memory_space<hbm>>
        %dma_wait3A_383 = arith.constant 4096 : i32
        %dma_wait3A_384 = tpu.memref_slice %arg8[%dma_wait3A_375, %dma_wait3A_383] : memref<2x16384xf32, #tpu.memory_space<vmem>> -> memref<1x4096xf32, #tpu.memory_space<vmem>>
        %dma_wait3A_385 = tpu.memref_squeeze %dma_wait3A_384 : memref<1x4096xf32, #tpu.memory_space<vmem>> -> memref<4096xf32, #tpu.memory_space<vmem>>
        tpu.wait_dma2 semaphore(%arg12 : memref<!tpu.dma_semaphore, #tpu.memory_space<semaphore_mem>>) src(%dma_wait3A_385 : memref<4096xf32, #tpu.memory_space<vmem>>) dst(%dma_wait3A_382 : memref<4096xf32, #tpu.memory_space<hbm>>)
        %dma_wait3A_386 = arith.constant 1 : i32
        %dma_wait3A_387 = arith.constant 8192 : i32
        %dma_wait3A_388 = tpu.memref_slice %arg8[%dma_wait3A_386, %dma_wait3A_387] : memref<2x16384xf32, #tpu.memory_space<vmem>> -> memref<1x4096xf32, #tpu.memory_space<vmem>>
        %dma_wait3A_389 = tpu.memref_squeeze %dma_wait3A_388 : memref<1x4096xf32, #tpu.memory_space<vmem>> -> memref<4096xf32, #tpu.memory_space<vmem>>
        %dma_wait3A_390 = arith.constant 0 : i32
        %dma_wait3A_391 = tpu.memref_slice %arg4[%dma_wait3A_390] : memref<26214400xf32, #tpu.memory_space<hbm>> -> memref<4096xf32, #tpu.memory_space<hbm>>
        %dma_wait3A_392 = arith.constant 0 : i32
        %dma_wait3A_393 = tpu.memref_slice %arg4[%dma_wait3A_392] : memref<26214400xf32, #tpu.memory_space<hbm>> -> memref<4096xf32, #tpu.memory_space<hbm>>
        %dma_wait3A_394 = arith.constant 8192 : i32
        %dma_wait3A_395 = tpu.memref_slice %arg8[%dma_wait3A_386, %dma_wait3A_394] : memref<2x16384xf32, #tpu.memory_space<vmem>> -> memref<1x4096xf32, #tpu.memory_space<vmem>>
        %dma_wait3A_396 = tpu.memref_squeeze %dma_wait3A_395 : memref<1x4096xf32, #tpu.memory_space<vmem>> -> memref<4096xf32, #tpu.memory_space<vmem>>
        tpu.wait_dma2 semaphore(%arg12 : memref<!tpu.dma_semaphore, #tpu.memory_space<semaphore_mem>>) src(%dma_wait3A_396 : memref<4096xf32, #tpu.memory_space<vmem>>) dst(%dma_wait3A_393 : memref<4096xf32, #tpu.memory_space<hbm>>)
        %dma_wait3A_397 = arith.constant 1 : i32
        %dma_wait3A_398 = arith.constant 12288 : i32
        %dma_wait3A_399 = tpu.memref_slice %arg8[%dma_wait3A_397, %dma_wait3A_398] : memref<2x16384xf32, #tpu.memory_space<vmem>> -> memref<1x4096xf32, #tpu.memory_space<vmem>>
        %dma_wait3A_400 = tpu.memref_squeeze %dma_wait3A_399 : memref<1x4096xf32, #tpu.memory_space<vmem>> -> memref<4096xf32, #tpu.memory_space<vmem>>
        %dma_wait3A_401 = arith.constant 0 : i32
        %dma_wait3A_402 = tpu.memref_slice %arg4[%dma_wait3A_401] : memref<26214400xf32, #tpu.memory_space<hbm>> -> memref<4096xf32, #tpu.memory_space<hbm>>
        %dma_wait3A_403 = arith.constant 0 : i32
        %dma_wait3A_404 = tpu.memref_slice %arg4[%dma_wait3A_403] : memref<26214400xf32, #tpu.memory_space<hbm>> -> memref<4096xf32, #tpu.memory_space<hbm>>
        %dma_wait3A_405 = arith.constant 12288 : i32
        %dma_wait3A_406 = tpu.memref_slice %arg8[%dma_wait3A_397, %dma_wait3A_405] : memref<2x16384xf32, #tpu.memory_space<vmem>> -> memref<1x4096xf32, #tpu.memory_space<vmem>>
        %dma_wait3A_407 = tpu.memref_squeeze %dma_wait3A_406 : memref<1x4096xf32, #tpu.memory_space<vmem>> -> memref<4096xf32, #tpu.memory_space<vmem>>
        tpu.wait_dma2 semaphore(%arg12 : memref<!tpu.dma_semaphore, #tpu.memory_space<semaphore_mem>>) src(%dma_wait3A_407 : memref<4096xf32, #tpu.memory_space<vmem>>) dst(%dma_wait3A_404 : memref<4096xf32, #tpu.memory_space<hbm>>)
      } else {
      }
      %parallel_loop3A_288 = arith.constant 0 : i32
      %parallel_loop3A_289 = arith.constant 128 : i32
      %parallel_loop3A_290 = arith.constant 1 : i32
      scf.for %parallel_loop3A_364 = %parallel_loop3A_288 to %parallel_loop3A_289 step %parallel_loop3A_290  : i32 {
        %parallel_loop3A_365 = arith.constant 0 : i32
        %parallel_loop3A_366 = arith.addi %parallel_loop3A_365, %parallel_loop3A_364 : i32
        %parallel_loop3A_367 = arith.constant 0 : i32
        %parallel_loop3A_368 = arith.addi %parallel_loop3A_367, %parallel_loop3A_364 : i32
        %parallel_loop3A_369 = vector.broadcast %parallel_loop3A_368 : i32 to vector<16xi32>
        %parallel_loop3A_370 = arith.addi %add3A_52, %parallel_loop3A_369 : vector<16xi32>
        %parallel_loop3A_371 = arith.constant 1 : i32
        %parallel_loop3A_372 = arith.index_cast %parallel_loop3A_371 : i32 to index
        %parallel_loop3A_373 = arith.index_cast %parallel_loop3A_366 : i32 to index
        %parallel_loop3A_374 = arith.constant 0 : index
        %parallel_loop3A_375 = tpu.vector_load %arg7[%parallel_loop3A_372, %parallel_loop3A_373, %parallel_loop3A_374] {strides = array<i32>} : memref<2x512x32xf32, #tpu.memory_space<vmem>>, vector<16xf32>,
        %parallel_loop3A_376 = arith.constant 1 : i32
        %parallel_loop3A_377 = arith.constant 0 : i32
        %parallel_loop3A_378 = tpu.memref_slice %arg8[%parallel_loop3A_376, %parallel_loop3A_377] : memref<2x16384xf32, #tpu.memory_space<vmem>> -> memref<1x16384xf32, #tpu.memory_space<vmem>>
        %parallel_loop3A_379 = tpu.memref_squeeze %parallel_loop3A_378 : memref<1x16384xf32, #tpu.memory_space<vmem>> -> memref<16384xf32, #tpu.memory_space<vmem>>
        tpu.vector_store_idx %parallel_loop3A_379[%parallel_loop3A_370], %parallel_loop3A_375 : memref<16384xf32, #tpu.memory_space<vmem>>[vector<16xi32>], vector<16xf32>,
        %parallel_loop3A_380 = vector.broadcast %parallel_loop3A_368 : i32 to vector<16xi32>
        %parallel_loop3A_381 = arith.addi %add3A_55, %parallel_loop3A_380 : vector<16xi32>
        %parallel_loop3A_382 = arith.constant 1 : i32
        %parallel_loop3A_383 = arith.index_cast %parallel_loop3A_382 : i32 to index
        %parallel_loop3A_384 = arith.index_cast %parallel_loop3A_366 : i32 to index
        %parallel_loop3A_385 = arith.constant 16 : index
        %parallel_loop3A_386 = tpu.vector_load %arg7[%parallel_loop3A_383, %parallel_loop3A_384, %parallel_loop3A_385] {strides = array<i32>} : memref<2x512x32xf32, #tpu.memory_space<vmem>>, vector<16xf32>,
        %parallel_loop3A_387 = arith.constant 1 : i32
        %parallel_loop3A_388 = arith.constant 0 : i32
        %parallel_loop3A_389 = tpu.memref_slice %arg8[%parallel_loop3A_387, %parallel_loop3A_388] : memref<2x16384xf32, #tpu.memory_space<vmem>> -> memref<1x16384xf32, #tpu.memory_space<vmem>>
        %parallel_loop3A_390 = tpu.memref_squeeze %parallel_loop3A_389 : memref<1x16384xf32, #tpu.memory_space<vmem>> -> memref<16384xf32, #tpu.memory_space<vmem>>
        tpu.vector_store_idx %parallel_loop3A_390[%parallel_loop3A_381], %parallel_loop3A_386 : memref<16384xf32, #tpu.memory_space<vmem>>[vector<16xi32>], vector<16xf32>,
      } {sc.loop_unroll_factor = 16 : i64, sc.parallel_access}
      %parallel_loop3A_291 = arith.constant 0 : i32
      %parallel_loop3A_292 = arith.constant 128 : i32
      %parallel_loop3A_293 = arith.constant 1 : i32
      scf.for %parallel_loop3A_364 = %parallel_loop3A_291 to %parallel_loop3A_292 step %parallel_loop3A_293  : i32 {
        %parallel_loop3A_365 = arith.constant 128 : i32
        %parallel_loop3A_366 = arith.addi %parallel_loop3A_365, %parallel_loop3A_364 : i32
        %parallel_loop3A_367 = arith.constant 1024 : i32
        %parallel_loop3A_368 = arith.addi %parallel_loop3A_367, %parallel_loop3A_364 : i32
        %parallel_loop3A_369 = vector.broadcast %parallel_loop3A_368 : i32 to vector<16xi32>
        %parallel_loop3A_370 = arith.addi %add3A_52, %parallel_loop3A_369 : vector<16xi32>
        %parallel_loop3A_371 = arith.constant 1 : i32
        %parallel_loop3A_372 = arith.index_cast %parallel_loop3A_371 : i32 to index
        %parallel_loop3A_373 = arith.index_cast %parallel_loop3A_366 : i32 to index
        %parallel_loop3A_374 = arith.constant 0 : index
        %parallel_loop3A_375 = tpu.vector_load %arg7[%parallel_loop3A_372, %parallel_loop3A_373, %parallel_loop3A_374] {strides = array<i32>} : memref<2x512x32xf32, #tpu.memory_space<vmem>>, vector<16xf32>,
        %parallel_loop3A_376 = arith.constant 1 : i32
        %parallel_loop3A_377 = arith.constant 0 : i32
        %parallel_loop3A_378 = tpu.memref_slice %arg8[%parallel_loop3A_376, %parallel_loop3A_377] : memref<2x16384xf32, #tpu.memory_space<vmem>> -> memref<1x16384xf32, #tpu.memory_space<vmem>>
        %parallel_loop3A_379 = tpu.memref_squeeze %parallel_loop3A_378 : memref<1x16384xf32, #tpu.memory_space<vmem>> -> memref<16384xf32, #tpu.memory_space<vmem>>
        tpu.vector_store_idx %parallel_loop3A_379[%parallel_loop3A_370], %parallel_loop3A_375 : memref<16384xf32, #tpu.memory_space<vmem>>[vector<16xi32>], vector<16xf32>,
        %parallel_loop3A_380 = vector.broadcast %parallel_loop3A_368 : i32 to vector<16xi32>
        %parallel_loop3A_381 = arith.addi %add3A_55, %parallel_loop3A_380 : vector<16xi32>
        %parallel_loop3A_382 = arith.constant 1 : i32
        %parallel_loop3A_383 = arith.index_cast %parallel_loop3A_382 : i32 to index
        %parallel_loop3A_384 = arith.index_cast %parallel_loop3A_366 : i32 to index
        %parallel_loop3A_385 = arith.constant 16 : index
        %parallel_loop3A_386 = tpu.vector_load %arg7[%parallel_loop3A_383, %parallel_loop3A_384, %parallel_loop3A_385] {strides = array<i32>} : memref<2x512x32xf32, #tpu.memory_space<vmem>>, vector<16xf32>,
        %parallel_loop3A_387 = arith.constant 1 : i32
        %parallel_loop3A_388 = arith.constant 0 : i32
        %parallel_loop3A_389 = tpu.memref_slice %arg8[%parallel_loop3A_387, %parallel_loop3A_388] : memref<2x16384xf32, #tpu.memory_space<vmem>> -> memref<1x16384xf32, #tpu.memory_space<vmem>>
        %parallel_loop3A_390 = tpu.memref_squeeze %parallel_loop3A_389 : memref<1x16384xf32, #tpu.memory_space<vmem>> -> memref<16384xf32, #tpu.memory_space<vmem>>
        tpu.vector_store_idx %parallel_loop3A_390[%parallel_loop3A_381], %parallel_loop3A_386 : memref<16384xf32, #tpu.memory_space<vmem>>[vector<16xi32>], vector<16xf32>,
      } {sc.loop_unroll_factor = 16 : i64, sc.parallel_access}
      %parallel_loop3A_294 = arith.constant 0 : i32
      %parallel_loop3A_295 = arith.constant 128 : i32
      %parallel_loop3A_296 = arith.constant 1 : i32
      scf.for %parallel_loop3A_364 = %parallel_loop3A_294 to %parallel_loop3A_295 step %parallel_loop3A_296  : i32 {
        %parallel_loop3A_365 = arith.constant 256 : i32
        %parallel_loop3A_366 = arith.addi %parallel_loop3A_365, %parallel_loop3A_364 : i32
        %parallel_loop3A_367 = arith.constant 2048 : i32
        %parallel_loop3A_368 = arith.addi %parallel_loop3A_367, %parallel_loop3A_364 : i32
        %parallel_loop3A_369 = vector.broadcast %parallel_loop3A_368 : i32 to vector<16xi32>
        %parallel_loop3A_370 = arith.addi %add3A_52, %parallel_loop3A_369 : vector<16xi32>
        %parallel_loop3A_371 = arith.constant 1 : i32
        %parallel_loop3A_372 = arith.index_cast %parallel_loop3A_371 : i32 to index
        %parallel_loop3A_373 = arith.index_cast %parallel_loop3A_366 : i32 to index
        %parallel_loop3A_374 = arith.constant 0 : index
        %parallel_loop3A_375 = tpu.vector_load %arg7[%parallel_loop3A_372, %parallel_loop3A_373, %parallel_loop3A_374] {strides = array<i32>} : memref<2x512x32xf32, #tpu.memory_space<vmem>>, vector<16xf32>,
        %parallel_loop3A_376 = arith.constant 1 : i32
        %parallel_loop3A_377 = arith.constant 0 : i32
        %parallel_loop3A_378 = tpu.memref_slice %arg8[%parallel_loop3A_376, %parallel_loop3A_377] : memref<2x16384xf32, #tpu.memory_space<vmem>> -> memref<1x16384xf32, #tpu.memory_space<vmem>>
        %parallel_loop3A_379 = tpu.memref_squeeze %parallel_loop3A_378 : memref<1x16384xf32, #tpu.memory_space<vmem>> -> memref<16384xf32, #tpu.memory_space<vmem>>
        tpu.vector_store_idx %parallel_loop3A_379[%parallel_loop3A_370], %parallel_loop3A_375 : memref<16384xf32, #tpu.memory_space<vmem>>[vector<16xi32>], vector<16xf32>,
        %parallel_loop3A_380 = vector.broadcast %parallel_loop3A_368 : i32 to vector<16xi32>
        %parallel_loop3A_381 = arith.addi %add3A_55, %parallel_loop3A_380 : vector<16xi32>
        %parallel_loop3A_382 = arith.constant 1 : i32
        %parallel_loop3A_383 = arith.index_cast %parallel_loop3A_382 : i32 to index
        %parallel_loop3A_384 = arith.index_cast %parallel_loop3A_366 : i32 to index
        %parallel_loop3A_385 = arith.constant 16 : index
        %parallel_loop3A_386 = tpu.vector_load %arg7[%parallel_loop3A_383, %parallel_loop3A_384, %parallel_loop3A_385] {strides = array<i32>} : memref<2x512x32xf32, #tpu.memory_space<vmem>>, vector<16xf32>,
        %parallel_loop3A_387 = arith.constant 1 : i32
        %parallel_loop3A_388 = arith.constant 0 : i32
        %parallel_loop3A_389 = tpu.memref_slice %arg8[%parallel_loop3A_387, %parallel_loop3A_388] : memref<2x16384xf32, #tpu.memory_space<vmem>> -> memref<1x16384xf32, #tpu.memory_space<vmem>>
        %parallel_loop3A_390 = tpu.memref_squeeze %parallel_loop3A_389 : memref<1x16384xf32, #tpu.memory_space<vmem>> -> memref<16384xf32, #tpu.memory_space<vmem>>
        tpu.vector_store_idx %parallel_loop3A_390[%parallel_loop3A_381], %parallel_loop3A_386 : memref<16384xf32, #tpu.memory_space<vmem>>[vector<16xi32>], vector<16xf32>,
      } {sc.loop_unroll_factor = 16 : i64, sc.parallel_access}
      %parallel_loop3A_297 = arith.constant 0 : i32
      %parallel_loop3A_298 = arith.constant 128 : i32
      %parallel_loop3A_299 = arith.constant 1 : i32
      scf.for %parallel_loop3A_364 = %parallel_loop3A_297 to %parallel_loop3A_298 step %parallel_loop3A_299  : i32 {
        %parallel_loop3A_365 = arith.constant 384 : i32
        %parallel_loop3A_366 = arith.addi %parallel_loop3A_365, %parallel_loop3A_364 : i32
        %parallel_loop3A_367 = arith.constant 3072 : i32
        %parallel_loop3A_368 = arith.addi %parallel_loop3A_367, %parallel_loop3A_364 : i32
        %parallel_loop3A_369 = vector.broadcast %parallel_loop3A_368 : i32 to vector<16xi32>
        %parallel_loop3A_370 = arith.addi %add3A_52, %parallel_loop3A_369 : vector<16xi32>
        %parallel_loop3A_371 = arith.constant 1 : i32
        %parallel_loop3A_372 = arith.index_cast %parallel_loop3A_371 : i32 to index
        %parallel_loop3A_373 = arith.index_cast %parallel_loop3A_366 : i32 to index
        %parallel_loop3A_374 = arith.constant 0 : index
        %parallel_loop3A_375 = tpu.vector_load %arg7[%parallel_loop3A_372, %parallel_loop3A_373, %parallel_loop3A_374] {strides = array<i32>} : memref<2x512x32xf32, #tpu.memory_space<vmem>>, vector<16xf32>,
        %parallel_loop3A_376 = arith.constant 1 : i32
        %parallel_loop3A_377 = arith.constant 0 : i32
        %parallel_loop3A_378 = tpu.memref_slice %arg8[%parallel_loop3A_376, %parallel_loop3A_377] : memref<2x16384xf32, #tpu.memory_space<vmem>> -> memref<1x16384xf32, #tpu.memory_space<vmem>>
        %parallel_loop3A_379 = tpu.memref_squeeze %parallel_loop3A_378 : memref<1x16384xf32, #tpu.memory_space<vmem>> -> memref<16384xf32, #tpu.memory_space<vmem>>
        tpu.vector_store_idx %parallel_loop3A_379[%parallel_loop3A_370], %parallel_loop3A_375 : memref<16384xf32, #tpu.memory_space<vmem>>[vector<16xi32>], vector<16xf32>,
        %parallel_loop3A_380 = vector.broadcast %parallel_loop3A_368 : i32 to vector<16xi32>
        %parallel_loop3A_381 = arith.addi %add3A_55, %parallel_loop3A_380 : vector<16xi32>
        %parallel_loop3A_382 = arith.constant 1 : i32
        %parallel_loop3A_383 = arith.index_cast %parallel_loop3A_382 : i32 to index
        %parallel_loop3A_384 = arith.index_cast %parallel_loop3A_366 : i32 to index
        %parallel_loop3A_385 = arith.constant 16 : index
        %parallel_loop3A_386 = tpu.vector_load %arg7[%parallel_loop3A_383, %parallel_loop3A_384, %parallel_loop3A_385] {strides = array<i32>} : memref<2x512x32xf32, #tpu.memory_space<vmem>>, vector<16xf32>,
        %parallel_loop3A_387 = arith.constant 1 : i32
        %parallel_loop3A_388 = arith.constant 0 : i32
        %parallel_loop3A_389 = tpu.memref_slice %arg8[%parallel_loop3A_387, %parallel_loop3A_388] : memref<2x16384xf32, #tpu.memory_space<vmem>> -> memref<1x16384xf32, #tpu.memory_space<vmem>>
        %parallel_loop3A_390 = tpu.memref_squeeze %parallel_loop3A_389 : memref<1x16384xf32, #tpu.memory_space<vmem>> -> memref<16384xf32, #tpu.memory_space<vmem>>
        tpu.vector_store_idx %parallel_loop3A_390[%parallel_loop3A_381], %parallel_loop3A_386 : memref<16384xf32, #tpu.memory_space<vmem>>[vector<16xi32>], vector<16xf32>,
      } {sc.loop_unroll_factor = 16 : i64, sc.parallel_access}
      %mul3A_300 = arith.constant 524288 : i32
      %mul3A_301 = arith.muli %add3A_264, %mul3A_300 : i32
      %add3A_302 = arith.constant 0 : i32
      %add3A_303 = arith.addi %mul3A_301, %add3A_302 : i32
      %mul3A_304 = arith.constant 4096 : i32
      %mul3A_305 = arith.muli %add3A, %mul3A_304 : i32
      %add3A_306 = arith.addi %add3A_303, %mul3A_305 : i32
      %dma_start3A_307 = arith.constant 1 : i32
      %dma_start3A_308 = arith.constant 0 : i32
      %dma_start3A_309 = tpu.memref_slice %arg8[%dma_start3A_307, %dma_start3A_308] : memref<2x16384xf32, #tpu.memory_space<vmem>> -> memref<1x4096xf32, #tpu.memory_space<vmem>>
      %dma_start3A_310 = tpu.memref_squeeze %dma_start3A_309 : memref<1x4096xf32, #tpu.memory_space<vmem>> -> memref<4096xf32, #tpu.memory_space<vmem>>
      %dma_start3A_311 = tpu.memref_slice %arg4[%add3A_306] : memref<26214400xf32, #tpu.memory_space<hbm>> -> memref<4096xf32, #tpu.memory_space<hbm>>
      %dma_start3A_312 = tpu.memref_slice %arg4[%add3A_306] : memref<26214400xf32, #tpu.memory_space<hbm>> -> memref<4096xf32, #tpu.memory_space<hbm>>
      %dma_start3A_313 = arith.constant 0 : i32
      %dma_start3A_314 = tpu.memref_slice %arg8[%dma_start3A_307, %dma_start3A_313] : memref<2x16384xf32, #tpu.memory_space<vmem>> -> memref<1x4096xf32, #tpu.memory_space<vmem>>
      %dma_start3A_315 = tpu.memref_squeeze %dma_start3A_314 : memref<1x4096xf32, #tpu.memory_space<vmem>> -> memref<4096xf32, #tpu.memory_space<vmem>>
      tpu.enqueue_dma source(%dma_start3A_315 : memref<4096xf32, #tpu.memory_space<vmem>>) target(%dma_start3A_312 : memref<4096xf32, #tpu.memory_space<hbm>>) target_semaphore(%arg12 : memref<!tpu.dma_semaphore, #tpu.memory_space<semaphore_mem>>)
      %mul3A_316 = arith.constant 524288 : i32
      %mul3A_317 = arith.muli %add3A_264, %mul3A_316 : i32
      %add3A_318 = arith.constant 131072 : i32
      %add3A_319 = arith.addi %mul3A_317, %add3A_318 : i32
      %mul3A_320 = arith.constant 4096 : i32
      %mul3A_321 = arith.muli %add3A, %mul3A_320 : i32
      %add3A_322 = arith.addi %add3A_319, %mul3A_321 : i32
      %dma_start3A_323 = arith.constant 1 : i32
      %dma_start3A_324 = arith.constant 4096 : i32
      %dma_start3A_325 = tpu.memref_slice %arg8[%dma_start3A_323, %dma_start3A_324] : memref<2x16384xf32, #tpu.memory_space<vmem>> -> memref<1x4096xf32, #tpu.memory_space<vmem>>
      %dma_start3A_326 = tpu.memref_squeeze %dma_start3A_325 : memref<1x4096xf32, #tpu.memory_space<vmem>> -> memref<4096xf32, #tpu.memory_space<vmem>>
      %dma_start3A_327 = tpu.memref_slice %arg4[%add3A_322] : memref<26214400xf32, #tpu.memory_space<hbm>> -> memref<4096xf32, #tpu.memory_space<hbm>>
      %dma_start3A_328 = tpu.memref_slice %arg4[%add3A_322] : memref<26214400xf32, #tpu.memory_space<hbm>> -> memref<4096xf32, #tpu.memory_space<hbm>>
      %dma_start3A_329 = arith.constant 4096 : i32
      %dma_start3A_330 = tpu.memref_slice %arg8[%dma_start3A_323, %dma_start3A_329] : memref<2x16384xf32, #tpu.memory_space<vmem>> -> memref<1x4096xf32, #tpu.memory_space<vmem>>
      %dma_start3A_331 = tpu.memref_squeeze %dma_start3A_330 : memref<1x4096xf32, #tpu.memory_space<vmem>> -> memref<4096xf32, #tpu.memory_space<vmem>>
      tpu.enqueue_dma source(%dma_start3A_331 : memref<4096xf32, #tpu.memory_space<vmem>>) target(%dma_start3A_328 : memref<4096xf32, #tpu.memory_space<hbm>>) target_semaphore(%arg12 : memref<!tpu.dma_semaphore, #tpu.memory_space<semaphore_mem>>)
      %mul3A_332 = arith.constant 524288 : i32
      %mul3A_333 = arith.muli %add3A_264, %mul3A_332 : i32
      %add3A_334 = arith.constant 262144 : i32
      %add3A_335 = arith.addi %mul3A_333, %add3A_334 : i32
      %mul3A_336 = arith.constant 4096 : i32
      %mul3A_337 = arith.muli %add3A, %mul3A_336 : i32
      %add3A_338 = arith.addi %add3A_335, %mul3A_337 : i32
      %dma_start3A_339 = arith.constant 1 : i32
      %dma_start3A_340 = arith.constant 8192 : i32
      %dma_start3A_341 = tpu.memref_slice %arg8[%dma_start3A_339, %dma_start3A_340] : memref<2x16384xf32, #tpu.memory_space<vmem>> -> memref<1x4096xf32, #tpu.memory_space<vmem>>
      %dma_start3A_342 = tpu.memref_squeeze %dma_start3A_341 : memref<1x4096xf32, #tpu.memory_space<vmem>> -> memref<4096xf32, #tpu.memory_space<vmem>>
      %dma_start3A_343 = tpu.memref_slice %arg4[%add3A_338] : memref<26214400xf32, #tpu.memory_space<hbm>> -> memref<4096xf32, #tpu.memory_space<hbm>>
      %dma_start3A_344 = tpu.memref_slice %arg4[%add3A_338] : memref<26214400xf32, #tpu.memory_space<hbm>> -> memref<4096xf32, #tpu.memory_space<hbm>>
      %dma_start3A_345 = arith.constant 8192 : i32
      %dma_start3A_346 = tpu.memref_slice %arg8[%dma_start3A_339, %dma_start3A_345] : memref<2x16384xf32, #tpu.memory_space<vmem>> -> memref<1x4096xf32, #tpu.memory_space<vmem>>
      %dma_start3A_347 = tpu.memref_squeeze %dma_start3A_346 : memref<1x4096xf32, #tpu.memory_space<vmem>> -> memref<4096xf32, #tpu.memory_space<vmem>>
      tpu.enqueue_dma source(%dma_start3A_347 : memref<4096xf32, #tpu.memory_space<vmem>>) target(%dma_start3A_344 : memref<4096xf32, #tpu.memory_space<hbm>>) target_semaphore(%arg12 : memref<!tpu.dma_semaphore, #tpu.memory_space<semaphore_mem>>)
      %mul3A_348 = arith.constant 524288 : i32
      %mul3A_349 = arith.muli %add3A_264, %mul3A_348 : i32
      %add3A_350 = arith.constant 393216 : i32
      %add3A_351 = arith.addi %mul3A_349, %add3A_350 : i32
      %mul3A_352 = arith.constant 4096 : i32
      %mul3A_353 = arith.muli %add3A, %mul3A_352 : i32
      %add3A_354 = arith.addi %add3A_351, %mul3A_353 : i32
      %dma_start3A_355 = arith.constant 1 : i32
      %dma_start3A_356 = arith.constant 12288 : i32
      %dma_start3A_357 = tpu.memref_slice %arg8[%dma_start3A_355, %dma_start3A_356] : memref<2x16384xf32, #tpu.memory_space<vmem>> -> memref<1x4096xf32, #tpu.memory_space<vmem>>
      %dma_start3A_358 = tpu.memref_squeeze %dma_start3A_357 : memref<1x4096xf32, #tpu.memory_space<vmem>> -> memref<4096xf32, #tpu.memory_space<vmem>>
      %dma_start3A_359 = tpu.memref_slice %arg4[%add3A_354] : memref<26214400xf32, #tpu.memory_space<hbm>> -> memref<4096xf32, #tpu.memory_space<hbm>>
      %dma_start3A_360 = tpu.memref_slice %arg4[%add3A_354] : memref<26214400xf32, #tpu.memory_space<hbm>> -> memref<4096xf32, #tpu.memory_space<hbm>>
      %dma_start3A_361 = arith.constant 12288 : i32
      %dma_start3A_362 = tpu.memref_slice %arg8[%dma_start3A_355, %dma_start3A_361] : memref<2x16384xf32, #tpu.memory_space<vmem>> -> memref<1x4096xf32, #tpu.memory_space<vmem>>
      %dma_start3A_363 = tpu.memref_squeeze %dma_start3A_362 : memref<1x4096xf32, #tpu.memory_space<vmem>> -> memref<4096xf32, #tpu.memory_space<vmem>>
      tpu.enqueue_dma source(%dma_start3A_363 : memref<4096xf32, #tpu.memory_space<vmem>>) target(%dma_start3A_360 : memref<4096xf32, #tpu.memory_space<hbm>>) target_semaphore(%arg12 : memref<!tpu.dma_semaphore, #tpu.memory_space<semaphore_mem>>)
    }
    %scan3A_73 = arith.constant 25 : i32
    %dma_wait3A = arith.constant 0 : i32
    %dma_wait3A_74 = arith.constant 0 : i32
    %dma_wait3A_75 = tpu.memref_slice %arg8[%dma_wait3A, %dma_wait3A_74] : memref<2x16384xf32, #tpu.memory_space<vmem>> -> memref<1x4096xf32, #tpu.memory_space<vmem>>
    %dma_wait3A_76 = tpu.memref_squeeze %dma_wait3A_75 : memref<1x4096xf32, #tpu.memory_space<vmem>> -> memref<4096xf32, #tpu.memory_space<vmem>>
    %dma_wait3A_77 = arith.constant 0 : i32
    %dma_wait3A_78 = tpu.memref_slice %arg4[%dma_wait3A_77] : memref<26214400xf32, #tpu.memory_space<hbm>> -> memref<4096xf32, #tpu.memory_space<hbm>>
    %dma_wait3A_79 = arith.constant 0 : i32
    %dma_wait3A_80 = tpu.memref_slice %arg4[%dma_wait3A_79] : memref<26214400xf32, #tpu.memory_space<hbm>> -> memref<4096xf32, #tpu.memory_space<hbm>>
    %dma_wait3A_81 = arith.constant 0 : i32
    %dma_wait3A_82 = tpu.memref_slice %arg8[%dma_wait3A, %dma_wait3A_81] : memref<2x16384xf32, #tpu.memory_space<vmem>> -> memref<1x4096xf32, #tpu.memory_space<vmem>>
    %dma_wait3A_83 = tpu.memref_squeeze %dma_wait3A_82 : memref<1x4096xf32, #tpu.memory_space<vmem>> -> memref<4096xf32, #tpu.memory_space<vmem>>
    tpu.wait_dma2 semaphore(%arg11 : memref<!tpu.dma_semaphore, #tpu.memory_space<semaphore_mem>>) src(%dma_wait3A_83 : memref<4096xf32, #tpu.memory_space<vmem>>) dst(%dma_wait3A_80 : memref<4096xf32, #tpu.memory_space<hbm>>)
    %dma_wait3A_84 = arith.constant 0 : i32
    %dma_wait3A_85 = arith.constant 4096 : i32
    %dma_wait3A_86 = tpu.memref_slice %arg8[%dma_wait3A_84, %dma_wait3A_85] : memref<2x16384xf32, #tpu.memory_space<vmem>> -> memref<1x4096xf32, #tpu.memory_space<vmem>>
    %dma_wait3A_87 = tpu.memref_squeeze %dma_wait3A_86 : memref<1x4096xf32, #tpu.memory_space<vmem>> -> memref<4096xf32, #tpu.memory_space<vmem>>
    %dma_wait3A_88 = arith.constant 0 : i32
    %dma_wait3A_89 = tpu.memref_slice %arg4[%dma_wait3A_88] : memref<26214400xf32, #tpu.memory_space<hbm>> -> memref<4096xf32, #tpu.memory_space<hbm>>
    %dma_wait3A_90 = arith.constant 0 : i32
    %dma_wait3A_91 = tpu.memref_slice %arg4[%dma_wait3A_90] : memref<26214400xf32, #tpu.memory_space<hbm>> -> memref<4096xf32, #tpu.memory_space<hbm>>
    %dma_wait3A_92 = arith.constant 4096 : i32
    %dma_wait3A_93 = tpu.memref_slice %arg8[%dma_wait3A_84, %dma_wait3A_92] : memref<2x16384xf32, #tpu.memory_space<vmem>> -> memref<1x4096xf32, #tpu.memory_space<vmem>>
    %dma_wait3A_94 = tpu.memref_squeeze %dma_wait3A_93 : memref<1x4096xf32, #tpu.memory_space<vmem>> -> memref<4096xf32, #tpu.memory_space<vmem>>
    tpu.wait_dma2 semaphore(%arg11 : memref<!tpu.dma_semaphore, #tpu.memory_space<semaphore_mem>>) src(%dma_wait3A_94 : memref<4096xf32, #tpu.memory_space<vmem>>) dst(%dma_wait3A_91 : memref<4096xf32, #tpu.memory_space<hbm>>)
    %dma_wait3A_95 = arith.constant 0 : i32
    %dma_wait3A_96 = arith.constant 8192 : i32
    %dma_wait3A_97 = tpu.memref_slice %arg8[%dma_wait3A_95, %dma_wait3A_96] : memref<2x16384xf32, #tpu.memory_space<vmem>> -> memref<1x4096xf32, #tpu.memory_space<vmem>>
    %dma_wait3A_98 = tpu.memref_squeeze %dma_wait3A_97 : memref<1x4096xf32, #tpu.memory_space<vmem>> -> memref<4096xf32, #tpu.memory_space<vmem>>
    %dma_wait3A_99 = arith.constant 0 : i32
    %dma_wait3A_100 = tpu.memref_slice %arg4[%dma_wait3A_99] : memref<26214400xf32, #tpu.memory_space<hbm>> -> memref<4096xf32, #tpu.memory_space<hbm>>
    %dma_wait3A_101 = arith.constant 0 : i32
    %dma_wait3A_102 = tpu.memref_slice %arg4[%dma_wait3A_101] : memref<26214400xf32, #tpu.memory_space<hbm>> -> memref<4096xf32, #tpu.memory_space<hbm>>
    %dma_wait3A_103 = arith.constant 8192 : i32
    %dma_wait3A_104 = tpu.memref_slice %arg8[%dma_wait3A_95, %dma_wait3A_103] : memref<2x16384xf32, #tpu.memory_space<vmem>> -> memref<1x4096xf32, #tpu.memory_space<vmem>>
    %dma_wait3A_105 = tpu.memref_squeeze %dma_wait3A_104 : memref<1x4096xf32, #tpu.memory_space<vmem>> -> memref<4096xf32, #tpu.memory_space<vmem>>
    tpu.wait_dma2 semaphore(%arg11 : memref<!tpu.dma_semaphore, #tpu.memory_space<semaphore_mem>>) src(%dma_wait3A_105 : memref<4096xf32, #tpu.memory_space<vmem>>) dst(%dma_wait3A_102 : memref<4096xf32, #tpu.memory_space<hbm>>)
    %dma_wait3A_106 = arith.constant 0 : i32
    %dma_wait3A_107 = arith.constant 12288 : i32
    %dma_wait3A_108 = tpu.memref_slice %arg8[%dma_wait3A_106, %dma_wait3A_107] : memref<2x16384xf32, #tpu.memory_space<vmem>> -> memref<1x4096xf32, #tpu.memory_space<vmem>>
    %dma_wait3A_109 = tpu.memref_squeeze %dma_wait3A_108 : memref<1x4096xf32, #tpu.memory_space<vmem>> -> memref<4096xf32, #tpu.memory_space<vmem>>
    %dma_wait3A_110 = arith.constant 0 : i32
    %dma_wait3A_111 = tpu.memref_slice %arg4[%dma_wait3A_110] : memref<26214400xf32, #tpu.memory_space<hbm>> -> memref<4096xf32, #tpu.memory_space<hbm>>
    %dma_wait3A_112 = arith.constant 0 : i32
    %dma_wait3A_113 = tpu.memref_slice %arg4[%dma_wait3A_112] : memref<26214400xf32, #tpu.memory_space<hbm>> -> memref<4096xf32, #tpu.memory_space<hbm>>
    %dma_wait3A_114 = arith.constant 12288 : i32
    %dma_wait3A_115 = tpu.memref_slice %arg8[%dma_wait3A_106, %dma_wait3A_114] : memref<2x16384xf32, #tpu.memory_space<vmem>> -> memref<1x4096xf32, #tpu.memory_space<vmem>>
    %dma_wait3A_116 = tpu.memref_squeeze %dma_wait3A_115 : memref<1x4096xf32, #tpu.memory_space<vmem>> -> memref<4096xf32, #tpu.memory_space<vmem>>
    tpu.wait_dma2 semaphore(%arg11 : memref<!tpu.dma_semaphore, #tpu.memory_space<semaphore_mem>>) src(%dma_wait3A_116 : memref<4096xf32, #tpu.memory_space<vmem>>) dst(%dma_wait3A_113 : memref<4096xf32, #tpu.memory_space<hbm>>)
    %dma_wait3A_117 = arith.constant 1 : i32
    %dma_wait3A_118 = arith.constant 0 : i32
    %dma_wait3A_119 = tpu.memref_slice %arg8[%dma_wait3A_117, %dma_wait3A_118] : memref<2x16384xf32, #tpu.memory_space<vmem>> -> memref<1x4096xf32, #tpu.memory_space<vmem>>
    %dma_wait3A_120 = tpu.memref_squeeze %dma_wait3A_119 : memref<1x4096xf32, #tpu.memory_space<vmem>> -> memref<4096xf32, #tpu.memory_space<vmem>>
    %dma_wait3A_121 = arith.constant 0 : i32
    %dma_wait3A_122 = tpu.memref_slice %arg4[%dma_wait3A_121] : memref<26214400xf32, #tpu.memory_space<hbm>> -> memref<4096xf32, #tpu.memory_space<hbm>>
    %dma_wait3A_123 = arith.constant 0 : i32
    %dma_wait3A_124 = tpu.memref_slice %arg4[%dma_wait3A_123] : memref<26214400xf32, #tpu.memory_space<hbm>> -> memref<4096xf32, #tpu.memory_space<hbm>>
    %dma_wait3A_125 = arith.constant 0 : i32
    %dma_wait3A_126 = tpu.memref_slice %arg8[%dma_wait3A_117, %dma_wait3A_125] : memref<2x16384xf32, #tpu.memory_space<vmem>> -> memref<1x4096xf32, #tpu.memory_space<vmem>>
    %dma_wait3A_127 = tpu.memref_squeeze %dma_wait3A_126 : memref<1x4096xf32, #tpu.memory_space<vmem>> -> memref<4096xf32, #tpu.memory_space<vmem>>
    tpu.wait_dma2 semaphore(%arg12 : memref<!tpu.dma_semaphore, #tpu.memory_space<semaphore_mem>>) src(%dma_wait3A_127 : memref<4096xf32, #tpu.memory_space<vmem>>) dst(%dma_wait3A_124 : memref<4096xf32, #tpu.memory_space<hbm>>)
    %dma_wait3A_128 = arith.constant 1 : i32
    %dma_wait3A_129 = arith.constant 4096 : i32
    %dma_wait3A_130 = tpu.memref_slice %arg8[%dma_wait3A_128, %dma_wait3A_129] : memref<2x16384xf32, #tpu.memory_space<vmem>> -> memref<1x4096xf32, #tpu.memory_space<vmem>>
    %dma_wait3A_131 = tpu.memref_squeeze %dma_wait3A_130 : memref<1x4096xf32, #tpu.memory_space<vmem>> -> memref<4096xf32, #tpu.memory_space<vmem>>
    %dma_wait3A_132 = arith.constant 0 : i32
    %dma_wait3A_133 = tpu.memref_slice %arg4[%dma_wait3A_132] : memref<26214400xf32, #tpu.memory_space<hbm>> -> memref<4096xf32, #tpu.memory_space<hbm>>
    %dma_wait3A_134 = arith.constant 0 : i32
    %dma_wait3A_135 = tpu.memref_slice %arg4[%dma_wait3A_134] : memref<26214400xf32, #tpu.memory_space<hbm>> -> memref<4096xf32, #tpu.memory_space<hbm>>
    %dma_wait3A_136 = arith.constant 4096 : i32
    %dma_wait3A_137 = tpu.memref_slice %arg8[%dma_wait3A_128, %dma_wait3A_136] : memref<2x16384xf32, #tpu.memory_space<vmem>> -> memref<1x4096xf32, #tpu.memory_space<vmem>>
    %dma_wait3A_138 = tpu.memref_squeeze %dma_wait3A_137 : memref<1x4096xf32, #tpu.memory_space<vmem>> -> memref<4096xf32, #tpu.memory_space<vmem>>
    tpu.wait_dma2 semaphore(%arg12 : memref<!tpu.dma_semaphore, #tpu.memory_space<semaphore_mem>>) src(%dma_wait3A_138 : memref<4096xf32, #tpu.memory_space<vmem>>) dst(%dma_wait3A_135 : memref<4096xf32, #tpu.memory_space<hbm>>)
    %dma_wait3A_139 = arith.constant 1 : i32
    %dma_wait3A_140 = arith.constant 8192 : i32
    %dma_wait3A_141 = tpu.memref_slice %arg8[%dma_wait3A_139, %dma_wait3A_140] : memref<2x16384xf32, #tpu.memory_space<vmem>> -> memref<1x4096xf32, #tpu.memory_space<vmem>>
    %dma_wait3A_142 = tpu.memref_squeeze %dma_wait3A_141 : memref<1x4096xf32, #tpu.memory_space<vmem>> -> memref<4096xf32, #tpu.memory_space<vmem>>
    %dma_wait3A_143 = arith.constant 0 : i32
    %dma_wait3A_144 = tpu.memref_slice %arg4[%dma_wait3A_143] : memref<26214400xf32, #tpu.memory_space<hbm>> -> memref<4096xf32, #tpu.memory_space<hbm>>
    %dma_wait3A_145 = arith.constant 0 : i32
    %dma_wait3A_146 = tpu.memref_slice %arg4[%dma_wait3A_145] : memref<26214400xf32, #tpu.memory_space<hbm>> -> memref<4096xf32, #tpu.memory_space<hbm>>
    %dma_wait3A_147 = arith.constant 8192 : i32
    %dma_wait3A_148 = tpu.memref_slice %arg8[%dma_wait3A_139, %dma_wait3A_147] : memref<2x16384xf32, #tpu.memory_space<vmem>> -> memref<1x4096xf32, #tpu.memory_space<vmem>>
    %dma_wait3A_149 = tpu.memref_squeeze %dma_wait3A_148 : memref<1x4096xf32, #tpu.memory_space<vmem>> -> memref<4096xf32, #tpu.memory_space<vmem>>
    tpu.wait_dma2 semaphore(%arg12 : memref<!tpu.dma_semaphore, #tpu.memory_space<semaphore_mem>>) src(%dma_wait3A_149 : memref<4096xf32, #tpu.memory_space<vmem>>) dst(%dma_wait3A_146 : memref<4096xf32, #tpu.memory_space<hbm>>)
    %dma_wait3A_150 = arith.constant 1 : i32
    %dma_wait3A_151 = arith.constant 12288 : i32
    %dma_wait3A_152 = tpu.memref_slice %arg8[%dma_wait3A_150, %dma_wait3A_151] : memref<2x16384xf32, #tpu.memory_space<vmem>> -> memref<1x4096xf32, #tpu.memory_space<vmem>>
    %dma_wait3A_153 = tpu.memref_squeeze %dma_wait3A_152 : memref<1x4096xf32, #tpu.memory_space<vmem>> -> memref<4096xf32, #tpu.memory_space<vmem>>
    %dma_wait3A_154 = arith.constant 0 : i32
    %dma_wait3A_155 = tpu.memref_slice %arg4[%dma_wait3A_154] : memref<26214400xf32, #tpu.memory_space<hbm>> -> memref<4096xf32, #tpu.memory_space<hbm>>
    %dma_wait3A_156 = arith.constant 0 : i32
    %dma_wait3A_157 = tpu.memref_slice %arg4[%dma_wait3A_156] : memref<26214400xf32, #tpu.memory_space<hbm>> -> memref<4096xf32, #tpu.memory_space<hbm>>
    %dma_wait3A_158 = arith.constant 12288 : i32
    %dma_wait3A_159 = tpu.memref_slice %arg8[%dma_wait3A_150, %dma_wait3A_158] : memref<2x16384xf32, #tpu.memory_space<vmem>> -> memref<1x4096xf32, #tpu.memory_space<vmem>>
    %dma_wait3A_160 = tpu.memref_squeeze %dma_wait3A_159 : memref<1x4096xf32, #tpu.memory_space<vmem>> -> memref<4096xf32, #tpu.memory_space<vmem>>
    tpu.wait_dma2 semaphore(%arg12 : memref<!tpu.dma_semaphore, #tpu.memory_space<semaphore_mem>>) src(%dma_wait3A_160 : memref<4096xf32, #tpu.memory_space<vmem>>) dst(%dma_wait3A_157 : memref<4096xf32, #tpu.memory_space<hbm>>)
    return
  }
}

</mosaic_0001>

<sc_bundles>
// kernel: kernel.3.cloned.1.call-start
scs
__scs_entry_jumppad:
0x0: {  	(pc) =	sbr.rel $0x88, $3  }
0x1: {  	(tag) =	ssettag $0x0;
	lr =	simm.s32 $0x1  }
0x2: {  	[smem:$0x3F9F] =	sst lr;
	_ =	strace $0xD0000000  }
0x3: {  	_ = 	snop  }
0x4: {  	_ = 	snop  }
0x5: {  	_ = 	snop  }
0x6: {  	_ = 	snop  }
0x7: {  	_ = 	snop  }
__scs_overlays_trampoline_lowered:
0x8: {  	[smem:$0x3FAE] =	sst s0  }
0x9: {  	[smem:$0x3FAF] =	sst s1  }
0xa: {  	[smem:$0x3FB0] =	sst s2  }
0xb: {  	[smem:$0x3FB1] =	sst s3  }
0xc: {  	[smem:$0x3FB2] =	sst s4  }
0xd: {  	[smem:$0x3FB3] =	sst s5  }
0xe: {  	[smem:$0x3FB4] =	sst s6  }
0xf: {  	[smem:$0x3FB5] =	sst s7  }
0x10: {  	[smem:$0x3FB6] =	sst s8  }
0x11: {  	[smem:$0x3FB7] =	sst s9;
	s0 =	simm.s32 @!p0 $0x0  }
0x12: {  	s1 =	sld [smem:$0x3F9D];
	s0 =	simm.s32 @p0 $0x1  }
0x13: {  	[smem:$0x3FB8] =	sst s0;
	s0 =	simm.s32 @!p1 $0x0  }
0x14: {  	s2 =	sld [smem:$0x3F9C];
	s0 =	simm.s32 @p1 $0x1  }
0x15: {  	[smem:$0x3FB9] =	sst s0;
	s0 =	simm.s32 @!p2 $0x0  }
0x16: {  	s3 =	sld [smem:$0x3FDB];
	s0 =	simm.s32 @p2 $0x1  }
0x17: {  	s4 =	simm.s32 $0x1BF5;
	[smem:$0x3FBB] =	sst s0  }
0x18: {  	s0 =	sld [smem:$0x3F9E];
	_ =	swait.ge [sflag:s4], $0x0  }
0x19: {  	s7 =	sld [smem:$0x3F9F]  }
0x1a: {  	s8 =	sadd.s32 $0xFFFFE003, lr  }
0x1b: {  	s9 =	sadd.s32 $0xFFFFFEF7, lr;
	s5 =	simm.s32 $0xFFFFFFFF;
	p2 =	slt.u32 s8, $0xFFFFF086  }
0x1c: {  	p1 =	slt.u32 s9, $0xF7A;
	s5 =	simm.s32 @!p2 $0x0  }
0x1d: {  	s5 =	simm.s32 @p1 $0x1;
	p0 =	seq.s32 s7, s2  }
0x1e: {  	s7 =	smul.u32 @!p0 $0xF7A, s2;
	p2 =	seq.s32 @!p0 s5, $0x0  }
0x1f: {  	s9 =	smul.u32 $0xF7A, s1;
	s8 =	simm.s32 @!p0 $0x1BF5;
	p2 =	por !p2, p0  }
0x20: {  	[sflag:s8] =	ssyncset.s32 @!p0 $0xFFFFF086;
	s6 =	sadd.s32 @!p0 s3, s7;
	s7 =	simm.s32 @!p0 $0x108  }
0x21: {  	s3 =	sadd.s32 s3, s9;
	s6 =	sadd.s32 @!p0 $0x88, s6;
	s7 =	simm.s32 @p2 $0x1082  }
0x22: {  	[simem:s7], [sflag:s8] =	dma.local @!p0 [hbm:s6], $0xF7A  }
0x23: {  	s9 =	sor.u32 $0xD0000000, s2;
	s6 =	simm.s32 $0x108;
	_ =	swait.ge @!p0 [sflag:s8], $0x0  }
0x24: {  	s3 =	sadd.s32 $0x88, s3;
	s6 =	simm.s32 @!p1 $0x1082;
	[sflag:s4] =	ssyncset.s32 $0xFFFFF086  }
0x25: {  	[simem:s6], [sflag:s4] =	dma.local [hbm:s3], $0xF7A  }
0x26: {  	[smem:$0x3F9F] =	sst s1;
	(tag) =	ssettag s2;
	_ =	strace s9  }
0x27: {  	s1 =	sld [smem:$0x3FAF]  }
0x28: {  	s2 =	sld [smem:$0x3FB0]  }
0x29: {  	s4 =	sld [smem:$0x3FB2]  }
0x2a: {  	p0 =	seq.s32 s5, $0x0;
	s5 =	sld [smem:$0x3FB3]  }
0x2b: {  	s6 =	sld [smem:$0x3FB4]  }
0x2c: {  	s7 =	sld [smem:$0x3FB5]  }
0x2d: {  	s3 =	simm.s32 $0x108;
	s8 =	sld [smem:$0x3FB6]  }
0x2e: {  	s3 =	simm.s32 @!p0 $0x1082;
	s9 =	sld [smem:$0x3FB7]  }
0x2f: {  	lr =	sadd.s32 s0, s3;
	s0 =	sld [smem:$0x3FAE]  }
0x30: {  	s3 =	sld [smem:$0x3FB1]  }
0x31: {  	[smem:$0x3FBA] =	sst s10  }
0x32: {  	s10 =	sld [smem:$0x3FB8];
	_ =	sdelay $0x3  }
0x33: {  	p0 =	seq.s32 s10, $0x1;
	s10 =	sld [smem:$0x3FBA];
	_ =	sdelay $0x3  }
0x34: {  	[smem:$0x3FBA] =	sst s10  }
0x35: {  	s10 =	sld [smem:$0x3FB9];
	_ =	sdelay $0x3  }
0x36: {  	p1 =	seq.s32 s10, $0x1;
	s10 =	sld [smem:$0x3FBA];
	_ =	sdelay $0x3  }
0x37: {  	[smem:$0x3FBA] =	sst s10  }
0x38: {  	s10 =	sld [smem:$0x3FBB]  }
0x39: {  	_ = 	snop;
	(pc) =	sbr.ind lr, $3  }
0x3a: {  	_ = 	snop  }
0x3b: {  	_ = 	snop  }
0x3c: {  	p2 =	seq.s32 s10, $0x1;
	s10 =	sld [smem:$0x3FBA]  }
0x3d: {  	_ =	shalt  }
0x3e: {  	_ =	shalt  }
0x3f: {  	_ =	shalt  }
0x40: {  	_ =	shalt  }
0x41: {  	_ =	shalt  }
0x42: {  	_ =	shalt  }
0x43: {  	_ =	shalt  }
0x44: {  	_ =	shalt  }
0x45: {  	_ =	shalt  }
0x46: {  	_ =	shalt  }
0x47: {  	_ =	shalt  }
0x48: {  	_ =	shalt  }
0x49: {  	_ =	shalt  }
0x4a: {  	_ =	shalt  }
0x4b: {  	_ =	shalt  }
0x4c: {  	_ =	shalt  }
0x4d: {  	_ =	shalt  }
0x4e: {  	_ =	shalt  }
0x4f: {  	_ =	shalt  }
0x50: {  	_ =	shalt  }
0x51: {  	_ =	shalt  }
0x52: {  	_ =	shalt  }
0x53: {  	_ =	shalt  }
0x54: {  	_ =	shalt  }
0x55: {  	_ =	shalt  }
0x56: {  	_ =	shalt  }
0x57: {  	_ =	shalt  }
0x58: {  	_ =	shalt  }
0x59: {  	_ =	shalt  }
0x5a: {  	_ =	shalt  }
0x5b: {  	_ =	shalt  }
0x5c: {  	_ =	shalt  }
0x5d: {  	_ =	shalt  }
0x5e: {  	_ =	shalt  }
0x5f: {  	_ =	shalt  }
0x60: {  	_ =	shalt  }
0x61: {  	_ =	shalt  }
0x62: {  	_ =	shalt  }
0x63: {  	_ =	shalt  }
0x64: {  	_ =	shalt  }
0x65: {  	_ =	shalt  }
0x66: {  	_ =	shalt  }
0x67: {  	_ =	shalt  }
0x68: {  	_ =	shalt  }
0x69: {  	_ =	shalt  }
0x6a: {  	_ =	shalt  }
0x6b: {  	_ =	shalt  }
0x6c: {  	_ =	shalt  }
0x6d: {  	_ =	shalt  }
0x6e: {  	_ =	shalt  }
0x6f: {  	_ =	shalt  }
0x70: {  	_ =	shalt  }
0x71: {  	_ =	shalt  }
0x72: {  	_ =	shalt  }
0x73: {  	_ =	shalt  }
0x74: {  	_ =	shalt  }
0x75: {  	_ =	shalt  }
0x76: {  	_ =	shalt  }
0x77: {  	_ =	shalt  }
0x78: {  	_ =	shalt  }
0x79: {  	_ =	shalt  }
0x7a: {  	_ =	shalt  }
0x7b: {  	_ =	shalt  }
0x7c: {  	_ =	shalt  }
0x7d: {  	_ =	shalt  }
0x7e: {  	_ =	shalt  }
0x7f: {  	_ =	shalt  }
0x80: {  	_ =	shalt  }
0x81: {  	_ =	shalt  }
0x82: {  	_ =	shalt  }
0x83: {  	_ =	shalt  }
0x84: {  	_ =	shalt  }
0x85: {  	_ =	shalt  }
0x86: {  	_ =	shalt  }
0x87: {  	_ =	shalt  }
.Lfunc_end0:
.L_simem_size_0:
called_computation_lowered:
.L_overlay_start_0:
0x88: {  	s2 =	sld [smem:$0x3FD9]  }
0x89: {  	s3 =	sld [smem:$0x3FFE];
	_ =	sdelay $0x1  }
0x8a: {  	s1 =	srdreg.scid  }
0x8b: {  	s0 =	sand.u32 $0x1, s1  }
0x8c: {  	s17 =	sshll.u32 s0, $0xA;
	s2 =	sadd.s32 s3, s2  }
0x8d: {  	s2 =	sadd.s32 s2, s17  }
0x8e: {  	[smem:$0x3FC6] =	sst s2  }
0x8f: {  	_ = 	snop  }
0x90: {  	s2 =	sld [smem:$0x3FD0];
	(tm) =	ssettm $0x1  }
0x91: {  	s18 =	sld [smem:$0x3FFB];
	_ =	sdelay $0x3  }
0x92: {  	_ =	strace s18  }
0x93: {  	s3 =	sld [smem:$0x3FFC];
	_ =	sdelay $0x3  }
0x94: {  	_ =	strace s3  }
0x95: {  	s3 =	sld [smem:$0x3FFD];
	_ =	sdelay $0x3  }
0x96: {  	_ =	strace s3  }
0x97: {  	_ =	strace $0x8FFFFFFF  }
0x98: {  	s19 =	sld [smem:$0x3FDB];
	_ =	sdelay $0x1  }
0x99: {  	s4 =	simm.s32 $_scs_section_size  }
0x9a: {  	s5 =	simm.s32 $_size__tile_overlayer_lowered;
	s6 =	simm.s32 $_tile_overlayer_lowered  }
0x9b: {  	s22 =	simm.s32 $0x1BFF;
	s21 =	sshll.u32 s6, $0x1;
	s3 =	sadd.s32 s4, s19  }
0x9c: {  	s7 =	simm.s32 $0x0;
	s20 =	sshll.u32 s5, $0x1;
	s5 =	sadd.s32 s21, s3  }
0x9d: {  	[timem:s7], [sflag:s22] =	dma.local [hbm:s5], s20  }
0x9e: {  	_ =	swait.ge [sflag:s22], s20  }
0x9f: {  	s4 =	ssub.s32 $0x0, s20;
	[sflag:s22] =	ssyncset.done $0x0  }
0xa0: {  	[sflag:s22] =	ssyncadd.s32 s4;
	_ =	sdelay $0x1  }
0xa1: {  	s23 =	simm.s32 $0x1B8B  }
0xa2: {  	_ =	swait.ge [sflag:s23], $0x1  }
0xa3: {  	[sflag:s23] =	ssyncset.done $0x0  }
0xa4: {  	s25 =	simm.s32 $0x1B8E;
	s24 =	sld [smem:$0x3FFE];
	[sflag:s23] =	ssyncadd.s32 $0xFFFFFFFF  }
0xa5: {  	s26 =	simm.s32 $execute0_lowered;
	[smem:$0x3FD2] =	sst s25  }
0xa6: {  	s5 =	sshll.u32 s26, $0x1;
	_ =	strace $0x80000046;
	[dreg:$0x1] =	wrdreg $0xFFFFFFFF  }
0xa7: {  	s28 =	simm.s32 $_size_execute0_lowered;
	s3 =	sadd.s32 s3, s5;
	[dreg:$0x0] =	wrdreg $0x0  }
0xa8: {  	s5 =	sshll.u32 s28, $0x1;
	[dreg:$0x2] =	wrdreg s3  }
0xa9: {  	[dreg:$0x3] =	wrdreg s5  }
0xaa: {  	[dreg:$0x4] =	wrdreg $0xC0  }
0xab: {  	_ =	task [dreg:s7], $0x5FFFF  }
0xac: {  	[dreg:$0x1] =	wrdreg $0xFFFFFFFF  }
0xad: {  	[dreg:$0x0] =	wrdreg $0x60  }
0xae: {  	[dreg:$0x2] =	wrdreg s24  }
0xaf: {  	[dreg:$0x3] =	wrdreg s2  }
0xb0: {  	[dreg:$0x4] =	wrdreg $0x9  }
0xb1: {  	_ =	task.clear_ibuf [dreg:s7], $0x5FFFF;
	_ =	strace $0x90000046  }
0xb2: {  	s29 =	simm.s32 $0x9;
	_ =	strace $0x80000048  }
0xb3: {  	_ =	swait.ge [sflag:s29], $0x1  }
0xb4: {  	[sflag:s29] =	ssyncadd.s32 $0xFFFFFFFF  }
0xb5: {  	_ =	strace $0x90000048  }
0xb6: {  	_ =	sfence  }
0xb7: {  	s30 =	sld [smem:$0x0];
	_ =	sdelay $0x2  }
0xb8: {  	s31 =	sshll.u32 s1, $0xD;
	s1 =	sshrl.u32 s1, $0x2  }
0xb9: {  	s3 =	sand.u32 $0x4000, s31;
	s1 =	sadd.s32 s1, s30  }
0xba: {  	s0 =	sor.u32 s3, s0;
	s1 =	sshll.u32 s1, $0x11  }
0xbb: {  	s0 =	sor.u32 s1, s0  }
0xbc: {  	s0 =	sadd.s32 $0x8F2B, s0  }
0xbd: {  	[sflag:s0] =	ssyncadd.remote.s32 $0x1  }
0xbe: {  	_ =	sfence.sel $0xFFFF  }
0xbf: {  	[dreg:$0x0] =	wrdreg $0xFFFFFFFF;
	(pc) =	sbr.abs _section_cstart, $3  }
0xc0: {  	[dreg:$0x1] =	wrdreg $0xFFFFFFFF  }
0xc1: {  	_ =	task.clear_ibuf [dreg:s7], $0x2FFFF;
	_ =	strace $0x9FFFFFFF  }
0xc2: {  	(tm) =	ssettm $0x7FFFFFFF  }
0xc3: {  	_ =	shalt  }
tec
execute0_lowered:
.L_overlay_start_1:
0x0: {  	(tag) =	ssettag $0x1  }
0x1: {  	v0 =	vlaneseq.u32  }
0x2: {  	v1 =	vimm.s32 $0x1380;
	vm0 =	vcmask $0x300;
	v2 =	vimm.s32 $0x3380  }
0x3: {  	vm1 =	vcmask $0x704;
	v1 =	vsel vm0, $0x0, v1;
	v2 =	vsel vm0, $0x2000, v2  }
0x4: {  	vm15 =	vcmask $0xB08;
	v1 =	vsel vm1, $0x80, v1;
	v2 =	vsel vm1, $0x2080, v2  }
0x5: {  	vm4 =	vcmask $0xF0C;
	v1 =	vsel vm15, $0x100, v1;
	v2 =	vsel vm15, $0x2100, v2  }
0x6: {  	vm5 =	vcmask $0x1310;
	v1 =	vsel vm4, $0x180, v1;
	v2 =	vsel vm4, $0x2180, v2  }
0x7: {  	vm6 =	vcmask $0x1714;
	v1 =	vsel vm5, $0x200, v1;
	v2 =	vsel vm5, $0x2200, v2  }
0x8: {  	s0 =	rddreg [dreg:$0x0];
	s1 =	srdreg.scid;
	vm7 =	vcmask $0x1B18;
	v1 =	vsel vm6, $0x280, v1;
	v2 =	vsel vm6, $0x2280, v2  }
0x9: {  	s2 =	stileid.u32;
	s9 =	rddreg [dreg:$0x1];
	s3 =	simm.s32 $0x0;
	vm8 =	vcmask $0x1F1C;
	v1 =	vsel vm7, $0x300, v1;
	v2 =	vsel vm7, $0x2300, v2  }
0xa: {  	vm9 =	vcmask $0x2320;
	s17 =	simm.s32 $0x15400;
	s21 =	simm.s32 $0x2;
	s22 =	simm.s32 $0x19400;
	v1 =	vsel vm8, $0x380, v1;
	v2 =	vsel vm8, $0x2380, v2  }
0xb: {  	vm10 =	vcmask $0x2724;
	s28 =	simm.s32 $0x4;
	s1 =	sand.u32 $0x1, s1;
	s2 =	sshll.u32 s2, $0x1;
	v1 =	vsel vm9, $0x1000, v1;
	v2 =	vsel vm9, $0x3000, v2  }
0xc: {  	vm11 =	vcmask $0x2B28;
	[smem:$0x7FF] =	sst s3;
	s2 =	sor.u32 s1, s2;
	s1 =	ssub.s32 $0x2, s1;
	v1 =	vsel vm10, $0x1080, v1;
	v2 =	vsel vm10, $0x3080, v2  }
0xd: {  	vm12 =	vcmask $0x2F2C;
	s7 =	sadd.s32 $0x4000, s9;
	s4 =	smul.u32 $0xE00, s2;
	s5 =	sshrl.u32 s1, $0x1;
	v1 =	vsel vm11, $0x1100, v1;
	v2 =	vsel vm11, $0x3100, v2  }
0xe: {  	vm13 =	vcmask $0x3330;
	s8 =	sadd.s32 $0x8000, s9;
	s9 =	sadd.s32 $0xC000, s9;
	s30 =	ssub.s32 s1, s5;
	v1 =	vsel vm12, $0x1180, v1;
	v2 =	vsel vm12, $0x3180, v2  }
0xf: {  	vm14 =	vcmask $0x3734;
	s6 =	sadd.s32 s4, s0;
	s4 =	sadd.s32 $0xF42A00, s0;
	s0 =	smax.u32 s30, $0x1;
	v1 =	vsel vm13, $0x1200, v1;
	v2 =	vsel vm13, $0x3200, v2  }
0x10: {  	_ =	strace $0x80000047;
	vm15 =	vcmask $0x3B38;
	s31 =	sadd.s32 $0x600, s6;
	[dreg:$0x4] =	wrdreg s0;
	v1 =	vsel vm14, $0x1280, v1;
	v2 =	vsel vm14, $0x3280, v2  }
0x11: {  	v0 =	vmul.u32 $0x38, v0;
	s1 =	simm.s32 $0x0;
	s6 =	sshll.u32 s2, $0xC;
	[dreg:$0x3] =	wrdreg s31;
	v1 =	vsel vm15, $0x1300, v1;
	v2 =	vsel vm15, $0x3300, v2  }
.LBB2_1:
0x12: {  	[dreg:$0x5] =	wrdreg s1  }
0x13: {  	s0 =	rddreg [dreg:$0x3];
	s31 =	simm.s32 $0x5  }
0x14: {  	[tilespmem:s3], [sflag:$0x5] =	stream.linear.gather [hbm4b:s0+s3], $0x7000, $0x38;
	[tilespmem:$0x1D400] =	vst v63  }
0x15: {  	_ =	swait.ge [sflag:s31], $0x7000  }
0x16: {  	[sflag:s31] =	ssyncset.done $0x0  }
0x17: {  	s1 =	simm.s32 $0x0;
	s0 =	simm.s32 $0x7000;
	[sflag:s31] =	ssyncadd.s32 $0xFFFF9000  }
.LBB2_2:
0x18: {  	s2 =	simm.s32 $0x0  }
0x19: {  	v3 =	vmov s2  }
0x1a: {  	v3 =	vmul.u32 $0x38, v3  }
0x1b: {  	v4 =	vmov s1  }
0x1c: {  	v4 =	vand.u32 $0x3F, v4;
	v5 =	vbroadcast v3, $0x0  }
0x1d: {  	s30 =	simm.s32 $0x10;
	v3 =	vadd.s32 v0, v4  }
0x1e: {  	v4 =	vadd.s32 v5, v3;
	v5 =	vmov s30  }
0x1f: {  	v5 =	vmul.u32 $0x38, v5;
	_ =	sdelay $0x1  }
0x20: {  	v5 =	vbroadcast v5, $0x0  }
0x21: {  	s31 =	simm.s32 $0x20  }
0x22: {  	v6 =	vld.idx.msk [tilespmem:v4+s3+$0x0], $0xffff;
	v4 =	vadd.s32 v5, v3;
	v5 =	vmov s31  }
0x23: {  	v5 =	vmul.u32 $0x38, v5;
	_ =	sdelay $0x1  }
0x24: {  	v5 =	vbroadcast v5, $0x0;
	_ =	sdelay $0x1  }
0x25: {  	s5 =	smov.u32 s0;
	s2 =	simm.s32 $0x30;
	v4 =	vld.idx.msk [tilespmem:v4+s3+$0x0], $0xffff;
	[tilespmem:s0+$0x0] =	vst v6;
	v5 =	vadd.s32 v5, v3  }
.LBB2_3:
0x26: {  	v6 =	vmov s2;
	p0 =	sne.s32 s2, $0x1F0;
	s2 =	sadd.s32 $0x10, s2  }
.Ltmp0:
0x27: {  	v6 =	vmul.u32 $0x38, v6;
	(pc) =	sbr.rel @p0 .LBB2_3-.Ltmp0, $4  }
0x28: {  	_ = 	snop  }
0x29: {  	s5 =	sadd.s32 $0x10, s5;
	v6 =	vbroadcast v6, $0x0  }
0x2a: {  	[tilespmem:s5+$0x0] =	vst v4;
	v4 =	vld.idx.msk [tilespmem:v5+s3+$0x0], $0xffff  }
0x2b: {  	v5 =	vadd.s32 v6, v3  }
0x2c: {  	_ =	sdelay $0x2  }
0x2d: {  	s1 =	sadd.s32 $0x1, s1  }
0x2e: {  	v3 =	vld.idx.msk [tilespmem:v5+s3+$0x0], $0xffff;
	p0 =	sne.s32 s1, $0x32  }
.Ltmp1:
0x2f: {  	_ = 	snop;
	(pc) =	sbr.rel @p0 .LBB2_2-.Ltmp1, $4  }
0x30: {  	_ = 	snop  }
0x31: {  	s2 =	sadd.s32 $0x10, s5  }
0x32: {  	[tilespmem:s2+$0x0] =	vst v4;
	s2 =	sadd.s32 $0x10, s2  }
0x33: {  	s0 =	sadd.s32 $0x200, s0;
	[tilespmem:s2+$0x0] =	vst v3  }
0x34: {  	s0 =	simm.s32 $0x200  }
0x35: {  	s1 =	simm.s32 $0x7000;
	s2 =	simm.s32 $0xD400;
	s31 =	simm.s32 $0x0  }
0x36: {  	[tilespmem:s2], [sflag:$0x1] =	stream.indirect.gather [hbm4b:s4+s0], $0x20, s1, s0, $0xb8;
	[tilespmem:$0x1D400] =	vst v63  }
.LBB2_6:
0x37: {  	s1 =	sshllo.u32 s31, $0x1;
	s2 =	simm.s32 $0x1  }
0x38: {  	s23 =	simm.s32 $0x200;
	_ =	swait.ge [sflag:s2], $0x4000;
	s0 =	sshll.u32 s1, $0x9  }
0x39: {  	s5 =	simm.s32 $0x11400;
	[sflag:s2] =	ssyncset.done $0x0;
	s0 =	sand.u32 $0x3FFFFE00, s0  }
0x3a: {  	p0 =	seq.s32 s31, $0x0;
	[sflag:s2] =	ssyncadd.s32 $0xFFFFC000;
	s0 =	sadd.s32 $0x7000, s0  }
0x3b: {  	[tilespmem:s5], [sflag:$0x2] =	stream.indirect.gather [hbm4b:s4+s23], $0x20, s0, s23, $0xb8;
	[tilespmem:$0x1D400] =	vst v63  }
0x3c: {  	s0 =	simm.s32 @!p0 $0x3  }
0x3d: {  	_ =	swait.ge @!p0 [sflag:s0], $0x1000  }
0x3e: {  	[sflag:s0] =	ssyncset.done @!p0 $0x0  }
0x3f: {  	[sflag:s0] =	ssyncadd.s32 @!p0 $0xFFFFF000  }
0x40: {  	_ =	swait.ge @!p0 [sflag:s0], $0x1000  }
0x41: {  	[sflag:s0] =	ssyncset.done @!p0 $0x0  }
0x42: {  	[sflag:s0] =	ssyncadd.s32 @!p0 $0xFFFFF000  }
0x43: {  	_ =	swait.ge @!p0 [sflag:s0], $0x1000  }
0x44: {  	[sflag:s0] =	ssyncset.done @!p0 $0x0  }
0x45: {  	[sflag:s0] =	ssyncadd.s32 @!p0 $0xFFFFF000  }
0x46: {  	_ =	swait.ge @!p0 [sflag:s0], $0x1000  }
0x47: {  	[sflag:s0] =	ssyncset.done @!p0 $0x0  }
0x48: {  	s10 =	simm.s32 $0xD500;
	s24 =	simm.s32 $0xF;
	[sflag:s0] =	ssyncadd.s32 @!p0 $0xFFFFF000  }
0x49: {  	s25 =	simm.s32 $0x0;
	v3 =	vor.u32 s24, v1;
	v4 =	vld [tilespmem:s10+$0xE0]  }
0x4a: {  	s26 =	simm.s32 $0x1;
	v5 =	vor.u32 s25, v1;
	v6 =	vld [tilespmem:s10+$0xFFFFFF00]  }
0x4b: {  	s29 =	simm.s32 $0x2;
	v7 =	vor.u32 s26, v1;
	v8 =	vld [tilespmem:s10+$0xFFFFFF20]  }
0x4c: {  	s11 =	simm.s32 $0x3;
	v9 =	vor.u32 s29, v1;
	v10 =	vld [tilespmem:s10+$0xFFFFFF40]  }
0x4d: {  	s12 =	simm.s32 $0x4;
	v11 =	vor.u32 s11, v1;
	v12 =	vld [tilespmem:s10+$0xFFFFFF60]  }
0x4e: {  	s13 =	simm.s32 $0x5;
	v13 =	vor.u32 s12, v1;
	v14 =	vld [tilespmem:s10+$0xFFFFFF80];
	[tilespmem:v3+s17+$0x0] =	vst.idx.msk $0xffff, v4  }
0x4f: {  	s30 =	simm.s32 $0x6;
	[tilespmem:v5+s17+$0x0] =	vst.idx.msk $0xffff, v6;
	v5 =	vor.u32 s13, v1;
	v6 =	vld [tilespmem:s10+$0xFFFFFFA0]  }
0x50: {  	s14 =	simm.s32 $0x7;
	[tilespmem:v7+s17+$0x0] =	vst.idx.msk $0xffff, v8;
	v7 =	vor.u32 s30, v1;
	v8 =	vld [tilespmem:s10+$0xFFFFFFC0]  }
0x51: {  	[tilespmem:v9+s17+$0x0] =	vst.idx.msk $0xffff, v10;
	v9 =	vor.u32 s14, v1;
	v10 =	vld [tilespmem:s10+$0xFFFFFFE0]  }
0x52: {  	s15 =	simm.s32 $0x8;
	v3 =	vor.u32 s24, v2;
	[tilespmem:v11+s17+$0x0] =	vst.idx.msk $0xffff, v12;
	v4 =	vld [tilespmem:s10+$0xF0]  }
0x53: {  	s16 =	simm.s32 $0x9;
	[tilespmem:v13+s17+$0x0] =	vst.idx.msk $0xffff, v14;
	v11 =	vor.u32 s15, v1;
	v12 =	vld [tilespmem:s10+$0x0]  }
0x54: {  	s19 =	simm.s32 $0xB;
	v13 =	vor.u32 s16, v1;
	v14 =	vld [tilespmem:s10+$0x20];
	[tilespmem:v5+s17+$0x0] =	vst.idx.msk $0xffff, v6  }
0x55: {  	s20 =	simm.s32 $0xC;
	[tilespmem:v7+s17+$0x0] =	vst.idx.msk $0xffff, v8;
	v5 =	vor.u32 s19, v1;
	v6 =	vld [tilespmem:s10+$0x60]  }
0x56: {  	s18 =	simm.s32 $0xA;
	[tilespmem:v9+s17+$0x0] =	vst.idx.msk $0xffff, v10;
	v7 =	vor.u32 s20, v1;
	v8 =	vld [tilespmem:s10+$0x80]  }
0x57: {  	s23 =	simm.s32 $0xD;
	[tilespmem:v3+s17+$0x0] =	vst.idx.msk $0xffff, v4;
	v3 =	vor.u32 s18, v1;
	v4 =	vld [tilespmem:s10+$0x40]  }
0x58: {  	s24 =	simm.s32 $0xE;
	[tilespmem:v11+s17+$0x0] =	vst.idx.msk $0xffff, v12;
	v9 =	vor.u32 s23, v1;
	v10 =	vld [tilespmem:s10+$0xA0]  }
0x59: {  	[tilespmem:v13+s17+$0x0] =	vst.idx.msk $0xffff, v14;
	v11 =	vor.u32 s24, v1;
	v12 =	vld [tilespmem:s10+$0xC0]  }
0x5a: {  	v13 =	vor.u32 s26, v2;
	v14 =	vld [tilespmem:s10+$0xFFFFFF30];
	[tilespmem:v5+s17+$0x0] =	vst.idx.msk $0xffff, v6  }
0x5b: {  	v5 =	vor.u32 s11, v2;
	v6 =	vld [tilespmem:s10+$0xFFFFFF70];
	[tilespmem:v7+s17+$0x0] =	vst.idx.msk $0xffff, v8  }
0x5c: {  	[tilespmem:v3+s17+$0x0] =	vst.idx.msk $0xffff, v4;
	v3 =	vor.u32 s29, v2;
	v4 =	vld [tilespmem:s10+$0xFFFFFF50]  }
0x5d: {  	v7 =	vor.u32 s12, v2;
	v8 =	vld [tilespmem:s10+$0xFFFFFF90];
	[tilespmem:v9+s17+$0x0] =	vst.idx.msk $0xffff, v10  }
0x5e: {  	v9 =	vor.u32 s13, v2;
	v10 =	vld [tilespmem:s10+$0xFFFFFFB0];
	[tilespmem:v11+s17+$0x0] =	vst.idx.msk $0xffff, v12  }
0x5f: {  	[tilespmem:v13+s17+$0x0] =	vst.idx.msk $0xffff, v14;
	v11 =	vor.u32 s30, v2;
	v12 =	vld [tilespmem:s10+$0xFFFFFFD0]  }
0x60: {  	v14 =	vor.u32 s18, v2;
	v15 =	vld [tilespmem:s10+$0x50];
	[tilespmem:v5+s17+$0x0] =	vst.idx.msk $0xffff, v6  }
0x61: {  	[tilespmem:v3+s17+$0x0] =	vst.idx.msk $0xffff, v4;
	v3 =	vor.u32 s14, v2;
	v4 =	vld [tilespmem:s10+$0xFFFFFFF0]  }
0x62: {  	v5 =	vor.u32 s15, v2;
	v6 =	vld [tilespmem:s10+$0x10];
	[tilespmem:v7+s17+$0x0] =	vst.idx.msk $0xffff, v8  }
0x63: {  	v13 =	vld [tilespmem:s10+$0x30];
	v7 =	vor.u32 s16, v2;
	[tilespmem:v9+s17+$0x0] =	vst.idx.msk $0xffff, v10  }
0x64: {  	[tilespmem:v11+s17+$0x0] =	vst.idx.msk $0xffff, v12;
	v11 =	vld [tilespmem:s10+$0x70];
	v12 =	vor.u32 s19, v2  }
0x65: {  	v8 =	vld [tilespmem:s10+$0x90];
	v10 =	vor.u32 s20, v2;
	[tilespmem:v14+s17+$0x0] =	vst.idx.msk $0xffff, v15  }
0x66: {  	v9 =	vor.u32 s23, v2;
	[tilespmem:v3+s17+$0x0] =	vst.idx.msk $0xffff, v4;
	v4 =	vld [tilespmem:s10+$0xB0]  }
0x67: {  	s5 =	simm.s32 $0x20;
	[tilespmem:v5+s17+$0x0] =	vst.idx.msk $0xffff, v6;
	v5 =	vld [tilespmem:s10+$0xD0];
	v6 =	vor.u32 s24, v2  }
0x68: {  	s0 =	simm.s32 $0x10;
	s18 =	simm.s32 $0x1F;
	s13 =	simm.s32 $0xD700;
	[tilespmem:v7+s17+$0x0] =	vst.idx.msk $0xffff, v13;
	v7 =	vld [tilespmem:s10+$0xFFFFFF10];
	v3 =	vor.u32 s25, v2  }
.LBB2_7:
0x69: {  	p0 =	slt.u32 s5, $0x70;
	v13 =	vor.u32 s18, v1;
	v14 =	vld [tilespmem:s13+$0xE0];
	[tilespmem:v12+s17+$0x0] =	vst.idx.msk $0xffff, v11;
	s14 =	smov.u32 s0;
	s0 =	smov.u32 s5  }
0x6a: {  	v11 =	vor.u32 s14, v1;
	v12 =	vld [tilespmem:s13+$0xFFFFFF00];
	s10 =	sadd.s32 $0x1, s14;
	[tilespmem:v10+s17+$0x0] =	vst.idx.msk $0xffff, v8  }
0x6b: {  	s11 =	sadd.s32 $0x2, s14;
	v8 =	vor.u32 s10, v1;
	v10 =	vld [tilespmem:s13+$0xFFFFFF20];
	[tilespmem:v9+s17+$0x0] =	vst.idx.msk $0xffff, v4  }
0x6c: {  	s16 =	sadd.s32 $0x3, s14;
	v4 =	vor.u32 s11, v1;
	v9 =	vld [tilespmem:s13+$0xFFFFFF40];
	[tilespmem:v6+s17+$0x0] =	vst.idx.msk $0xffff, v5  }
0x6d: {  	s19 =	sadd.s32 $0x4, s14;
	v5 =	vor.u32 s16, v1;
	v6 =	vld [tilespmem:s13+$0xFFFFFF60];
	[tilespmem:v3+s17+$0x0] =	vst.idx.msk $0xffff, v7  }
0x6e: {  	v3 =	vor.u32 s19, v1;
	v7 =	vld [tilespmem:s13+$0xFFFFFF80];
	[tilespmem:v13+s17+$0x0] =	vst.idx.msk $0xffff, v14  }
0x6f: {  	s20 =	sadd.s32 $0x5, s14;
	[tilespmem:v11+s17+$0x0] =	vst.idx.msk $0xffff, v12;
	v11 =	vor.u32 s18, v2;
	v12 =	vld [tilespmem:s13+$0xF0]  }
0x70: {  	s12 =	sadd.s32 $0x6, s14;
	[tilespmem:v8+s17+$0x0] =	vst.idx.msk $0xffff, v10;
	v8 =	vor.u32 s20, v1;
	v10 =	vld [tilespmem:s13+$0xFFFFFFA0]  }
0x71: {  	s18 =	sadd.s32 $0x7, s14;
	[tilespmem:v4+s17+$0x0] =	vst.idx.msk $0xffff, v9;
	v4 =	vor.u32 s12, v1;
	v9 =	vld [tilespmem:s13+$0xFFFFFFC0]  }
0x72: {  	s2 =	sadd.s32 $0x8, s14;
	[tilespmem:v5+s17+$0x0] =	vst.idx.msk $0xffff, v6;
	v5 =	vor.u32 s18, v1;
	v6 =	vld [tilespmem:s13+$0xFFFFFFE0]  }
0x73: {  	s23 =	sadd.s32 $0x9, s14;
	[tilespmem:v3+s17+$0x0] =	vst.idx.msk $0xffff, v7;
	v3 =	vor.u32 s2, v1;
	v7 =	vld [tilespmem:s13+$0x0]  }
0x74: {  	s24 =	sadd.s32 $0xA, s14;
	v13 =	vor.u32 s23, v1;
	v14 =	vld [tilespmem:s13+$0x20];
	[tilespmem:v11+s17+$0x0] =	vst.idx.msk $0xffff, v12  }
0x75: {  	s15 =	sadd.s32 $0xB, s14;
	[tilespmem:v8+s17+$0x0] =	vst.idx.msk $0xffff, v10;
	v8 =	vor.u32 s24, v1;
	v10 =	vld [tilespmem:s13+$0x40]  }
0x76: {  	s25 =	sadd.s32 $0xC, s14;
	[tilespmem:v4+s17+$0x0] =	vst.idx.msk $0xffff, v9;
	v4 =	vor.u32 s15, v1;
	v9 =	vld [tilespmem:s13+$0x60]  }
0x77: {  	s26 =	sadd.s32 $0xD, s14;
	[tilespmem:v5+s17+$0x0] =	vst.idx.msk $0xffff, v6;
	v5 =	vor.u32 s25, v1;
	v6 =	vld [tilespmem:s13+$0x80]  }
0x78: {  	s29 =	sadd.s32 $0xE, s14;
	[tilespmem:v3+s17+$0x0] =	vst.idx.msk $0xffff, v7;
	v3 =	vor.u32 s26, v1;
	v7 =	vld [tilespmem:s13+$0xA0]  }
0x79: {  	v11 =	vor.u32 s29, v1;
	[tilespmem:v13+s17+$0x0] =	vst.idx.msk $0xffff, v14;
	v12 =	vld [tilespmem:s13+$0xC0]  }
0x7a: {  	v13 =	vor.u32 s10, v2;
	v14 =	vld [tilespmem:s13+$0xFFFFFF30];
	[tilespmem:v8+s17+$0x0] =	vst.idx.msk $0xffff, v10  }
0x7b: {  	v8 =	vor.u32 s11, v2;
	v10 =	vld [tilespmem:s13+$0xFFFFFF50];
	[tilespmem:v4+s17+$0x0] =	vst.idx.msk $0xffff, v9  }
0x7c: {  	v4 =	vor.u32 s16, v2;
	v9 =	vld [tilespmem:s13+$0xFFFFFF70];
	[tilespmem:v5+s17+$0x0] =	vst.idx.msk $0xffff, v6  }
0x7d: {  	v5 =	vor.u32 s19, v2;
	v6 =	vld [tilespmem:s13+$0xFFFFFF90];
	[tilespmem:v3+s17+$0x0] =	vst.idx.msk $0xffff, v7  }
0x7e: {  	v3 =	vor.u32 s20, v2;
	v7 =	vld [tilespmem:s13+$0xFFFFFFB0];
	[tilespmem:v11+s17+$0x0] =	vst.idx.msk $0xffff, v12  }
0x7f: {  	v11 =	vor.u32 s12, v2;
	[tilespmem:v13+s17+$0x0] =	vst.idx.msk $0xffff, v14;
	v12 =	vld [tilespmem:s13+$0xFFFFFFD0]  }
0x80: {  	[tilespmem:v8+s17+$0x0] =	vst.idx.msk $0xffff, v10;
	v8 =	vor.u32 s18, v2;
	v10 =	vld [tilespmem:s13+$0xFFFFFFF0]  }
0x81: {  	[tilespmem:v4+s17+$0x0] =	vst.idx.msk $0xffff, v9;
	v4 =	vor.u32 s2, v2;
	v9 =	vld [tilespmem:s13+$0x10]  }
0x82: {  	[tilespmem:v5+s17+$0x0] =	vst.idx.msk $0xffff, v6;
	v5 =	vor.u32 s23, v2;
	v6 =	vld [tilespmem:s13+$0x30]  }
0x83: {  	v13 =	vor.u32 s24, v2;
	[tilespmem:v3+s17+$0x0] =	vst.idx.msk $0xffff, v7;
	v14 =	vld [tilespmem:s13+$0x50]  }
.Ltmp2:
0x84: {  	[tilespmem:v11+s17+$0x0] =	vst.idx.msk $0xffff, v12;
	v12 =	vor.u32 s15, v2;
	v11 =	vld [tilespmem:s13+$0x70];
	(pc) =	sbr.rel @p0 .LBB2_7-.Ltmp2, $4  }
0x85: {  	[tilespmem:v8+s17+$0x0] =	vst.idx.msk $0xffff, v10;
	v10 =	vor.u32 s25, v2;
	v8 =	vld [tilespmem:s13+$0x90]  }
0x86: {  	[tilespmem:v4+s17+$0x0] =	vst.idx.msk $0xffff, v9;
	v9 =	vor.u32 s26, v2;
	v4 =	vld [tilespmem:s13+$0xB0]  }
0x87: {  	[tilespmem:v5+s17+$0x0] =	vst.idx.msk $0xffff, v6;
	v6 =	vor.u32 s29, v2;
	v5 =	vld [tilespmem:s13+$0xD0]  }
0x88: {  	s5 =	sadd.s32 $0x10, s5;
	s18 =	sadd.s32 $0xF, s0;
	v3 =	vor.u32 s14, v2;
	v7 =	vld [tilespmem:s13+$0xFFFFFF10];
	[tilespmem:v13+s17+$0x0] =	vst.idx.msk $0xffff, v14;
	s13 =	sadd.s32 $0x200, s13  }
0x89: {  	_ =	sdelay $0x3  }
0x8a: {  	v13 =	vor.u32 s18, v1;
	v14 =	vld [tilespmem:s13+$0xE0];
	[tilespmem:v12+s17+$0x0] =	vst.idx.msk $0xffff, v11  }
0x8b: {  	v11 =	vor.u32 s0, v1;
	v12 =	vld [tilespmem:s13+$0xFFFFFF00];
	s2 =	sadd.s32 $0x1, s0;
	[tilespmem:v10+s17+$0x0] =	vst.idx.msk $0xffff, v8  }
0x8c: {  	s5 =	sadd.s32 $0x2, s0;
	v8 =	vor.u32 s2, v1;
	v10 =	vld [tilespmem:s13+$0xFFFFFF20];
	[tilespmem:v9+s17+$0x0] =	vst.idx.msk $0xffff, v4  }
0x8d: {  	s10 =	sadd.s32 $0x3, s0;
	v4 =	vor.u32 s5, v1;
	v9 =	vld [tilespmem:s13+$0xFFFFFF40];
	[tilespmem:v6+s17+$0x0] =	vst.idx.msk $0xffff, v5  }
0x8e: {  	s11 =	sadd.s32 $0x4, s0;
	v5 =	vor.u32 s10, v1;
	v6 =	vld [tilespmem:s13+$0xFFFFFF60];
	[tilespmem:v3+s17+$0x0] =	vst.idx.msk $0xffff, v7  }
0x8f: {  	s30 =	sadd.s32 $0x9, s0;
	v3 =	vor.u32 s11, v1;
	v7 =	vld [tilespmem:s13+$0xFFFFFF80];
	[tilespmem:v13+s17+$0x0] =	vst.idx.msk $0xffff, v14  }
0x90: {  	[tilespmem:v11+s17+$0x0] =	vst.idx.msk $0xffff, v12;
	v13 =	vor.u32 s30, v1;
	v14 =	vld [tilespmem:s13+$0x20]  }
0x91: {  	s12 =	sadd.s32 $0x5, s0;
	v11 =	vor.u32 s18, v2;
	v12 =	vld [tilespmem:s13+$0xF0];
	[tilespmem:v8+s17+$0x0] =	vst.idx.msk $0xffff, v10  }
0x92: {  	s14 =	sadd.s32 $0x6, s0;
	v8 =	vor.u32 s12, v1;
	v10 =	vld [tilespmem:s13+$0xFFFFFFA0];
	[tilespmem:v4+s17+$0x0] =	vst.idx.msk $0xffff, v9  }
0x93: {  	s15 =	sadd.s32 $0x7, s0;
	v4 =	vor.u32 s14, v1;
	v9 =	vld [tilespmem:s13+$0xFFFFFFC0];
	[tilespmem:v5+s17+$0x0] =	vst.idx.msk $0xffff, v6  }
0x94: {  	s16 =	sadd.s32 $0x8, s0;
	v5 =	vor.u32 s15, v1;
	v6 =	vld [tilespmem:s13+$0xFFFFFFE0];
	[tilespmem:v3+s17+$0x0] =	vst.idx.msk $0xffff, v7  }
0x95: {  	v3 =	vor.u32 s16, v1;
	v7 =	vld [tilespmem:s13+$0x0];
	[tilespmem:v13+s17+$0x0] =	vst.idx.msk $0xffff, v14  }
0x96: {  	s19 =	sadd.s32 $0xA, s0;
	v13 =	vor.u32 s2, v2;
	v14 =	vld [tilespmem:s13+$0xFFFFFF30];
	[tilespmem:v11+s17+$0x0] =	vst.idx.msk $0xffff, v12  }
0x97: {  	s25 =	sadd.s32 $0xE, s0;
	[tilespmem:v8+s17+$0x0] =	vst.idx.msk $0xffff, v10;
	v8 =	vor.u32 s19, v1;
	v10 =	vld [tilespmem:s13+$0x40]  }
0x98: {  	s20 =	sadd.s32 $0xB, s0;
	v11 =	vor.u32 s25, v1;
	v12 =	vld [tilespmem:s13+$0xC0];
	[tilespmem:v4+s17+$0x0] =	vst.idx.msk $0xffff, v9  }
0x99: {  	s23 =	sadd.s32 $0xC, s0;
	v4 =	vor.u32 s20, v1;
	v9 =	vld [tilespmem:s13+$0x60];
	[tilespmem:v5+s17+$0x0] =	vst.idx.msk $0xffff, v6  }
0x9a: {  	s24 =	sadd.s32 $0xD, s0;
	v5 =	vor.u32 s23, v1;
	v6 =	vld [tilespmem:s13+$0x80];
	[tilespmem:v3+s17+$0x0] =	vst.idx.msk $0xffff, v7  }
0x9b: {  	v3 =	vor.u32 s24, v1;
	v7 =	vld [tilespmem:s13+$0xA0];
	[tilespmem:v13+s17+$0x0] =	vst.idx.msk $0xffff, v14  }
0x9c: {  	v13 =	vor.u32 s0, v2;
	v14 =	vld [tilespmem:s13+$0xFFFFFF10];
	[tilespmem:v8+s17+$0x0] =	vst.idx.msk $0xffff, v10  }
0x9d: {  	v8 =	vor.u32 s5, v2;
	v10 =	vld [tilespmem:s13+$0xFFFFFF50];
	[tilespmem:v11+s17+$0x0] =	vst.idx.msk $0xffff, v12  }
0x9e: {  	[tilespmem:v4+s17+$0x0] =	vst.idx.msk $0xffff, v9;
	v4 =	vor.u32 s10, v2;
	v9 =	vld [tilespmem:s13+$0xFFFFFF70]  }
0x9f: {  	[tilespmem:v5+s17+$0x0] =	vst.idx.msk $0xffff, v6;
	v5 =	vor.u32 s11, v2;
	v6 =	vld [tilespmem:s13+$0xFFFFFF90]  }
0xa0: {  	v11 =	vor.u32 s14, v2;
	v12 =	vld [tilespmem:s13+$0xFFFFFFD0];
	[tilespmem:v3+s17+$0x0] =	vst.idx.msk $0xffff, v7  }
0xa1: {  	v3 =	vor.u32 s12, v2;
	v7 =	vld [tilespmem:s13+$0xFFFFFFB0];
	[tilespmem:v13+s17+$0x0] =	vst.idx.msk $0xffff, v14  }
0xa2: {  	[tilespmem:v8+s17+$0x0] =	vst.idx.msk $0xffff, v10;
	v8 =	vor.u32 s15, v2;
	v10 =	vld [tilespmem:s13+$0xFFFFFFF0]  }
0xa3: {  	[tilespmem:v4+s17+$0x0] =	vst.idx.msk $0xffff, v9;
	v4 =	vor.u32 s16, v2;
	v9 =	vld [tilespmem:s13+$0x10]  }
0xa4: {  	[tilespmem:v5+s17+$0x0] =	vst.idx.msk $0xffff, v6;
	v5 =	vor.u32 s30, v2;
	v6 =	vld [tilespmem:s13+$0x30]  }
0xa5: {  	[tilespmem:v11+s17+$0x0] =	vst.idx.msk $0xffff, v12;
	v11 =	vor.u32 s20, v2;
	v12 =	vld [tilespmem:s13+$0x70]  }
0xa6: {  	[tilespmem:v3+s17+$0x0] =	vst.idx.msk $0xffff, v7;
	v3 =	vor.u32 s19, v2;
	v7 =	vld [tilespmem:s13+$0x50]  }
0xa7: {  	[tilespmem:v8+s17+$0x0] =	vst.idx.msk $0xffff, v10;
	v8 =	vor.u32 s23, v2;
	v10 =	vld [tilespmem:s13+$0x90]  }
0xa8: {  	[tilespmem:v4+s17+$0x0] =	vst.idx.msk $0xffff, v9;
	v4 =	vor.u32 s24, v2;
	v9 =	vld [tilespmem:s13+$0xB0]  }
0xa9: {  	[tilespmem:v5+s17+$0x0] =	vst.idx.msk $0xffff, v6;
	v5 =	vor.u32 s25, v2;
	v6 =	vld [tilespmem:s13+$0xD0]  }
0xaa: {  	[tilespmem:v11+s17+$0x0] =	vst.idx.msk $0xffff, v12  }
0xab: {  	[tilespmem:v3+s17+$0x0] =	vst.idx.msk $0xffff, v7  }
0xac: {  	[tilespmem:v8+s17+$0x0] =	vst.idx.msk $0xffff, v10  }
0xad: {  	[tilespmem:v4+s17+$0x0] =	vst.idx.msk $0xffff, v9  }
0xae: {  	s14 =	simm.s32 $0xE5F0;
	s10 =	simm.s32 $0x40F;
	[tilespmem:v5+s17+$0x0] =	vst.idx.msk $0xffff, v6  }
0xaf: {  	s11 =	simm.s32 $0x400;
	v3 =	vor.u32 s10, v1;
	v4 =	vld [tilespmem:s14+$0xFFFFFFF0]  }
0xb0: {  	s12 =	simm.s32 $0x401;
	v5 =	vor.u32 s11, v1;
	v6 =	vld [tilespmem:s14+$0xFFFFFE10]  }
0xb1: {  	s13 =	simm.s32 $0x402;
	v7 =	vor.u32 s12, v1;
	v8 =	vld [tilespmem:s14+$0xFFFFFE30]  }
0xb2: {  	s15 =	simm.s32 $0x403;
	v9 =	vor.u32 s13, v1;
	v10 =	vld [tilespmem:s14+$0xFFFFFE50]  }
0xb3: {  	s16 =	simm.s32 $0x404;
	v11 =	vor.u32 s15, v1;
	v12 =	vld [tilespmem:s14+$0xFFFFFE70]  }
0xb4: {  	s18 =	simm.s32 $0x405;
	v13 =	vor.u32 s16, v1;
	v14 =	vld [tilespmem:s14+$0xFFFFFE90];
	[tilespmem:v3+s17+$0x0] =	vst.idx.msk $0xffff, v4  }
0xb5: {  	s19 =	simm.s32 $0x406;
	[tilespmem:v5+s17+$0x0] =	vst.idx.msk $0xffff, v6;
	v5 =	vor.u32 s18, v1;
	v6 =	vld [tilespmem:s14+$0xFFFFFEB0]  }
0xb6: {  	s20 =	simm.s32 $0x407;
	[tilespmem:v7+s17+$0x0] =	vst.idx.msk $0xffff, v8;
	v7 =	vor.u32 s19, v1;
	v8 =	vld [tilespmem:s14+$0xFFFFFED0]  }
0xb7: {  	[tilespmem:v9+s17+$0x0] =	vst.idx.msk $0xffff, v10;
	v9 =	vor.u32 s20, v1;
	v10 =	vld [tilespmem:s14+$0xFFFFFEF0]  }
0xb8: {  	s23 =	simm.s32 $0x408;
	v3 =	vor.u32 s10, v2;
	[tilespmem:v11+s17+$0x0] =	vst.idx.msk $0xffff, v12;
	v4 =	vld [tilespmem:s14+$0x0]  }
0xb9: {  	s24 =	simm.s32 $0x409;
	[tilespmem:v13+s17+$0x0] =	vst.idx.msk $0xffff, v14;
	v11 =	vor.u32 s23, v1;
	v12 =	vld [tilespmem:s14+$0xFFFFFF10]  }
0xba: {  	s26 =	simm.s32 $0x40B;
	v13 =	vor.u32 s24, v1;
	v14 =	vld [tilespmem:s14+$0xFFFFFF30];
	[tilespmem:v5+s17+$0x0] =	vst.idx.msk $0xffff, v6  }
0xbb: {  	s29 =	simm.s32 $0x40C;
	[tilespmem:v7+s17+$0x0] =	vst.idx.msk $0xffff, v8;
	v5 =	vor.u32 s26, v1;
	v6 =	vld [tilespmem:s14+$0xFFFFFF70]  }
0xbc: {  	s25 =	simm.s32 $0x40A;
	[tilespmem:v9+s17+$0x0] =	vst.idx.msk $0xffff, v10;
	v7 =	vor.u32 s29, v1;
	v8 =	vld [tilespmem:s14+$0xFFFFFF90]  }
0xbd: {  	s30 =	simm.s32 $0x40D;
	[tilespmem:v3+s17+$0x0] =	vst.idx.msk $0xffff, v4;
	v3 =	vor.u32 s25, v1;
	v4 =	vld [tilespmem:s14+$0xFFFFFF50]  }
0xbe: {  	s10 =	simm.s32 $0x40E;
	[tilespmem:v11+s17+$0x0] =	vst.idx.msk $0xffff, v12;
	v9 =	vor.u32 s30, v1;
	v10 =	vld [tilespmem:s14+$0xFFFFFFB0]  }
0xbf: {  	[tilespmem:v13+s17+$0x0] =	vst.idx.msk $0xffff, v14;
	v11 =	vor.u32 s10, v1;
	v12 =	vld [tilespmem:s14+$0xFFFFFFD0]  }
0xc0: {  	v13 =	vor.u32 s11, v2;
	v14 =	vld [tilespmem:s14+$0xFFFFFE20];
	[tilespmem:v5+s17+$0x0] =	vst.idx.msk $0xffff, v6  }
0xc1: {  	v16 =	vor.u32 s23, v2;
	v17 =	vld [tilespmem:s14+$0xFFFFFF20];
	[tilespmem:v7+s17+$0x0] =	vst.idx.msk $0xffff, v8  }
0xc2: {  	[tilespmem:v3+s17+$0x0] =	vst.idx.msk $0xffff, v4;
	v3 =	vor.u32 s12, v2;
	v4 =	vld [tilespmem:s14+$0xFFFFFE40]  }
0xc3: {  	v7 =	vor.u32 s15, v2;
	v8 =	vld [tilespmem:s14+$0xFFFFFE80];
	[tilespmem:v9+s17+$0x0] =	vst.idx.msk $0xffff, v10  }
0xc4: {  	v9 =	vor.u32 s16, v2;
	v10 =	vld [tilespmem:s14+$0xFFFFFEA0];
	[tilespmem:v11+s17+$0x0] =	vst.idx.msk $0xffff, v12  }
0xc5: {  	[tilespmem:v13+s17+$0x0] =	vst.idx.msk $0xffff, v14;
	v11 =	vor.u32 s18, v2;
	v12 =	vld [tilespmem:s14+$0xFFFFFEC0]  }
0xc6: {  	v5 =	vor.u32 s13, v2;
	v6 =	vld [tilespmem:s14+$0xFFFFFE60];
	[tilespmem:v16+s17+$0x0] =	vst.idx.msk $0xffff, v17  }
0xc7: {  	v13 =	vld [tilespmem:s14+$0xFFFFFEE0];
	[tilespmem:v3+s17+$0x0] =	vst.idx.msk $0xffff, v4;
	v4 =	vor.u32 s19, v2  }
0xc8: {  	p0 =	por $0x1, $0x1;
	v15 =	vld [tilespmem:s14+$0xFFFFFF00];
	v14 =	vor.u32 s20, v2;
	[tilespmem:v7+s17+$0x0] =	vst.idx.msk $0xffff, v8  }
.Ltmp3:
0xc9: {  	[tilespmem:v9+s17+$0x0] =	vst.idx.msk $0xffff, v10;
	v10 =	vld [tilespmem:s14+$0xFFFFFF40];
	(pc) =	sbr.rel @!p0 .LBB2_10-.Ltmp3, $4  }
0xca: {  	[tilespmem:v11+s17+$0x0] =	vst.idx.msk $0xffff, v12;
	v12 =	vor.u32 s24, v2;
	v7 =	vld [tilespmem:s14+$0xFFFFFFA0]  }
0xcb: {  	[tilespmem:v5+s17+$0x0] =	vst.idx.msk $0xffff, v6;
	v6 =	vor.u32 s25, v2;
	v3 =	vld [tilespmem:s14+$0xFFFFFF60]  }
0xcc: {  	v5 =	vor.u32 s26, v2;
	[tilespmem:v4+s17+$0x0] =	vst.idx.msk $0xffff, v13;
	v4 =	vld [tilespmem:s14+$0xFFFFFF80]  }
0xcd: {  	s0 =	simm.s32 $0xFFFFFFF0;
	s5 =	simm.s32 $0x0;
	s13 =	simm.s32 $0xF5F0;
	[tilespmem:v14+s17+$0x0] =	vst.idx.msk $0xffff, v15;
	v8 =	vor.u32 s29, v2;
	v9 =	vor.u32 s30, v2;
	v11 =	vld [tilespmem:s14+$0xFFFFFFC0]  }
.LBB2_9:
0xce: {  	s2 =	sadd.s32 $0x41F, s5  }
0xcf: {  	[tilespmem:v12+s17+$0x0] =	vst.idx.msk $0xffff, v10;
	v10 =	vor.u32 s10, v2;
	v12 =	vld [tilespmem:s14+$0xFFFFFFE0];
	s14 =	sadd.s32 $0x200, s14;
	s10 =	smov.u32 s5;
	s5 =	sadd.s32 $0x10, s5  }
0xd0: {  	s11 =	sadd.s32 $0x410, s10;
	v13 =	vor.u32 s2, v1;
	v14 =	vld [tilespmem:s14+$0xFFFFFFF0];
	p0 =	slt.u32 s5, $0x70;
	[tilespmem:v6+s17+$0x0] =	vst.idx.msk $0xffff, v3  }
0xd1: {  	s26 =	sadd.s32 $0x411, s10;
	v3 =	vor.u32 s11, v1;
	v6 =	vld [tilespmem:s14+$0xFFFFFE10];
	[tilespmem:v5+s17+$0x0] =	vst.idx.msk $0xffff, v4  }
0xd2: {  	s29 =	sadd.s32 $0x412, s10;
	v4 =	vor.u32 s26, v1;
	v5 =	vld [tilespmem:s14+$0xFFFFFE30];
	[tilespmem:v8+s17+$0x0] =	vst.idx.msk $0xffff, v7  }
0xd3: {  	s16 =	sadd.s32 $0x413, s10;
	v7 =	vor.u32 s29, v1;
	v8 =	vld [tilespmem:s14+$0xFFFFFE50];
	[tilespmem:v9+s17+$0x0] =	vst.idx.msk $0xffff, v11  }
0xd4: {  	s18 =	sadd.s32 $0x414, s10;
	v9 =	vor.u32 s16, v1;
	v11 =	vld [tilespmem:s14+$0xFFFFFE70];
	[tilespmem:v10+s17+$0x0] =	vst.idx.msk $0xffff, v12  }
0xd5: {  	v10 =	vor.u32 s18, v1;
	v12 =	vld [tilespmem:s14+$0xFFFFFE90];
	[tilespmem:v13+s17+$0x0] =	vst.idx.msk $0xffff, v14  }
0xd6: {  	s19 =	sadd.s32 $0x415, s10;
	[tilespmem:v3+s17+$0x0] =	vst.idx.msk $0xffff, v6;
	v3 =	vor.u32 s2, v2;
	v6 =	vld [tilespmem:s14+$0x0]  }
0xd7: {  	s20 =	sadd.s32 $0x416, s10;
	[tilespmem:v4+s17+$0x0] =	vst.idx.msk $0xffff, v5;
	v4 =	vor.u32 s19, v1;
	v5 =	vld [tilespmem:s14+$0xFFFFFEB0]  }
0xd8: {  	s23 =	sadd.s32 $0x417, s10;
	[tilespmem:v7+s17+$0x0] =	vst.idx.msk $0xffff, v8;
	v7 =	vor.u32 s20, v1;
	v8 =	vld [tilespmem:s14+$0xFFFFFED0]  }
0xd9: {  	s24 =	sadd.s32 $0x418, s10;
	[tilespmem:v9+s17+$0x0] =	vst.idx.msk $0xffff, v11;
	v9 =	vor.u32 s23, v1;
	v11 =	vld [tilespmem:s14+$0xFFFFFEF0]  }
0xda: {  	s25 =	sadd.s32 $0x419, s10;
	[tilespmem:v10+s17+$0x0] =	vst.idx.msk $0xffff, v12;
	v10 =	vor.u32 s24, v1;
	v12 =	vld [tilespmem:s14+$0xFFFFFF10]  }
0xdb: {  	s12 =	sadd.s32 $0x41A, s10;
	v13 =	vor.u32 s25, v1;
	v14 =	vld [tilespmem:s14+$0xFFFFFF30];
	[tilespmem:v3+s17+$0x0] =	vst.idx.msk $0xffff, v6  }
0xdc: {  	s2 =	sadd.s32 $0x41B, s10;
	v3 =	vor.u32 s12, v1;
	[tilespmem:v4+s17+$0x0] =	vst.idx.msk $0xffff, v5;
	v4 =	vld [tilespmem:s14+$0xFFFFFF50]  }
0xdd: {  	s30 =	sadd.s32 $0x41C, s10;
	v5 =	vor.u32 s2, v1;
	[tilespmem:v7+s17+$0x0] =	vst.idx.msk $0xffff, v8;
	v6 =	vld [tilespmem:s14+$0xFFFFFF70]  }
0xde: {  	s15 =	sadd.s32 $0x41D, s10;
	v7 =	vor.u32 s30, v1;
	[tilespmem:v9+s17+$0x0] =	vst.idx.msk $0xffff, v11;
	v8 =	vld [tilespmem:s14+$0xFFFFFF90]  }
0xdf: {  	s10 =	sadd.s32 $0x41E, s10;
	v9 =	vor.u32 s15, v1;
	[tilespmem:v10+s17+$0x0] =	vst.idx.msk $0xffff, v12;
	v10 =	vld [tilespmem:s14+$0xFFFFFFB0]  }
0xe0: {  	v11 =	vor.u32 s10, v1;
	[tilespmem:v13+s17+$0x0] =	vst.idx.msk $0xffff, v14;
	v12 =	vld [tilespmem:s14+$0xFFFFFFD0]  }
0xe1: {  	v13 =	vor.u32 s11, v2;
	v14 =	vld [tilespmem:s14+$0xFFFFFE20];
	[tilespmem:v3+s17+$0x0] =	vst.idx.msk $0xffff, v4  }
0xe2: {  	v3 =	vor.u32 s26, v2;
	v4 =	vld [tilespmem:s14+$0xFFFFFE40];
	[tilespmem:v5+s17+$0x0] =	vst.idx.msk $0xffff, v6  }
0xe3: {  	v5 =	vor.u32 s29, v2;
	v6 =	vld [tilespmem:s14+$0xFFFFFE60];
	[tilespmem:v7+s17+$0x0] =	vst.idx.msk $0xffff, v8  }
0xe4: {  	v7 =	vor.u32 s16, v2;
	v8 =	vld [tilespmem:s14+$0xFFFFFE80];
	[tilespmem:v9+s17+$0x0] =	vst.idx.msk $0xffff, v10  }
0xe5: {  	v9 =	vor.u32 s18, v2;
	v10 =	vld [tilespmem:s14+$0xFFFFFEA0];
	[tilespmem:v11+s17+$0x0] =	vst.idx.msk $0xffff, v12  }
0xe6: {  	v11 =	vor.u32 s19, v2;
	[tilespmem:v13+s17+$0x0] =	vst.idx.msk $0xffff, v14;
	v13 =	vld [tilespmem:s14+$0xFFFFFEC0]  }
0xe7: {  	[tilespmem:v3+s17+$0x0] =	vst.idx.msk $0xffff, v4;
	v4 =	vor.u32 s20, v2;
	v14 =	vld [tilespmem:s14+$0xFFFFFEE0]  }
0xe8: {  	v15 =	vor.u32 s23, v2;
	[tilespmem:v5+s17+$0x0] =	vst.idx.msk $0xffff, v6;
	v16 =	vld [tilespmem:s14+$0xFFFFFF00]  }
0xe9: {  	v17 =	vor.u32 s24, v2;
	[tilespmem:v7+s17+$0x0] =	vst.idx.msk $0xffff, v8;
	v18 =	vld [tilespmem:s14+$0xFFFFFF20]  }
.Ltmp4:
0xea: {  	v12 =	vor.u32 s25, v2;
	[tilespmem:v9+s17+$0x0] =	vst.idx.msk $0xffff, v10;
	v10 =	vld [tilespmem:s14+$0xFFFFFF40];
	(pc) =	sbr.rel @p0 .LBB2_9-.Ltmp4, $4  }
0xeb: {  	v6 =	vor.u32 s12, v2;
	[tilespmem:v11+s17+$0x0] =	vst.idx.msk $0xffff, v13;
	v3 =	vld [tilespmem:s14+$0xFFFFFF60]  }
0xec: {  	v5 =	vor.u32 s2, v2;
	[tilespmem:v4+s17+$0x0] =	vst.idx.msk $0xffff, v14;
	v4 =	vld [tilespmem:s14+$0xFFFFFF80]  }
0xed: {  	v8 =	vor.u32 s30, v2;
	[tilespmem:v15+s17+$0x0] =	vst.idx.msk $0xffff, v16;
	v7 =	vld [tilespmem:s14+$0xFFFFFFA0]  }
0xee: {  	v9 =	vor.u32 s15, v2;
	[tilespmem:v17+s17+$0x0] =	vst.idx.msk $0xffff, v18;
	v11 =	vld [tilespmem:s14+$0xFFFFFFC0]  }
.LBB2_10:
0xef: {  	_ =	sdelay $0x3  }
0xf0: {  	[tilespmem:v12+s17+$0x0] =	vst.idx.msk $0xffff, v10;
	v10 =	vor.u32 s10, v2;
	v12 =	vld [tilespmem:s14+$0xFFFFFFE0]  }
0xf1: {  	[tilespmem:v6+s17+$0x0] =	vst.idx.msk $0xffff, v3  }
0xf2: {  	[tilespmem:v5+s17+$0x0] =	vst.idx.msk $0xffff, v4  }
0xf3: {  	[tilespmem:v8+s17+$0x0] =	vst.idx.msk $0xffff, v7  }
0xf4: {  	[tilespmem:v9+s17+$0x0] =	vst.idx.msk $0xffff, v11  }
0xf5: {  	s2 =	simm.s32 $0x80F;
	[tilespmem:v10+s17+$0x0] =	vst.idx.msk $0xffff, v12  }
0xf6: {  	s5 =	simm.s32 $0x800;
	v3 =	vor.u32 s2, v1;
	v4 =	vld [tilespmem:s13+$0xFFFFFFF0]  }
0xf7: {  	s11 =	simm.s32 $0x801;
	v5 =	vor.u32 s5, v1;
	v6 =	vld [tilespmem:s13+$0xFFFFFE10]  }
0xf8: {  	s12 =	simm.s32 $0x802;
	v7 =	vor.u32 s11, v1;
	v8 =	vld [tilespmem:s13+$0xFFFFFE30]  }
0xf9: {  	s29 =	simm.s32 $0x803;
	v9 =	vor.u32 s12, v1;
	v10 =	vld [tilespmem:s13+$0xFFFFFE50]  }
0xfa: {  	s15 =	simm.s32 $0x804;
	v11 =	vor.u32 s29, v1;
	v12 =	vld [tilespmem:s13+$0xFFFFFE70]  }
0xfb: {  	s16 =	simm.s32 $0x805;
	v13 =	vor.u32 s15, v1;
	v14 =	vld [tilespmem:s13+$0xFFFFFE90];
	[tilespmem:v3+s17+$0x0] =	vst.idx.msk $0xffff, v4  }
0xfc: {  	s30 =	simm.s32 $0x806;
	[tilespmem:v5+s17+$0x0] =	vst.idx.msk $0xffff, v6;
	v5 =	vor.u32 s16, v1;
	v6 =	vld [tilespmem:s13+$0xFFFFFEB0]  }
0xfd: {  	s18 =	simm.s32 $0x807;
	[tilespmem:v7+s17+$0x0] =	vst.idx.msk $0xffff, v8;
	v7 =	vor.u32 s30, v1;
	v8 =	vld [tilespmem:s13+$0xFFFFFED0]  }
0xfe: {  	[tilespmem:v9+s17+$0x0] =	vst.idx.msk $0xffff, v10;
	v9 =	vor.u32 s18, v1;
	v10 =	vld [tilespmem:s13+$0xFFFFFEF0]  }
0xff: {  	s19 =	simm.s32 $0x808;
	v3 =	vor.u32 s2, v2;
	[tilespmem:v11+s17+$0x0] =	vst.idx.msk $0xffff, v12;
	v4 =	vld [tilespmem:s13+$0x0]  }
0x100: {  	s20 =	simm.s32 $0x809;
	[tilespmem:v13+s17+$0x0] =	vst.idx.msk $0xffff, v14;
	v11 =	vor.u32 s19, v1;
	v12 =	vld [tilespmem:s13+$0xFFFFFF10]  }
0x101: {  	s24 =	simm.s32 $0x80B;
	v13 =	vor.u32 s20, v1;
	v14 =	vld [tilespmem:s13+$0xFFFFFF30];
	[tilespmem:v5+s17+$0x0] =	vst.idx.msk $0xffff, v6  }
0x102: {  	s25 =	simm.s32 $0x80C;
	[tilespmem:v7+s17+$0x0] =	vst.idx.msk $0xffff, v8;
	v5 =	vor.u32 s24, v1;
	v6 =	vld [tilespmem:s13+$0xFFFFFF70]  }
0x103: {  	s23 =	simm.s32 $0x80A;
	[tilespmem:v9+s17+$0x0] =	vst.idx.msk $0xffff, v10;
	v7 =	vor.u32 s25, v1;
	v8 =	vld [tilespmem:s13+$0xFFFFFF90]  }
0x104: {  	s26 =	simm.s32 $0x80D;
	[tilespmem:v3+s17+$0x0] =	vst.idx.msk $0xffff, v4;
	v3 =	vor.u32 s23, v1;
	v4 =	vld [tilespmem:s13+$0xFFFFFF50]  }
0x105: {  	s10 =	simm.s32 $0x80E;
	[tilespmem:v11+s17+$0x0] =	vst.idx.msk $0xffff, v12;
	v9 =	vor.u32 s26, v1;
	v10 =	vld [tilespmem:s13+$0xFFFFFFB0]  }
0x106: {  	[tilespmem:v13+s17+$0x0] =	vst.idx.msk $0xffff, v14;
	v11 =	vor.u32 s10, v1;
	v12 =	vld [tilespmem:s13+$0xFFFFFFD0]  }
0x107: {  	v13 =	vor.u32 s5, v2;
	v14 =	vld [tilespmem:s13+$0xFFFFFE20];
	[tilespmem:v5+s17+$0x0] =	vst.idx.msk $0xffff, v6  }
0x108: {  	v16 =	vor.u32 s19, v2;
	v17 =	vld [tilespmem:s13+$0xFFFFFF20];
	[tilespmem:v7+s17+$0x0] =	vst.idx.msk $0xffff, v8  }
0x109: {  	[tilespmem:v3+s17+$0x0] =	vst.idx.msk $0xffff, v4;
	v3 =	vor.u32 s11, v2;
	v4 =	vld [tilespmem:s13+$0xFFFFFE40]  }
0x10a: {  	v7 =	vor.u32 s29, v2;
	v8 =	vld [tilespmem:s13+$0xFFFFFE80];
	[tilespmem:v9+s17+$0x0] =	vst.idx.msk $0xffff, v10  }
0x10b: {  	v9 =	vor.u32 s15, v2;
	v10 =	vld [tilespmem:s13+$0xFFFFFEA0];
	[tilespmem:v11+s17+$0x0] =	vst.idx.msk $0xffff, v12  }
0x10c: {  	[tilespmem:v13+s17+$0x0] =	vst.idx.msk $0xffff, v14;
	v11 =	vor.u32 s16, v2;
	v12 =	vld [tilespmem:s13+$0xFFFFFEC0]  }
0x10d: {  	v5 =	vor.u32 s12, v2;
	v6 =	vld [tilespmem:s13+$0xFFFFFE60];
	[tilespmem:v16+s17+$0x0] =	vst.idx.msk $0xffff, v17  }
0x10e: {  	v13 =	vld [tilespmem:s13+$0xFFFFFEE0];
	[tilespmem:v3+s17+$0x0] =	vst.idx.msk $0xffff, v4;
	v4 =	vor.u32 s30, v2  }
0x10f: {  	p0 =	por $0x1, $0x1;
	v15 =	vld [tilespmem:s13+$0xFFFFFF00];
	v14 =	vor.u32 s18, v2;
	[tilespmem:v7+s17+$0x0] =	vst.idx.msk $0xffff, v8  }
.Ltmp5:
0x110: {  	[tilespmem:v9+s17+$0x0] =	vst.idx.msk $0xffff, v10;
	v10 =	vld [tilespmem:s13+$0xFFFFFF40];
	(pc) =	sbr.rel @!p0 .LBB2_12-.Ltmp5, $4  }
0x111: {  	[tilespmem:v11+s17+$0x0] =	vst.idx.msk $0xffff, v12;
	v12 =	vor.u32 s20, v2;
	v7 =	vld [tilespmem:s13+$0xFFFFFFA0]  }
0x112: {  	[tilespmem:v5+s17+$0x0] =	vst.idx.msk $0xffff, v6;
	v6 =	vor.u32 s23, v2;
	v3 =	vld [tilespmem:s13+$0xFFFFFF60]  }
0x113: {  	v5 =	vor.u32 s24, v2;
	[tilespmem:v4+s17+$0x0] =	vst.idx.msk $0xffff, v13;
	v4 =	vld [tilespmem:s13+$0xFFFFFF80]  }
0x114: {  	s14 =	simm.s32 $0x105F0;
	s5 =	simm.s32 $0x0;
	[tilespmem:v14+s17+$0x0] =	vst.idx.msk $0xffff, v15;
	v8 =	vor.u32 s25, v2;
	v9 =	vor.u32 s26, v2;
	v11 =	vld [tilespmem:s13+$0xFFFFFFC0]  }
.LBB2_11:
0x115: {  	s2 =	sadd.s32 $0x81F, s5  }
0x116: {  	[tilespmem:v12+s17+$0x0] =	vst.idx.msk $0xffff, v10;
	v10 =	vor.u32 s10, v2;
	v12 =	vld [tilespmem:s13+$0xFFFFFFE0];
	s13 =	sadd.s32 $0x200, s13;
	s10 =	smov.u32 s5;
	s5 =	sadd.s32 $0x10, s5  }
0x117: {  	s11 =	sadd.s32 $0x810, s10;
	v13 =	vor.u32 s2, v1;
	v14 =	vld [tilespmem:s13+$0xFFFFFFF0];
	p0 =	slt.u32 s5, $0x70;
	[tilespmem:v6+s17+$0x0] =	vst.idx.msk $0xffff, v3  }
0x118: {  	s26 =	sadd.s32 $0x811, s10;
	v3 =	vor.u32 s11, v1;
	v6 =	vld [tilespmem:s13+$0xFFFFFE10];
	[tilespmem:v5+s17+$0x0] =	vst.idx.msk $0xffff, v4  }
0x119: {  	s29 =	sadd.s32 $0x812, s10;
	v4 =	vor.u32 s26, v1;
	v5 =	vld [tilespmem:s13+$0xFFFFFE30];
	[tilespmem:v8+s17+$0x0] =	vst.idx.msk $0xffff, v7  }
0x11a: {  	s16 =	sadd.s32 $0x813, s10;
	v7 =	vor.u32 s29, v1;
	v8 =	vld [tilespmem:s13+$0xFFFFFE50];
	[tilespmem:v9+s17+$0x0] =	vst.idx.msk $0xffff, v11  }
0x11b: {  	s18 =	sadd.s32 $0x814, s10;
	v9 =	vor.u32 s16, v1;
	v11 =	vld [tilespmem:s13+$0xFFFFFE70];
	[tilespmem:v10+s17+$0x0] =	vst.idx.msk $0xffff, v12  }
0x11c: {  	v10 =	vor.u32 s18, v1;
	v12 =	vld [tilespmem:s13+$0xFFFFFE90];
	[tilespmem:v13+s17+$0x0] =	vst.idx.msk $0xffff, v14  }
0x11d: {  	s19 =	sadd.s32 $0x815, s10;
	[tilespmem:v3+s17+$0x0] =	vst.idx.msk $0xffff, v6;
	v3 =	vor.u32 s2, v2;
	v6 =	vld [tilespmem:s13+$0x0]  }
0x11e: {  	s20 =	sadd.s32 $0x816, s10;
	[tilespmem:v4+s17+$0x0] =	vst.idx.msk $0xffff, v5;
	v4 =	vor.u32 s19, v1;
	v5 =	vld [tilespmem:s13+$0xFFFFFEB0]  }
0x11f: {  	s23 =	sadd.s32 $0x817, s10;
	[tilespmem:v7+s17+$0x0] =	vst.idx.msk $0xffff, v8;
	v7 =	vor.u32 s20, v1;
	v8 =	vld [tilespmem:s13+$0xFFFFFED0]  }
0x120: {  	s24 =	sadd.s32 $0x818, s10;
	[tilespmem:v9+s17+$0x0] =	vst.idx.msk $0xffff, v11;
	v9 =	vor.u32 s23, v1;
	v11 =	vld [tilespmem:s13+$0xFFFFFEF0]  }
0x121: {  	s12 =	sadd.s32 $0x819, s10;
	[tilespmem:v10+s17+$0x0] =	vst.idx.msk $0xffff, v12;
	v10 =	vor.u32 s24, v1;
	v12 =	vld [tilespmem:s13+$0xFFFFFF10]  }
0x122: {  	s25 =	sadd.s32 $0x81A, s10;
	v13 =	vor.u32 s12, v1;
	v14 =	vld [tilespmem:s13+$0xFFFFFF30];
	[tilespmem:v3+s17+$0x0] =	vst.idx.msk $0xffff, v6  }
0x123: {  	s2 =	sadd.s32 $0x81B, s10;
	v3 =	vor.u32 s25, v1;
	[tilespmem:v4+s17+$0x0] =	vst.idx.msk $0xffff, v5;
	v4 =	vld [tilespmem:s13+$0xFFFFFF50]  }
0x124: {  	s30 =	sadd.s32 $0x81C, s10;
	v5 =	vor.u32 s2, v1;
	[tilespmem:v7+s17+$0x0] =	vst.idx.msk $0xffff, v8;
	v6 =	vld [tilespmem:s13+$0xFFFFFF70]  }
0x125: {  	s15 =	sadd.s32 $0x81D, s10;
	v7 =	vor.u32 s30, v1;
	[tilespmem:v9+s17+$0x0] =	vst.idx.msk $0xffff, v11;
	v8 =	vld [tilespmem:s13+$0xFFFFFF90]  }
0x126: {  	s10 =	sadd.s32 $0x81E, s10;
	v9 =	vor.u32 s15, v1;
	[tilespmem:v10+s17+$0x0] =	vst.idx.msk $0xffff, v12;
	v10 =	vld [tilespmem:s13+$0xFFFFFFB0]  }
0x127: {  	v11 =	vor.u32 s10, v1;
	[tilespmem:v13+s17+$0x0] =	vst.idx.msk $0xffff, v14;
	v12 =	vld [tilespmem:s13+$0xFFFFFFD0]  }
0x128: {  	v13 =	vor.u32 s11, v2;
	v14 =	vld [tilespmem:s13+$0xFFFFFE20];
	[tilespmem:v3+s17+$0x0] =	vst.idx.msk $0xffff, v4  }
0x129: {  	v3 =	vor.u32 s26, v2;
	v4 =	vld [tilespmem:s13+$0xFFFFFE40];
	[tilespmem:v5+s17+$0x0] =	vst.idx.msk $0xffff, v6  }
0x12a: {  	v5 =	vor.u32 s29, v2;
	v6 =	vld [tilespmem:s13+$0xFFFFFE60];
	[tilespmem:v7+s17+$0x0] =	vst.idx.msk $0xffff, v8  }
0x12b: {  	v7 =	vor.u32 s16, v2;
	v8 =	vld [tilespmem:s13+$0xFFFFFE80];
	[tilespmem:v9+s17+$0x0] =	vst.idx.msk $0xffff, v10  }
0x12c: {  	v9 =	vor.u32 s18, v2;
	v10 =	vld [tilespmem:s13+$0xFFFFFEA0];
	[tilespmem:v11+s17+$0x0] =	vst.idx.msk $0xffff, v12  }
0x12d: {  	v11 =	vor.u32 s19, v2;
	[tilespmem:v13+s17+$0x0] =	vst.idx.msk $0xffff, v14;
	v13 =	vld [tilespmem:s13+$0xFFFFFEC0]  }
0x12e: {  	[tilespmem:v3+s17+$0x0] =	vst.idx.msk $0xffff, v4;
	v4 =	vor.u32 s20, v2;
	v14 =	vld [tilespmem:s13+$0xFFFFFEE0]  }
0x12f: {  	v15 =	vor.u32 s23, v2;
	[tilespmem:v5+s17+$0x0] =	vst.idx.msk $0xffff, v6;
	v16 =	vld [tilespmem:s13+$0xFFFFFF00]  }
0x130: {  	v17 =	vor.u32 s24, v2;
	[tilespmem:v7+s17+$0x0] =	vst.idx.msk $0xffff, v8;
	v18 =	vld [tilespmem:s13+$0xFFFFFF20]  }
.Ltmp6:
0x131: {  	v12 =	vor.u32 s12, v2;
	[tilespmem:v9+s17+$0x0] =	vst.idx.msk $0xffff, v10;
	v10 =	vld [tilespmem:s13+$0xFFFFFF40];
	(pc) =	sbr.rel @p0 .LBB2_11-.Ltmp6, $4  }
0x132: {  	v6 =	vor.u32 s25, v2;
	[tilespmem:v11+s17+$0x0] =	vst.idx.msk $0xffff, v13;
	v3 =	vld [tilespmem:s13+$0xFFFFFF60]  }
0x133: {  	v5 =	vor.u32 s2, v2;
	[tilespmem:v4+s17+$0x0] =	vst.idx.msk $0xffff, v14;
	v4 =	vld [tilespmem:s13+$0xFFFFFF80]  }
0x134: {  	v8 =	vor.u32 s30, v2;
	[tilespmem:v15+s17+$0x0] =	vst.idx.msk $0xffff, v16;
	v7 =	vld [tilespmem:s13+$0xFFFFFFA0]  }
0x135: {  	v9 =	vor.u32 s15, v2;
	[tilespmem:v17+s17+$0x0] =	vst.idx.msk $0xffff, v18;
	v11 =	vld [tilespmem:s13+$0xFFFFFFC0]  }
.LBB2_12:
0x136: {  	_ =	sdelay $0x3  }
0x137: {  	[tilespmem:v12+s17+$0x0] =	vst.idx.msk $0xffff, v10;
	v10 =	vor.u32 s10, v2;
	v12 =	vld [tilespmem:s13+$0xFFFFFFE0]  }
0x138: {  	[tilespmem:v6+s17+$0x0] =	vst.idx.msk $0xffff, v3  }
0x139: {  	[tilespmem:v5+s17+$0x0] =	vst.idx.msk $0xffff, v4  }
0x13a: {  	[tilespmem:v8+s17+$0x0] =	vst.idx.msk $0xffff, v7  }
0x13b: {  	[tilespmem:v9+s17+$0x0] =	vst.idx.msk $0xffff, v11  }
0x13c: {  	s2 =	sadd.s32 $0xC1F, s0;
	[tilespmem:v10+s17+$0x0] =	vst.idx.msk $0xffff, v12  }
0x13d: {  	s13 =	sadd.s32 $0xC10, s0;
	v3 =	vor.u32 s2, v1;
	v4 =	vld [tilespmem:s14+$0xFFFFFFF0]  }
0x13e: {  	s11 =	sadd.s32 $0xC11, s0;
	v5 =	vor.u32 s13, v1;
	v6 =	vld [tilespmem:s14+$0xFFFFFE10]  }
0x13f: {  	s12 =	sadd.s32 $0xC12, s0;
	v7 =	vor.u32 s11, v1;
	v8 =	vld [tilespmem:s14+$0xFFFFFE30]  }
0x140: {  	s29 =	sadd.s32 $0xC13, s0;
	v9 =	vor.u32 s12, v1;
	v10 =	vld [tilespmem:s14+$0xFFFFFE50]  }
0x141: {  	s15 =	sadd.s32 $0xC14, s0;
	v11 =	vor.u32 s29, v1;
	v12 =	vld [tilespmem:s14+$0xFFFFFE70]  }
0x142: {  	s16 =	sadd.s32 $0xC15, s0;
	v13 =	vor.u32 s15, v1;
	v14 =	vld [tilespmem:s14+$0xFFFFFE90];
	[tilespmem:v3+s17+$0x0] =	vst.idx.msk $0xffff, v4  }
0x143: {  	s30 =	sadd.s32 $0xC16, s0;
	[tilespmem:v5+s17+$0x0] =	vst.idx.msk $0xffff, v6;
	v5 =	vor.u32 s16, v1;
	v6 =	vld [tilespmem:s14+$0xFFFFFEB0]  }
0x144: {  	s18 =	sadd.s32 $0xC17, s0;
	[tilespmem:v7+s17+$0x0] =	vst.idx.msk $0xffff, v8;
	v7 =	vor.u32 s30, v1;
	v8 =	vld [tilespmem:s14+$0xFFFFFED0]  }
0x145: {  	[tilespmem:v9+s17+$0x0] =	vst.idx.msk $0xffff, v10;
	v9 =	vor.u32 s18, v1;
	v10 =	vld [tilespmem:s14+$0xFFFFFEF0]  }
0x146: {  	s19 =	sadd.s32 $0xC18, s0;
	v3 =	vor.u32 s2, v2;
	[tilespmem:v11+s17+$0x0] =	vst.idx.msk $0xffff, v12;
	v4 =	vld [tilespmem:s14+$0x0]  }
0x147: {  	s20 =	sadd.s32 $0xC19, s0;
	[tilespmem:v13+s17+$0x0] =	vst.idx.msk $0xffff, v14;
	v11 =	vor.u32 s19, v1;
	v12 =	vld [tilespmem:s14+$0xFFFFFF10]  }
0x148: {  	s24 =	sadd.s32 $0xC1B, s0;
	v13 =	vor.u32 s20, v1;
	v14 =	vld [tilespmem:s14+$0xFFFFFF30];
	[tilespmem:v5+s17+$0x0] =	vst.idx.msk $0xffff, v6  }
0x149: {  	s25 =	sadd.s32 $0xC1C, s0;
	[tilespmem:v7+s17+$0x0] =	vst.idx.msk $0xffff, v8;
	v5 =	vor.u32 s24, v1;
	v6 =	vld [tilespmem:s14+$0xFFFFFF70]  }
0x14a: {  	s23 =	sadd.s32 $0xC1A, s0;
	[tilespmem:v9+s17+$0x0] =	vst.idx.msk $0xffff, v10;
	v7 =	vor.u32 s25, v1;
	v8 =	vld [tilespmem:s14+$0xFFFFFF90]  }
0x14b: {  	s26 =	sadd.s32 $0xC1D, s0;
	[tilespmem:v3+s17+$0x0] =	vst.idx.msk $0xffff, v4;
	v3 =	vor.u32 s23, v1;
	v4 =	vld [tilespmem:s14+$0xFFFFFF50]  }
0x14c: {  	s5 =	sadd.s32 $0xC1E, s0;
	[tilespmem:v11+s17+$0x0] =	vst.idx.msk $0xffff, v12;
	v9 =	vor.u32 s26, v1;
	v10 =	vld [tilespmem:s14+$0xFFFFFFB0]  }
0x14d: {  	[tilespmem:v13+s17+$0x0] =	vst.idx.msk $0xffff, v14;
	v11 =	vor.u32 s5, v1;
	v12 =	vld [tilespmem:s14+$0xFFFFFFD0]  }
0x14e: {  	v13 =	vor.u32 s13, v2;
	v14 =	vld [tilespmem:s14+$0xFFFFFE20];
	[tilespmem:v5+s17+$0x0] =	vst.idx.msk $0xffff, v6  }
0x14f: {  	v16 =	vor.u32 s19, v2;
	v17 =	vld [tilespmem:s14+$0xFFFFFF20];
	[tilespmem:v7+s17+$0x0] =	vst.idx.msk $0xffff, v8  }
0x150: {  	[tilespmem:v3+s17+$0x0] =	vst.idx.msk $0xffff, v4;
	v3 =	vor.u32 s11, v2;
	v4 =	vld [tilespmem:s14+$0xFFFFFE40]  }
0x151: {  	v5 =	vor.u32 s12, v2;
	v6 =	vld [tilespmem:s14+$0xFFFFFE60];
	[tilespmem:v9+s17+$0x0] =	vst.idx.msk $0xffff, v10  }
0x152: {  	v7 =	vor.u32 s29, v2;
	v8 =	vld [tilespmem:s14+$0xFFFFFE80];
	[tilespmem:v11+s17+$0x0] =	vst.idx.msk $0xffff, v12  }
0x153: {  	[tilespmem:v13+s17+$0x0] =	vst.idx.msk $0xffff, v14;
	v12 =	vor.u32 s16, v2;
	v13 =	vld [tilespmem:s14+$0xFFFFFEC0]  }
0x154: {  	v9 =	vor.u32 s15, v2;
	v10 =	vld [tilespmem:s14+$0xFFFFFEA0];
	[tilespmem:v16+s17+$0x0] =	vst.idx.msk $0xffff, v17  }
0x155: {  	s0 =	sadd.s32 $0x10, s0;
	v14 =	vld [tilespmem:s14+$0xFFFFFEE0];
	[tilespmem:v3+s17+$0x0] =	vst.idx.msk $0xffff, v4;
	v4 =	vor.u32 s30, v2  }
0x156: {  	p0 =	slt.u32 s0, $0x70;
	v15 =	vld [tilespmem:s14+$0xFFFFFF00];
	[tilespmem:v5+s17+$0x0] =	vst.idx.msk $0xffff, v6;
	v5 =	vor.u32 s18, v2  }
.Ltmp7:
0x157: {  	v11 =	vld [tilespmem:s14+$0xFFFFFF40];
	[tilespmem:v7+s17+$0x0] =	vst.idx.msk $0xffff, v8;
	(pc) =	sbr.rel @!p0 .LBB2_14-.Ltmp7, $4  }
0x158: {  	[tilespmem:v12+s17+$0x0] =	vst.idx.msk $0xffff, v13;
	v12 =	vor.u32 s20, v2;
	v7 =	vld [tilespmem:s14+$0xFFFFFFA0]  }
0x159: {  	[tilespmem:v9+s17+$0x0] =	vst.idx.msk $0xffff, v10;
	v9 =	vor.u32 s23, v2;
	v3 =	vld [tilespmem:s14+$0xFFFFFF60]  }
0x15a: {  	v6 =	vor.u32 s24, v2;
	[tilespmem:v4+s17+$0x0] =	vst.idx.msk $0xffff, v14;
	v4 =	vld [tilespmem:s14+$0xFFFFFF80]  }
0x15b: {  	v8 =	vor.u32 s25, v2;
	v10 =	vld [tilespmem:s14+$0xFFFFFFC0];
	[tilespmem:v5+s17+$0x0] =	vst.idx.msk $0xffff, v15;
	v5 =	vor.u32 s26, v2  }
.LBB2_13:
0x15c: {  	s2 =	sadd.s32 $0xC1F, s0  }
0x15d: {  	[tilespmem:v12+s17+$0x0] =	vst.idx.msk $0xffff, v11;
	v11 =	vor.u32 s5, v2;
	v12 =	vld [tilespmem:s14+$0xFFFFFFE0];
	s14 =	sadd.s32 $0x200, s14;
	s5 =	smov.u32 s0;
	s0 =	sadd.s32 $0x10, s0  }
0x15e: {  	s10 =	sadd.s32 $0xC10, s5;
	v13 =	vor.u32 s2, v1;
	v14 =	vld [tilespmem:s14+$0xFFFFFFF0];
	p0 =	slt.u32 s0, $0x70;
	[tilespmem:v9+s17+$0x0] =	vst.idx.msk $0xffff, v3  }
0x15f: {  	s11 =	sadd.s32 $0xC11, s5;
	v3 =	vor.u32 s10, v1;
	v9 =	vld [tilespmem:s14+$0xFFFFFE10];
	[tilespmem:v6+s17+$0x0] =	vst.idx.msk $0xffff, v4  }
0x160: {  	s13 =	sadd.s32 $0xC12, s5;
	v4 =	vor.u32 s11, v1;
	v6 =	vld [tilespmem:s14+$0xFFFFFE30];
	[tilespmem:v8+s17+$0x0] =	vst.idx.msk $0xffff, v7  }
0x161: {  	s16 =	sadd.s32 $0xC13, s5;
	v7 =	vor.u32 s13, v1;
	v8 =	vld [tilespmem:s14+$0xFFFFFE50];
	[tilespmem:v5+s17+$0x0] =	vst.idx.msk $0xffff, v10  }
0x162: {  	s18 =	sadd.s32 $0xC14, s5;
	v5 =	vor.u32 s16, v1;
	v10 =	vld [tilespmem:s14+$0xFFFFFE70];
	[tilespmem:v11+s17+$0x0] =	vst.idx.msk $0xffff, v12  }
0x163: {  	v11 =	vor.u32 s18, v1;
	v12 =	vld [tilespmem:s14+$0xFFFFFE90];
	[tilespmem:v13+s17+$0x0] =	vst.idx.msk $0xffff, v14  }
0x164: {  	s19 =	sadd.s32 $0xC15, s5;
	[tilespmem:v3+s17+$0x0] =	vst.idx.msk $0xffff, v9;
	v3 =	vor.u32 s2, v2;
	v9 =	vld [tilespmem:s14+$0x0]  }
0x165: {  	s20 =	sadd.s32 $0xC16, s5;
	[tilespmem:v4+s17+$0x0] =	vst.idx.msk $0xffff, v6;
	v4 =	vor.u32 s19, v1;
	v6 =	vld [tilespmem:s14+$0xFFFFFEB0]  }
0x166: {  	s23 =	sadd.s32 $0xC17, s5;
	[tilespmem:v7+s17+$0x0] =	vst.idx.msk $0xffff, v8;
	v7 =	vor.u32 s20, v1;
	v8 =	vld [tilespmem:s14+$0xFFFFFED0]  }
0x167: {  	s24 =	sadd.s32 $0xC18, s5;
	[tilespmem:v5+s17+$0x0] =	vst.idx.msk $0xffff, v10;
	v5 =	vor.u32 s23, v1;
	v10 =	vld [tilespmem:s14+$0xFFFFFEF0]  }
0x168: {  	s12 =	sadd.s32 $0xC19, s5;
	[tilespmem:v11+s17+$0x0] =	vst.idx.msk $0xffff, v12;
	v11 =	vor.u32 s24, v1;
	v12 =	vld [tilespmem:s14+$0xFFFFFF10]  }
0x169: {  	s25 =	sadd.s32 $0xC1A, s5;
	v13 =	vor.u32 s12, v1;
	v14 =	vld [tilespmem:s14+$0xFFFFFF30];
	[tilespmem:v3+s17+$0x0] =	vst.idx.msk $0xffff, v9  }
0x16a: {  	s2 =	sadd.s32 $0xC1B, s5;
	v3 =	vor.u32 s25, v1;
	[tilespmem:v4+s17+$0x0] =	vst.idx.msk $0xffff, v6;
	v4 =	vld [tilespmem:s14+$0xFFFFFF50]  }
0x16b: {  	s26 =	sadd.s32 $0xC1C, s5;
	v6 =	vor.u32 s2, v1;
	[tilespmem:v7+s17+$0x0] =	vst.idx.msk $0xffff, v8;
	v7 =	vld [tilespmem:s14+$0xFFFFFF70]  }
0x16c: {  	s15 =	sadd.s32 $0xC1D, s5;
	[tilespmem:v5+s17+$0x0] =	vst.idx.msk $0xffff, v10;
	v5 =	vor.u32 s26, v1;
	v8 =	vld [tilespmem:s14+$0xFFFFFF90]  }
0x16d: {  	s5 =	sadd.s32 $0xC1E, s5;
	v9 =	vor.u32 s15, v1;
	[tilespmem:v11+s17+$0x0] =	vst.idx.msk $0xffff, v12;
	v10 =	vld [tilespmem:s14+$0xFFFFFFB0]  }
0x16e: {  	v11 =	vor.u32 s5, v1;
	[tilespmem:v13+s17+$0x0] =	vst.idx.msk $0xffff, v14;
	v12 =	vld [tilespmem:s14+$0xFFFFFFD0]  }
0x16f: {  	v13 =	vor.u32 s10, v2;
	v14 =	vld [tilespmem:s14+$0xFFFFFE20];
	[tilespmem:v3+s17+$0x0] =	vst.idx.msk $0xffff, v4  }
0x170: {  	v3 =	vor.u32 s11, v2;
	v4 =	vld [tilespmem:s14+$0xFFFFFE40];
	[tilespmem:v6+s17+$0x0] =	vst.idx.msk $0xffff, v7  }
0x171: {  	v6 =	vor.u32 s13, v2;
	v7 =	vld [tilespmem:s14+$0xFFFFFE60];
	[tilespmem:v5+s17+$0x0] =	vst.idx.msk $0xffff, v8  }
0x172: {  	v5 =	vor.u32 s16, v2;
	v8 =	vld [tilespmem:s14+$0xFFFFFE80];
	[tilespmem:v9+s17+$0x0] =	vst.idx.msk $0xffff, v10  }
0x173: {  	v9 =	vor.u32 s18, v2;
	v10 =	vld [tilespmem:s14+$0xFFFFFEA0];
	[tilespmem:v11+s17+$0x0] =	vst.idx.msk $0xffff, v12  }
0x174: {  	[tilespmem:v13+s17+$0x0] =	vst.idx.msk $0xffff, v14;
	v13 =	vor.u32 s19, v2;
	v14 =	vld [tilespmem:s14+$0xFFFFFEC0]  }
0x175: {  	[tilespmem:v3+s17+$0x0] =	vst.idx.msk $0xffff, v4;
	v4 =	vor.u32 s20, v2;
	v15 =	vld [tilespmem:s14+$0xFFFFFEE0]  }
0x176: {  	[tilespmem:v6+s17+$0x0] =	vst.idx.msk $0xffff, v7;
	v7 =	vor.u32 s23, v2;
	v16 =	vld [tilespmem:s14+$0xFFFFFF00]  }
0x177: {  	[tilespmem:v5+s17+$0x0] =	vst.idx.msk $0xffff, v8;
	v5 =	vor.u32 s24, v2;
	v17 =	vld [tilespmem:s14+$0xFFFFFF20]  }
.Ltmp8:
0x178: {  	v12 =	vor.u32 s12, v2;
	[tilespmem:v9+s17+$0x0] =	vst.idx.msk $0xffff, v10;
	v11 =	vld [tilespmem:s14+$0xFFFFFF40];
	(pc) =	sbr.rel @p0 .LBB2_13-.Ltmp8, $4  }
0x179: {  	v9 =	vor.u32 s25, v2;
	[tilespmem:v13+s17+$0x0] =	vst.idx.msk $0xffff, v14;
	v3 =	vld [tilespmem:s14+$0xFFFFFF60]  }
0x17a: {  	v6 =	vor.u32 s2, v2;
	[tilespmem:v4+s17+$0x0] =	vst.idx.msk $0xffff, v15;
	v4 =	vld [tilespmem:s14+$0xFFFFFF80]  }
0x17b: {  	v8 =	vor.u32 s26, v2;
	[tilespmem:v7+s17+$0x0] =	vst.idx.msk $0xffff, v16;
	v7 =	vld [tilespmem:s14+$0xFFFFFFA0]  }
0x17c: {  	[tilespmem:v5+s17+$0x0] =	vst.idx.msk $0xffff, v17;
	v5 =	vor.u32 s15, v2;
	v10 =	vld [tilespmem:s14+$0xFFFFFFC0]  }
.LBB2_14:
0x17d: {  	_ =	sdelay $0x3  }
0x17e: {  	[tilespmem:v12+s17+$0x0] =	vst.idx.msk $0xffff, v11;
	v11 =	vor.u32 s5, v2;
	v12 =	vld [tilespmem:s14+$0xFFFFFFE0]  }
0x17f: {  	[tilespmem:v9+s17+$0x0] =	vst.idx.msk $0xffff, v3  }
0x180: {  	s0 =	sshll.u32 s31, $0x14;
	[tilespmem:v6+s17+$0x0] =	vst.idx.msk $0xffff, v4  }
0x181: {  	s0 =	sor.u32 s6, s0;
	[tilespmem:v8+s17+$0x0] =	vst.idx.msk $0xffff, v7  }
0x182: {  	s2 =	rddreg [dreg:$0x1];
	s0 =	sshrl.u32 s0, $0x3;
	[tilespmem:v5+s17+$0x0] =	vst.idx.msk $0xffff, v10  }
0x183: {  	s2 =	sadd.s32 s2, s0;
	[tilespmem:v11+s17+$0x0] =	vst.idx.msk $0xffff, v12  }
0x184: {  	[hbm4b:s2+s3] =	stream.linear.scatter [tilespmem:s17], [sflag:$0x3], $0x1000, $0x38;
	[tilespmem:$0x1D400] =	vst v63  }
0x185: {  	s25 =	simm.s32 $0x16400;
	s24 =	sadd.s32 s0, s7  }
0x186: {  	[hbm4b:s24+s3] =	stream.linear.scatter [tilespmem:s25], [sflag:$0x3], $0x1000, $0x38;
	[tilespmem:$0x1D400] =	vst v63  }
0x187: {  	s29 =	simm.s32 $0x17400;
	s26 =	sadd.s32 s0, s8  }
0x188: {  	[hbm4b:s26+s3] =	stream.linear.scatter [tilespmem:s29], [sflag:$0x3], $0x1000, $0x38;
	[tilespmem:$0x1D400] =	vst v63  }
0x189: {  	s30 =	simm.s32 $0x18400;
	p0 =	seq.s32 s31, $0x18;
	s0 =	sadd.s32 s0, s9  }
0x18a: {  	[hbm4b:s0+s3] =	stream.linear.scatter [tilespmem:s30], [sflag:$0x3], $0x1000, $0x38;
	[tilespmem:$0x1D400] =	vst v63  }
0x18b: {  	p1 =	seq.s32 @!p0 s31, $0x0;
	s0 =	sshll.u32 @!p0 s31, $0xA;
	_ =	swait.ge [sflag:s21], $0x4000  }
0x18c: {  	s5 =	simm.s32 @!p0 $0xD400;
	s0 =	sand.u32 @!p0 $0x3FFFFC00, s0;
	[sflag:s21] =	ssyncset.done $0x0  }
0x18d: {  	s2 =	simm.s32 @!p0 $0x200;
	s0 =	sadd.s32 @!p0 $0x7400, s0;
	[sflag:s21] =	ssyncadd.s32 $0xFFFFC000  }
0x18e: {  	[tilespmem:s5], [sflag:$0x1] =	stream.indirect.gather @!p0 [hbm4b:s4+s2], $0x20, s0, s2, $0xb8;
	[tilespmem:$0x1D400] =	vst v63  }
0x18f: {  	p0 =	por p0, !p1  }
0x190: {  	_ =	swait.ge @p0 [sflag:s28], $0x1000  }
0x191: {  	[sflag:s28] =	ssyncset.done @p0 $0x0  }
0x192: {  	[sflag:s28] =	ssyncadd.s32 @p0 $0xFFFFF000  }
0x193: {  	_ =	swait.ge @p0 [sflag:s28], $0x1000  }
0x194: {  	[sflag:s28] =	ssyncset.done @p0 $0x0  }
0x195: {  	[sflag:s28] =	ssyncadd.s32 @p0 $0xFFFFF000  }
0x196: {  	_ =	swait.ge @p0 [sflag:s28], $0x1000  }
0x197: {  	[sflag:s28] =	ssyncset.done @p0 $0x0  }
0x198: {  	[sflag:s28] =	ssyncadd.s32 @p0 $0xFFFFF000  }
0x199: {  	_ =	swait.ge @p0 [sflag:s28], $0x1000  }
0x19a: {  	[sflag:s28] =	ssyncset.done @p0 $0x0  }
0x19b: {  	s10 =	simm.s32 $0x115F0;
	s5 =	simm.s32 $0xF;
	[sflag:s28] =	ssyncadd.s32 @p0 $0xFFFFF000  }
0x19c: {  	s13 =	simm.s32 $0x0;
	v3 =	vor.u32 s5, v1;
	v4 =	vld [tilespmem:s10+$0xFFFFFFF0]  }
0x19d: {  	s14 =	simm.s32 $0x1;
	v5 =	vor.u32 s13, v1;
	v6 =	vld [tilespmem:s10+$0xFFFFFE10]  }
0x19e: {  	v7 =	vor.u32 s14, v1;
	s26 =	simm.s32 $0x2;
	v8 =	vld [tilespmem:s10+$0xFFFFFE30]  }
0x19f: {  	s11 =	simm.s32 $0x3;
	v9 =	vor.u32 s26, v1;
	v10 =	vld [tilespmem:s10+$0xFFFFFE50]  }
0x1a0: {  	s12 =	simm.s32 $0x4;
	v11 =	vor.u32 s11, v1;
	v12 =	vld [tilespmem:s10+$0xFFFFFE70]  }
0x1a1: {  	v13 =	vor.u32 s12, v1;
	s29 =	simm.s32 $0x5;
	v14 =	vld [tilespmem:s10+$0xFFFFFE90];
	[tilespmem:v3+s22+$0x0] =	vst.idx.msk $0xffff, v4  }
0x1a2: {  	s30 =	simm.s32 $0x6;
	[tilespmem:v5+s22+$0x0] =	vst.idx.msk $0xffff, v6;
	v5 =	vor.u32 s29, v1;
	v6 =	vld [tilespmem:s10+$0xFFFFFEB0]  }
0x1a3: {  	s15 =	simm.s32 $0x7;
	[tilespmem:v7+s22+$0x0] =	vst.idx.msk $0xffff, v8;
	v7 =	vor.u32 s30, v1;
	v8 =	vld [tilespmem:s10+$0xFFFFFED0]  }
0x1a4: {  	[tilespmem:v9+s22+$0x0] =	vst.idx.msk $0xffff, v10;
	v9 =	vor.u32 s15, v1;
	v10 =	vld [tilespmem:s10+$0xFFFFFEF0]  }
0x1a5: {  	s16 =	simm.s32 $0x8;
	v3 =	vor.u32 s5, v2;
	[tilespmem:v11+s22+$0x0] =	vst.idx.msk $0xffff, v12;
	v4 =	vld [tilespmem:s10+$0x0]  }
0x1a6: {  	s18 =	simm.s32 $0x9;
	[tilespmem:v13+s22+$0x0] =	vst.idx.msk $0xffff, v14;
	v11 =	vor.u32 s16, v1;
	v12 =	vld [tilespmem:s10+$0xFFFFFF10]  }
0x1a7: {  	s20 =	simm.s32 $0xB;
	v13 =	vor.u32 s18, v1;
	v14 =	vld [tilespmem:s10+$0xFFFFFF30];
	[tilespmem:v5+s22+$0x0] =	vst.idx.msk $0xffff, v6  }
0x1a8: {  	s23 =	simm.s32 $0xC;
	[tilespmem:v7+s22+$0x0] =	vst.idx.msk $0xffff, v8;
	v5 =	vor.u32 s20, v1;
	v6 =	vld [tilespmem:s10+$0xFFFFFF70]  }
0x1a9: {  	s19 =	simm.s32 $0xA;
	[tilespmem:v9+s22+$0x0] =	vst.idx.msk $0xffff, v10;
	v7 =	vor.u32 s23, v1;
	v8 =	vld [tilespmem:s10+$0xFFFFFF90]  }
0x1aa: {  	s24 =	simm.s32 $0xD;
	[tilespmem:v3+s22+$0x0] =	vst.idx.msk $0xffff, v4;
	v3 =	vor.u32 s19, v1;
	v4 =	vld [tilespmem:s10+$0xFFFFFF50]  }
0x1ab: {  	s25 =	simm.s32 $0xE;
	[tilespmem:v11+s22+$0x0] =	vst.idx.msk $0xffff, v12;
	v9 =	vor.u32 s24, v1;
	v10 =	vld [tilespmem:s10+$0xFFFFFFB0]  }
0x1ac: {  	[tilespmem:v13+s22+$0x0] =	vst.idx.msk $0xffff, v14;
	v11 =	vor.u32 s25, v1;
	v12 =	vld [tilespmem:s10+$0xFFFFFFD0]  }
0x1ad: {  	v13 =	vor.u32 s14, v2;
	v14 =	vld [tilespmem:s10+$0xFFFFFE40];
	[tilespmem:v5+s22+$0x0] =	vst.idx.msk $0xffff, v6  }
0x1ae: {  	v5 =	vor.u32 s11, v2;
	v6 =	vld [tilespmem:s10+$0xFFFFFE80];
	[tilespmem:v7+s22+$0x0] =	vst.idx.msk $0xffff, v8  }
0x1af: {  	[tilespmem:v3+s22+$0x0] =	vst.idx.msk $0xffff, v4;
	v3 =	vor.u32 s26, v2;
	v4 =	vld [tilespmem:s10+$0xFFFFFE60]  }
0x1b0: {  	v7 =	vor.u32 s12, v2;
	v8 =	vld [tilespmem:s10+$0xFFFFFEA0];
	[tilespmem:v9+s22+$0x0] =	vst.idx.msk $0xffff, v10  }
0x1b1: {  	v9 =	vor.u32 s29, v2;
	v10 =	vld [tilespmem:s10+$0xFFFFFEC0];
	[tilespmem:v11+s22+$0x0] =	vst.idx.msk $0xffff, v12  }
0x1b2: {  	[tilespmem:v13+s22+$0x0] =	vst.idx.msk $0xffff, v14;
	v11 =	vor.u32 s30, v2;
	v12 =	vld [tilespmem:s10+$0xFFFFFEE0]  }
0x1b3: {  	v14 =	vor.u32 s19, v2;
	v15 =	vld [tilespmem:s10+$0xFFFFFF60];
	[tilespmem:v5+s22+$0x0] =	vst.idx.msk $0xffff, v6  }
0x1b4: {  	[tilespmem:v3+s22+$0x0] =	vst.idx.msk $0xffff, v4;
	v3 =	vor.u32 s15, v2;
	v4 =	vld [tilespmem:s10+$0xFFFFFF00]  }
0x1b5: {  	v5 =	vor.u32 s16, v2;
	v6 =	vld [tilespmem:s10+$0xFFFFFF20];
	[tilespmem:v7+s22+$0x0] =	vst.idx.msk $0xffff, v8  }
0x1b6: {  	v13 =	vld [tilespmem:s10+$0xFFFFFF40];
	v7 =	vor.u32 s18, v2;
	[tilespmem:v9+s22+$0x0] =	vst.idx.msk $0xffff, v10  }
0x1b7: {  	[tilespmem:v11+s22+$0x0] =	vst.idx.msk $0xffff, v12;
	v11 =	vld [tilespmem:s10+$0xFFFFFF80];
	v12 =	vor.u32 s20, v2  }
0x1b8: {  	v8 =	vld [tilespmem:s10+$0xFFFFFFA0];
	v10 =	vor.u32 s23, v2;
	[tilespmem:v14+s22+$0x0] =	vst.idx.msk $0xffff, v15  }
0x1b9: {  	v9 =	vor.u32 s24, v2;
	[tilespmem:v3+s22+$0x0] =	vst.idx.msk $0xffff, v4;
	v4 =	vld [tilespmem:s10+$0xFFFFFFC0]  }
0x1ba: {  	s0 =	simm.s32 $0x10;
	[tilespmem:v5+s22+$0x0] =	vst.idx.msk $0xffff, v6;
	v5 =	vld [tilespmem:s10+$0xFFFFFFE0];
	v6 =	vor.u32 s25, v2  }
0x1bb: {  	s5 =	simm.s32 $0x20;
	s18 =	simm.s32 $0x1F;
	[tilespmem:v7+s22+$0x0] =	vst.idx.msk $0xffff, v13;
	v7 =	vld [tilespmem:s10+$0xFFFFFE20];
	v3 =	vor.u32 s13, v2;
	s13 =	simm.s32 $0x117F0  }
.LBB2_15:
0x1bc: {  	p0 =	slt.u32 s5, $0x70;
	v13 =	vor.u32 s18, v1;
	v14 =	vld [tilespmem:s13+$0xFFFFFFF0];
	[tilespmem:v12+s22+$0x0] =	vst.idx.msk $0xffff, v11;
	s14 =	smov.u32 s0;
	s0 =	smov.u32 s5  }
0x1bd: {  	v11 =	vor.u32 s14, v1;
	v12 =	vld [tilespmem:s13+$0xFFFFFE10];
	s10 =	sadd.s32 $0x1, s14;
	[tilespmem:v10+s22+$0x0] =	vst.idx.msk $0xffff, v8  }
0x1be: {  	s11 =	sadd.s32 $0x2, s14;
	v8 =	vor.u32 s10, v1;
	v10 =	vld [tilespmem:s13+$0xFFFFFE30];
	[tilespmem:v9+s22+$0x0] =	vst.idx.msk $0xffff, v4  }
0x1bf: {  	s16 =	sadd.s32 $0x3, s14;
	v4 =	vor.u32 s11, v1;
	v9 =	vld [tilespmem:s13+$0xFFFFFE50];
	[tilespmem:v6+s22+$0x0] =	vst.idx.msk $0xffff, v5  }
0x1c0: {  	s19 =	sadd.s32 $0x4, s14;
	v5 =	vor.u32 s16, v1;
	v6 =	vld [tilespmem:s13+$0xFFFFFE70];
	[tilespmem:v3+s22+$0x0] =	vst.idx.msk $0xffff, v7  }
0x1c1: {  	v3 =	vor.u32 s19, v1;
	v7 =	vld [tilespmem:s13+$0xFFFFFE90];
	[tilespmem:v13+s22+$0x0] =	vst.idx.msk $0xffff, v14  }
0x1c2: {  	s20 =	sadd.s32 $0x5, s14;
	[tilespmem:v11+s22+$0x0] =	vst.idx.msk $0xffff, v12;
	v11 =	vor.u32 s18, v2;
	v12 =	vld [tilespmem:s13+$0x0]  }
0x1c3: {  	s12 =	sadd.s32 $0x6, s14;
	[tilespmem:v8+s22+$0x0] =	vst.idx.msk $0xffff, v10;
	v8 =	vor.u32 s20, v1;
	v10 =	vld [tilespmem:s13+$0xFFFFFEB0]  }
0x1c4: {  	s2 =	sadd.s32 $0x7, s14;
	[tilespmem:v4+s22+$0x0] =	vst.idx.msk $0xffff, v9;
	v4 =	vor.u32 s12, v1;
	v9 =	vld [tilespmem:s13+$0xFFFFFED0]  }
0x1c5: {  	s18 =	sadd.s32 $0x8, s14;
	[tilespmem:v5+s22+$0x0] =	vst.idx.msk $0xffff, v6;
	v5 =	vor.u32 s2, v1;
	v6 =	vld [tilespmem:s13+$0xFFFFFEF0]  }
0x1c6: {  	s15 =	sadd.s32 $0x9, s14;
	[tilespmem:v3+s22+$0x0] =	vst.idx.msk $0xffff, v7;
	v3 =	vor.u32 s18, v1;
	v7 =	vld [tilespmem:s13+$0xFFFFFF10]  }
0x1c7: {  	s23 =	sadd.s32 $0xA, s14;
	v13 =	vor.u32 s15, v1;
	v14 =	vld [tilespmem:s13+$0xFFFFFF30];
	[tilespmem:v11+s22+$0x0] =	vst.idx.msk $0xffff, v12  }
0x1c8: {  	s24 =	sadd.s32 $0xB, s14;
	[tilespmem:v8+s22+$0x0] =	vst.idx.msk $0xffff, v10;
	v8 =	vor.u32 s23, v1;
	v10 =	vld [tilespmem:s13+$0xFFFFFF50]  }
0x1c9: {  	s25 =	sadd.s32 $0xC, s14;
	[tilespmem:v4+s22+$0x0] =	vst.idx.msk $0xffff, v9;
	v4 =	vor.u32 s24, v1;
	v9 =	vld [tilespmem:s13+$0xFFFFFF70]  }
0x1ca: {  	s26 =	sadd.s32 $0xD, s14;
	[tilespmem:v5+s22+$0x0] =	vst.idx.msk $0xffff, v6;
	v5 =	vor.u32 s25, v1;
	v6 =	vld [tilespmem:s13+$0xFFFFFF90]  }
0x1cb: {  	s29 =	sadd.s32 $0xE, s14;
	[tilespmem:v3+s22+$0x0] =	vst.idx.msk $0xffff, v7;
	v3 =	vor.u32 s26, v1;
	v7 =	vld [tilespmem:s13+$0xFFFFFFB0]  }
0x1cc: {  	v11 =	vor.u32 s29, v1;
	[tilespmem:v13+s22+$0x0] =	vst.idx.msk $0xffff, v14;
	v12 =	vld [tilespmem:s13+$0xFFFFFFD0]  }
0x1cd: {  	v13 =	vor.u32 s10, v2;
	v14 =	vld [tilespmem:s13+$0xFFFFFE40];
	[tilespmem:v8+s22+$0x0] =	vst.idx.msk $0xffff, v10  }
0x1ce: {  	v8 =	vor.u32 s11, v2;
	v10 =	vld [tilespmem:s13+$0xFFFFFE60];
	[tilespmem:v4+s22+$0x0] =	vst.idx.msk $0xffff, v9  }
0x1cf: {  	v4 =	vor.u32 s16, v2;
	v9 =	vld [tilespmem:s13+$0xFFFFFE80];
	[tilespmem:v5+s22+$0x0] =	vst.idx.msk $0xffff, v6  }
0x1d0: {  	v5 =	vor.u32 s19, v2;
	v6 =	vld [tilespmem:s13+$0xFFFFFEA0];
	[tilespmem:v3+s22+$0x0] =	vst.idx.msk $0xffff, v7  }
0x1d1: {  	v3 =	vor.u32 s20, v2;
	v7 =	vld [tilespmem:s13+$0xFFFFFEC0];
	[tilespmem:v11+s22+$0x0] =	vst.idx.msk $0xffff, v12  }
0x1d2: {  	v11 =	vor.u32 s12, v2;
	[tilespmem:v13+s22+$0x0] =	vst.idx.msk $0xffff, v14;
	v12 =	vld [tilespmem:s13+$0xFFFFFEE0]  }
0x1d3: {  	[tilespmem:v8+s22+$0x0] =	vst.idx.msk $0xffff, v10;
	v8 =	vor.u32 s2, v2;
	v10 =	vld [tilespmem:s13+$0xFFFFFF00]  }
0x1d4: {  	[tilespmem:v4+s22+$0x0] =	vst.idx.msk $0xffff, v9;
	v4 =	vor.u32 s18, v2;
	v9 =	vld [tilespmem:s13+$0xFFFFFF20]  }
0x1d5: {  	[tilespmem:v5+s22+$0x0] =	vst.idx.msk $0xffff, v6;
	v5 =	vor.u32 s15, v2;
	v6 =	vld [tilespmem:s13+$0xFFFFFF40]  }
0x1d6: {  	v13 =	vor.u32 s23, v2;
	[tilespmem:v3+s22+$0x0] =	vst.idx.msk $0xffff, v7;
	v14 =	vld [tilespmem:s13+$0xFFFFFF60]  }
.Ltmp9:
0x1d7: {  	[tilespmem:v11+s22+$0x0] =	vst.idx.msk $0xffff, v12;
	v12 =	vor.u32 s24, v2;
	v11 =	vld [tilespmem:s13+$0xFFFFFF80];
	(pc) =	sbr.rel @p0 .LBB2_15-.Ltmp9, $4  }
0x1d8: {  	[tilespmem:v8+s22+$0x0] =	vst.idx.msk $0xffff, v10;
	v10 =	vor.u32 s25, v2;
	v8 =	vld [tilespmem:s13+$0xFFFFFFA0]  }
0x1d9: {  	[tilespmem:v4+s22+$0x0] =	vst.idx.msk $0xffff, v9;
	v9 =	vor.u32 s26, v2;
	v4 =	vld [tilespmem:s13+$0xFFFFFFC0]  }
0x1da: {  	[tilespmem:v5+s22+$0x0] =	vst.idx.msk $0xffff, v6;
	v6 =	vor.u32 s29, v2;
	v5 =	vld [tilespmem:s13+$0xFFFFFFE0]  }
0x1db: {  	s5 =	sadd.s32 $0x10, s5;
	s18 =	sadd.s32 $0xF, s0;
	v3 =	vor.u32 s14, v2;
	v7 =	vld [tilespmem:s13+$0xFFFFFE20];
	[tilespmem:v13+s22+$0x0] =	vst.idx.msk $0xffff, v14;
	s13 =	sadd.s32 $0x200, s13  }
0x1dc: {  	_ =	sdelay $0x3  }
0x1dd: {  	v13 =	vor.u32 s18, v1;
	v14 =	vld [tilespmem:s13+$0xFFFFFFF0];
	[tilespmem:v12+s22+$0x0] =	vst.idx.msk $0xffff, v11  }
0x1de: {  	v11 =	vor.u32 s0, v1;
	v12 =	vld [tilespmem:s13+$0xFFFFFE10];
	s2 =	sadd.s32 $0x1, s0;
	[tilespmem:v10+s22+$0x0] =	vst.idx.msk $0xffff, v8  }
0x1df: {  	s5 =	sadd.s32 $0x2, s0;
	v8 =	vor.u32 s2, v1;
	v10 =	vld [tilespmem:s13+$0xFFFFFE30];
	[tilespmem:v9+s22+$0x0] =	vst.idx.msk $0xffff, v4  }
0x1e0: {  	s10 =	sadd.s32 $0x3, s0;
	v4 =	vor.u32 s5, v1;
	v9 =	vld [tilespmem:s13+$0xFFFFFE50];
	[tilespmem:v6+s22+$0x0] =	vst.idx.msk $0xffff, v5  }
0x1e1: {  	s11 =	sadd.s32 $0x4, s0;
	v5 =	vor.u32 s10, v1;
	v6 =	vld [tilespmem:s13+$0xFFFFFE70];
	[tilespmem:v3+s22+$0x0] =	vst.idx.msk $0xffff, v7  }
0x1e2: {  	s30 =	sadd.s32 $0x9, s0;
	v3 =	vor.u32 s11, v1;
	v7 =	vld [tilespmem:s13+$0xFFFFFE90];
	[tilespmem:v13+s22+$0x0] =	vst.idx.msk $0xffff, v14  }
0x1e3: {  	[tilespmem:v11+s22+$0x0] =	vst.idx.msk $0xffff, v12;
	v13 =	vor.u32 s30, v1;
	v14 =	vld [tilespmem:s13+$0xFFFFFF30]  }
0x1e4: {  	s12 =	sadd.s32 $0x5, s0;
	v11 =	vor.u32 s18, v2;
	v12 =	vld [tilespmem:s13+$0x0];
	[tilespmem:v8+s22+$0x0] =	vst.idx.msk $0xffff, v10  }
0x1e5: {  	s14 =	sadd.s32 $0x6, s0;
	v8 =	vor.u32 s12, v1;
	v10 =	vld [tilespmem:s13+$0xFFFFFEB0];
	[tilespmem:v4+s22+$0x0] =	vst.idx.msk $0xffff, v9  }
0x1e6: {  	s15 =	sadd.s32 $0x7, s0;
	v4 =	vor.u32 s14, v1;
	v9 =	vld [tilespmem:s13+$0xFFFFFED0];
	[tilespmem:v5+s22+$0x0] =	vst.idx.msk $0xffff, v6  }
0x1e7: {  	s16 =	sadd.s32 $0x8, s0;
	v5 =	vor.u32 s15, v1;
	v6 =	vld [tilespmem:s13+$0xFFFFFEF0];
	[tilespmem:v3+s22+$0x0] =	vst.idx.msk $0xffff, v7  }
0x1e8: {  	v3 =	vor.u32 s16, v1;
	v7 =	vld [tilespmem:s13+$0xFFFFFF10];
	[tilespmem:v13+s22+$0x0] =	vst.idx.msk $0xffff, v14  }
0x1e9: {  	s19 =	sadd.s32 $0xA, s0;
	v13 =	vor.u32 s2, v2;
	v14 =	vld [tilespmem:s13+$0xFFFFFE40];
	[tilespmem:v11+s22+$0x0] =	vst.idx.msk $0xffff, v12  }
0x1ea: {  	s25 =	sadd.s32 $0xE, s0;
	[tilespmem:v8+s22+$0x0] =	vst.idx.msk $0xffff, v10;
	v8 =	vor.u32 s19, v1;
	v10 =	vld [tilespmem:s13+$0xFFFFFF50]  }
0x1eb: {  	s20 =	sadd.s32 $0xB, s0;
	v11 =	vor.u32 s25, v1;
	v12 =	vld [tilespmem:s13+$0xFFFFFFD0];
	[tilespmem:v4+s22+$0x0] =	vst.idx.msk $0xffff, v9  }
0x1ec: {  	s23 =	sadd.s32 $0xC, s0;
	v4 =	vor.u32 s20, v1;
	v9 =	vld [tilespmem:s13+$0xFFFFFF70];
	[tilespmem:v5+s22+$0x0] =	vst.idx.msk $0xffff, v6  }
0x1ed: {  	s24 =	sadd.s32 $0xD, s0;
	v5 =	vor.u32 s23, v1;
	v6 =	vld [tilespmem:s13+$0xFFFFFF90];
	[tilespmem:v3+s22+$0x0] =	vst.idx.msk $0xffff, v7  }
0x1ee: {  	v3 =	vor.u32 s24, v1;
	v7 =	vld [tilespmem:s13+$0xFFFFFFB0];
	[tilespmem:v13+s22+$0x0] =	vst.idx.msk $0xffff, v14  }
0x1ef: {  	v13 =	vor.u32 s0, v2;
	v14 =	vld [tilespmem:s13+$0xFFFFFE20];
	[tilespmem:v8+s22+$0x0] =	vst.idx.msk $0xffff, v10  }
0x1f0: {  	v8 =	vor.u32 s5, v2;
	v10 =	vld [tilespmem:s13+$0xFFFFFE60];
	[tilespmem:v11+s22+$0x0] =	vst.idx.msk $0xffff, v12  }
0x1f1: {  	[tilespmem:v4+s22+$0x0] =	vst.idx.msk $0xffff, v9;
	v4 =	vor.u32 s10, v2;
	v9 =	vld [tilespmem:s13+$0xFFFFFE80]  }
0x1f2: {  	[tilespmem:v5+s22+$0x0] =	vst.idx.msk $0xffff, v6;
	v5 =	vor.u32 s11, v2;
	v6 =	vld [tilespmem:s13+$0xFFFFFEA0]  }
0x1f3: {  	v11 =	vor.u32 s14, v2;
	v12 =	vld [tilespmem:s13+$0xFFFFFEE0];
	[tilespmem:v3+s22+$0x0] =	vst.idx.msk $0xffff, v7  }
0x1f4: {  	v3 =	vor.u32 s12, v2;
	v7 =	vld [tilespmem:s13+$0xFFFFFEC0];
	[tilespmem:v13+s22+$0x0] =	vst.idx.msk $0xffff, v14  }
0x1f5: {  	[tilespmem:v8+s22+$0x0] =	vst.idx.msk $0xffff, v10;
	v8 =	vor.u32 s15, v2;
	v10 =	vld [tilespmem:s13+$0xFFFFFF00]  }
0x1f6: {  	[tilespmem:v4+s22+$0x0] =	vst.idx.msk $0xffff, v9;
	v4 =	vor.u32 s16, v2;
	v9 =	vld [tilespmem:s13+$0xFFFFFF20]  }
0x1f7: {  	[tilespmem:v5+s22+$0x0] =	vst.idx.msk $0xffff, v6;
	v5 =	vor.u32 s30, v2;
	v6 =	vld [tilespmem:s13+$0xFFFFFF40]  }
0x1f8: {  	[tilespmem:v11+s22+$0x0] =	vst.idx.msk $0xffff, v12;
	v11 =	vor.u32 s20, v2;
	v12 =	vld [tilespmem:s13+$0xFFFFFF80]  }
0x1f9: {  	[tilespmem:v3+s22+$0x0] =	vst.idx.msk $0xffff, v7;
	v3 =	vor.u32 s19, v2;
	v7 =	vld [tilespmem:s13+$0xFFFFFF60]  }
0x1fa: {  	[tilespmem:v8+s22+$0x0] =	vst.idx.msk $0xffff, v10;
	v8 =	vor.u32 s23, v2;
	v10 =	vld [tilespmem:s13+$0xFFFFFFA0]  }
0x1fb: {  	[tilespmem:v4+s22+$0x0] =	vst.idx.msk $0xffff, v9;
	v4 =	vor.u32 s24, v2;
	v9 =	vld [tilespmem:s13+$0xFFFFFFC0]  }
0x1fc: {  	[tilespmem:v5+s22+$0x0] =	vst.idx.msk $0xffff, v6;
	v5 =	vor.u32 s25, v2;
	v6 =	vld [tilespmem:s13+$0xFFFFFFE0]  }
0x1fd: {  	[tilespmem:v11+s22+$0x0] =	vst.idx.msk $0xffff, v12  }
0x1fe: {  	[tilespmem:v3+s22+$0x0] =	vst.idx.msk $0xffff, v7  }
0x1ff: {  	[tilespmem:v8+s22+$0x0] =	vst.idx.msk $0xffff, v10  }
0x200: {  	[tilespmem:v4+s22+$0x0] =	vst.idx.msk $0xffff, v9  }
0x201: {  	s14 =	simm.s32 $0x12400;
	s10 =	simm.s32 $0x40F;
	[tilespmem:v5+s22+$0x0] =	vst.idx.msk $0xffff, v6  }
0x202: {  	s11 =	simm.s32 $0x400;
	v3 =	vor.u32 s10, v1;
	v4 =	vld [tilespmem:s14+$0x1E0]  }
0x203: {  	s12 =	simm.s32 $0x401;
	v5 =	vor.u32 s11, v1;
	v6 =	vld [tilespmem:s14+$0x0]  }
0x204: {  	s13 =	simm.s32 $0x402;
	v7 =	vor.u32 s12, v1;
	v8 =	vld [tilespmem:s14+$0x20]  }
0x205: {  	s15 =	simm.s32 $0x403;
	v9 =	vor.u32 s13, v1;
	v10 =	vld [tilespmem:s14+$0x40]  }
0x206: {  	s16 =	simm.s32 $0x404;
	v11 =	vor.u32 s15, v1;
	v12 =	vld [tilespmem:s14+$0x60]  }
0x207: {  	s18 =	simm.s32 $0x405;
	v13 =	vor.u32 s16, v1;
	v14 =	vld [tilespmem:s14+$0x80];
	[tilespmem:v3+s22+$0x0] =	vst.idx.msk $0xffff, v4  }
0x208: {  	s19 =	simm.s32 $0x406;
	[tilespmem:v5+s22+$0x0] =	vst.idx.msk $0xffff, v6;
	v5 =	vor.u32 s18, v1;
	v6 =	vld [tilespmem:s14+$0xA0]  }
0x209: {  	s20 =	simm.s32 $0x407;
	[tilespmem:v7+s22+$0x0] =	vst.idx.msk $0xffff, v8;
	v7 =	vor.u32 s19, v1;
	v8 =	vld [tilespmem:s14+$0xC0]  }
0x20a: {  	[tilespmem:v9+s22+$0x0] =	vst.idx.msk $0xffff, v10;
	v9 =	vor.u32 s20, v1;
	v10 =	vld [tilespmem:s14+$0xE0]  }
0x20b: {  	s23 =	simm.s32 $0x408;
	v3 =	vor.u32 s10, v2;
	[tilespmem:v11+s22+$0x0] =	vst.idx.msk $0xffff, v12;
	v4 =	vld [tilespmem:s14+$0x1F0]  }
0x20c: {  	s24 =	simm.s32 $0x409;
	[tilespmem:v13+s22+$0x0] =	vst.idx.msk $0xffff, v14;
	v11 =	vor.u32 s23, v1;
	v12 =	vld [tilespmem:s14+$0x100]  }
0x20d: {  	s26 =	simm.s32 $0x40B;
	v13 =	vor.u32 s24, v1;
	v14 =	vld [tilespmem:s14+$0x120];
	[tilespmem:v5+s22+$0x0] =	vst.idx.msk $0xffff, v6  }
0x20e: {  	s29 =	simm.s32 $0x40C;
	[tilespmem:v7+s22+$0x0] =	vst.idx.msk $0xffff, v8;
	v5 =	vor.u32 s26, v1;
	v6 =	vld [tilespmem:s14+$0x160]  }
0x20f: {  	s25 =	simm.s32 $0x40A;
	[tilespmem:v9+s22+$0x0] =	vst.idx.msk $0xffff, v10;
	v7 =	vor.u32 s29, v1;
	v8 =	vld [tilespmem:s14+$0x180]  }
0x210: {  	s30 =	simm.s32 $0x40D;
	[tilespmem:v3+s22+$0x0] =	vst.idx.msk $0xffff, v4;
	v3 =	vor.u32 s25, v1;
	v4 =	vld [tilespmem:s14+$0x140]  }
0x211: {  	s10 =	simm.s32 $0x40E;
	[tilespmem:v11+s22+$0x0] =	vst.idx.msk $0xffff, v12;
	v9 =	vor.u32 s30, v1;
	v10 =	vld [tilespmem:s14+$0x1A0]  }
0x212: {  	[tilespmem:v13+s22+$0x0] =	vst.idx.msk $0xffff, v14;
	v11 =	vor.u32 s10, v1;
	v12 =	vld [tilespmem:s14+$0x1C0]  }
0x213: {  	v13 =	vor.u32 s11, v2;
	v14 =	vld [tilespmem:s14+$0x10];
	[tilespmem:v5+s22+$0x0] =	vst.idx.msk $0xffff, v6  }
0x214: {  	v16 =	vor.u32 s23, v2;
	v17 =	vld [tilespmem:s14+$0x110];
	[tilespmem:v7+s22+$0x0] =	vst.idx.msk $0xffff, v8  }
0x215: {  	[tilespmem:v3+s22+$0x0] =	vst.idx.msk $0xffff, v4;
	v3 =	vor.u32 s12, v2;
	v4 =	vld [tilespmem:s14+$0x30]  }
0x216: {  	v7 =	vor.u32 s15, v2;
	v8 =	vld [tilespmem:s14+$0x70];
	[tilespmem:v9+s22+$0x0] =	vst.idx.msk $0xffff, v10  }
0x217: {  	v9 =	vor.u32 s16, v2;
	v10 =	vld [tilespmem:s14+$0x90];
	[tilespmem:v11+s22+$0x0] =	vst.idx.msk $0xffff, v12  }
0x218: {  	[tilespmem:v13+s22+$0x0] =	vst.idx.msk $0xffff, v14;
	v11 =	vor.u32 s18, v2;
	v12 =	vld [tilespmem:s14+$0xB0]  }
0x219: {  	v5 =	vor.u32 s13, v2;
	v6 =	vld [tilespmem:s14+$0x50];
	[tilespmem:v16+s22+$0x0] =	vst.idx.msk $0xffff, v17  }
0x21a: {  	v13 =	vld [tilespmem:s14+$0xD0];
	[tilespmem:v3+s22+$0x0] =	vst.idx.msk $0xffff, v4;
	v4 =	vor.u32 s19, v2  }
0x21b: {  	p0 =	por $0x1, $0x1;
	v15 =	vld [tilespmem:s14+$0xF0];
	v14 =	vor.u32 s20, v2;
	[tilespmem:v7+s22+$0x0] =	vst.idx.msk $0xffff, v8  }
.Ltmp10:
0x21c: {  	[tilespmem:v9+s22+$0x0] =	vst.idx.msk $0xffff, v10;
	v10 =	vld [tilespmem:s14+$0x130];
	(pc) =	sbr.rel @!p0 .LBB2_18-.Ltmp10, $4  }
0x21d: {  	[tilespmem:v11+s22+$0x0] =	vst.idx.msk $0xffff, v12;
	v12 =	vor.u32 s24, v2;
	v7 =	vld [tilespmem:s14+$0x190]  }
0x21e: {  	[tilespmem:v5+s22+$0x0] =	vst.idx.msk $0xffff, v6;
	v6 =	vor.u32 s25, v2;
	v3 =	vld [tilespmem:s14+$0x150]  }
0x21f: {  	v5 =	vor.u32 s26, v2;
	[tilespmem:v4+s22+$0x0] =	vst.idx.msk $0xffff, v13;
	v4 =	vld [tilespmem:s14+$0x170]  }
0x220: {  	s0 =	simm.s32 $0xFFFFFFF0;
	s5 =	simm.s32 $0x0;
	s13 =	simm.s32 $0x13400;
	[tilespmem:v14+s22+$0x0] =	vst.idx.msk $0xffff, v15;
	v8 =	vor.u32 s29, v2;
	v9 =	vor.u32 s30, v2;
	v11 =	vld [tilespmem:s14+$0x1B0]  }
.LBB2_17:
0x221: {  	s2 =	sadd.s32 $0x41F, s5  }
0x222: {  	[tilespmem:v12+s22+$0x0] =	vst.idx.msk $0xffff, v10;
	v10 =	vor.u32 s10, v2;
	v12 =	vld [tilespmem:s14+$0x1D0];
	s14 =	sadd.s32 $0x200, s14;
	s10 =	smov.u32 s5;
	s5 =	sadd.s32 $0x10, s5  }
0x223: {  	s11 =	sadd.s32 $0x410, s10;
	v13 =	vor.u32 s2, v1;
	v14 =	vld [tilespmem:s14+$0x1E0];
	p0 =	slt.u32 s5, $0x70;
	[tilespmem:v6+s22+$0x0] =	vst.idx.msk $0xffff, v3  }
0x224: {  	s26 =	sadd.s32 $0x411, s10;
	v3 =	vor.u32 s11, v1;
	v6 =	vld [tilespmem:s14+$0x0];
	[tilespmem:v5+s22+$0x0] =	vst.idx.msk $0xffff, v4  }
0x225: {  	s29 =	sadd.s32 $0x412, s10;
	v4 =	vor.u32 s26, v1;
	v5 =	vld [tilespmem:s14+$0x20];
	[tilespmem:v8+s22+$0x0] =	vst.idx.msk $0xffff, v7  }
0x226: {  	s16 =	sadd.s32 $0x413, s10;
	v7 =	vor.u32 s29, v1;
	v8 =	vld [tilespmem:s14+$0x40];
	[tilespmem:v9+s22+$0x0] =	vst.idx.msk $0xffff, v11  }
0x227: {  	s18 =	sadd.s32 $0x414, s10;
	v9 =	vor.u32 s16, v1;
	v11 =	vld [tilespmem:s14+$0x60];
	[tilespmem:v10+s22+$0x0] =	vst.idx.msk $0xffff, v12  }
0x228: {  	v10 =	vor.u32 s18, v1;
	v12 =	vld [tilespmem:s14+$0x80];
	[tilespmem:v13+s22+$0x0] =	vst.idx.msk $0xffff, v14  }
0x229: {  	s19 =	sadd.s32 $0x415, s10;
	[tilespmem:v3+s22+$0x0] =	vst.idx.msk $0xffff, v6;
	v3 =	vor.u32 s2, v2;
	v6 =	vld [tilespmem:s14+$0x1F0]  }
0x22a: {  	s20 =	sadd.s32 $0x416, s10;
	[tilespmem:v4+s22+$0x0] =	vst.idx.msk $0xffff, v5;
	v4 =	vor.u32 s19, v1;
	v5 =	vld [tilespmem:s14+$0xA0]  }
0x22b: {  	s23 =	sadd.s32 $0x417, s10;
	[tilespmem:v7+s22+$0x0] =	vst.idx.msk $0xffff, v8;
	v7 =	vor.u32 s20, v1;
	v8 =	vld [tilespmem:s14+$0xC0]  }
0x22c: {  	s24 =	sadd.s32 $0x418, s10;
	[tilespmem:v9+s22+$0x0] =	vst.idx.msk $0xffff, v11;
	v9 =	vor.u32 s23, v1;
	v11 =	vld [tilespmem:s14+$0xE0]  }
0x22d: {  	s12 =	sadd.s32 $0x419, s10;
	[tilespmem:v10+s22+$0x0] =	vst.idx.msk $0xffff, v12;
	v10 =	vor.u32 s24, v1;
	v12 =	vld [tilespmem:s14+$0x100]  }
0x22e: {  	s25 =	sadd.s32 $0x41A, s10;
	v13 =	vor.u32 s12, v1;
	v14 =	vld [tilespmem:s14+$0x120];
	[tilespmem:v3+s22+$0x0] =	vst.idx.msk $0xffff, v6  }
0x22f: {  	s2 =	sadd.s32 $0x41B, s10;
	v3 =	vor.u32 s25, v1;
	[tilespmem:v4+s22+$0x0] =	vst.idx.msk $0xffff, v5;
	v4 =	vld [tilespmem:s14+$0x140]  }
0x230: {  	s30 =	sadd.s32 $0x41C, s10;
	v5 =	vor.u32 s2, v1;
	[tilespmem:v7+s22+$0x0] =	vst.idx.msk $0xffff, v8;
	v6 =	vld [tilespmem:s14+$0x160]  }
0x231: {  	s15 =	sadd.s32 $0x41D, s10;
	v7 =	vor.u32 s30, v1;
	[tilespmem:v9+s22+$0x0] =	vst.idx.msk $0xffff, v11;
	v8 =	vld [tilespmem:s14+$0x180]  }
0x232: {  	s10 =	sadd.s32 $0x41E, s10;
	v9 =	vor.u32 s15, v1;
	[tilespmem:v10+s22+$0x0] =	vst.idx.msk $0xffff, v12;
	v10 =	vld [tilespmem:s14+$0x1A0]  }
0x233: {  	v11 =	vor.u32 s10, v1;
	[tilespmem:v13+s22+$0x0] =	vst.idx.msk $0xffff, v14;
	v12 =	vld [tilespmem:s14+$0x1C0]  }
0x234: {  	v13 =	vor.u32 s11, v2;
	v14 =	vld [tilespmem:s14+$0x10];
	[tilespmem:v3+s22+$0x0] =	vst.idx.msk $0xffff, v4  }
0x235: {  	v3 =	vor.u32 s26, v2;
	v4 =	vld [tilespmem:s14+$0x30];
	[tilespmem:v5+s22+$0x0] =	vst.idx.msk $0xffff, v6  }
0x236: {  	v5 =	vor.u32 s29, v2;
	v6 =	vld [tilespmem:s14+$0x50];
	[tilespmem:v7+s22+$0x0] =	vst.idx.msk $0xffff, v8  }
0x237: {  	v7 =	vor.u32 s16, v2;
	v8 =	vld [tilespmem:s14+$0x70];
	[tilespmem:v9+s22+$0x0] =	vst.idx.msk $0xffff, v10  }
0x238: {  	v9 =	vor.u32 s18, v2;
	v10 =	vld [tilespmem:s14+$0x90];
	[tilespmem:v11+s22+$0x0] =	vst.idx.msk $0xffff, v12  }
0x239: {  	v11 =	vor.u32 s19, v2;
	[tilespmem:v13+s22+$0x0] =	vst.idx.msk $0xffff, v14;
	v13 =	vld [tilespmem:s14+$0xB0]  }
0x23a: {  	[tilespmem:v3+s22+$0x0] =	vst.idx.msk $0xffff, v4;
	v4 =	vor.u32 s20, v2;
	v14 =	vld [tilespmem:s14+$0xD0]  }
0x23b: {  	v15 =	vor.u32 s23, v2;
	[tilespmem:v5+s22+$0x0] =	vst.idx.msk $0xffff, v6;
	v16 =	vld [tilespmem:s14+$0xF0]  }
0x23c: {  	v17 =	vor.u32 s24, v2;
	[tilespmem:v7+s22+$0x0] =	vst.idx.msk $0xffff, v8;
	v18 =	vld [tilespmem:s14+$0x110]  }
.Ltmp11:
0x23d: {  	v12 =	vor.u32 s12, v2;
	[tilespmem:v9+s22+$0x0] =	vst.idx.msk $0xffff, v10;
	v10 =	vld [tilespmem:s14+$0x130];
	(pc) =	sbr.rel @p0 .LBB2_17-.Ltmp11, $4  }
0x23e: {  	v6 =	vor.u32 s25, v2;
	[tilespmem:v11+s22+$0x0] =	vst.idx.msk $0xffff, v13;
	v3 =	vld [tilespmem:s14+$0x150]  }
0x23f: {  	v5 =	vor.u32 s2, v2;
	[tilespmem:v4+s22+$0x0] =	vst.idx.msk $0xffff, v14;
	v4 =	vld [tilespmem:s14+$0x170]  }
0x240: {  	v8 =	vor.u32 s30, v2;
	[tilespmem:v15+s22+$0x0] =	vst.idx.msk $0xffff, v16;
	v7 =	vld [tilespmem:s14+$0x190]  }
0x241: {  	v9 =	vor.u32 s15, v2;
	[tilespmem:v17+s22+$0x0] =	vst.idx.msk $0xffff, v18;
	v11 =	vld [tilespmem:s14+$0x1B0]  }
.LBB2_18:
0x242: {  	_ =	sdelay $0x3  }
0x243: {  	[tilespmem:v12+s22+$0x0] =	vst.idx.msk $0xffff, v10;
	v10 =	vor.u32 s10, v2;
	v12 =	vld [tilespmem:s14+$0x1D0]  }
0x244: {  	[tilespmem:v6+s22+$0x0] =	vst.idx.msk $0xffff, v3  }
0x245: {  	[tilespmem:v5+s22+$0x0] =	vst.idx.msk $0xffff, v4  }
0x246: {  	[tilespmem:v8+s22+$0x0] =	vst.idx.msk $0xffff, v7  }
0x247: {  	[tilespmem:v9+s22+$0x0] =	vst.idx.msk $0xffff, v11  }
0x248: {  	s2 =	simm.s32 $0x80F;
	[tilespmem:v10+s22+$0x0] =	vst.idx.msk $0xffff, v12  }
0x249: {  	s5 =	simm.s32 $0x800;
	v3 =	vor.u32 s2, v1;
	v4 =	vld [tilespmem:s13+$0x1E0]  }
0x24a: {  	s11 =	simm.s32 $0x801;
	v5 =	vor.u32 s5, v1;
	v6 =	vld [tilespmem:s13+$0x0]  }
0x24b: {  	s12 =	simm.s32 $0x802;
	v7 =	vor.u32 s11, v1;
	v8 =	vld [tilespmem:s13+$0x20]  }
0x24c: {  	s29 =	simm.s32 $0x803;
	v9 =	vor.u32 s12, v1;
	v10 =	vld [tilespmem:s13+$0x40]  }
0x24d: {  	s15 =	simm.s32 $0x804;
	v11 =	vor.u32 s29, v1;
	v12 =	vld [tilespmem:s13+$0x60]  }
0x24e: {  	s16 =	simm.s32 $0x805;
	v13 =	vor.u32 s15, v1;
	v14 =	vld [tilespmem:s13+$0x80];
	[tilespmem:v3+s22+$0x0] =	vst.idx.msk $0xffff, v4  }
0x24f: {  	s30 =	simm.s32 $0x806;
	[tilespmem:v5+s22+$0x0] =	vst.idx.msk $0xffff, v6;
	v5 =	vor.u32 s16, v1;
	v6 =	vld [tilespmem:s13+$0xA0]  }
0x250: {  	s18 =	simm.s32 $0x807;
	[tilespmem:v7+s22+$0x0] =	vst.idx.msk $0xffff, v8;
	v7 =	vor.u32 s30, v1;
	v8 =	vld [tilespmem:s13+$0xC0]  }
0x251: {  	[tilespmem:v9+s22+$0x0] =	vst.idx.msk $0xffff, v10;
	v9 =	vor.u32 s18, v1;
	v10 =	vld [tilespmem:s13+$0xE0]  }
0x252: {  	s19 =	simm.s32 $0x808;
	v3 =	vor.u32 s2, v2;
	[tilespmem:v11+s22+$0x0] =	vst.idx.msk $0xffff, v12;
	v4 =	vld [tilespmem:s13+$0x1F0]  }
0x253: {  	s20 =	simm.s32 $0x809;
	[tilespmem:v13+s22+$0x0] =	vst.idx.msk $0xffff, v14;
	v11 =	vor.u32 s19, v1;
	v12 =	vld [tilespmem:s13+$0x100]  }
0x254: {  	s24 =	simm.s32 $0x80B;
	v13 =	vor.u32 s20, v1;
	v14 =	vld [tilespmem:s13+$0x120];
	[tilespmem:v5+s22+$0x0] =	vst.idx.msk $0xffff, v6  }
0x255: {  	s25 =	simm.s32 $0x80C;
	[tilespmem:v7+s22+$0x0] =	vst.idx.msk $0xffff, v8;
	v5 =	vor.u32 s24, v1;
	v6 =	vld [tilespmem:s13+$0x160]  }
0x256: {  	s23 =	simm.s32 $0x80A;
	[tilespmem:v9+s22+$0x0] =	vst.idx.msk $0xffff, v10;
	v7 =	vor.u32 s25, v1;
	v8 =	vld [tilespmem:s13+$0x180]  }
0x257: {  	s26 =	simm.s32 $0x80D;
	[tilespmem:v3+s22+$0x0] =	vst.idx.msk $0xffff, v4;
	v3 =	vor.u32 s23, v1;
	v4 =	vld [tilespmem:s13+$0x140]  }
0x258: {  	s10 =	simm.s32 $0x80E;
	[tilespmem:v11+s22+$0x0] =	vst.idx.msk $0xffff, v12;
	v9 =	vor.u32 s26, v1;
	v10 =	vld [tilespmem:s13+$0x1A0]  }
0x259: {  	[tilespmem:v13+s22+$0x0] =	vst.idx.msk $0xffff, v14;
	v11 =	vor.u32 s10, v1;
	v12 =	vld [tilespmem:s13+$0x1C0]  }
0x25a: {  	v13 =	vor.u32 s5, v2;
	v14 =	vld [tilespmem:s13+$0x10];
	[tilespmem:v5+s22+$0x0] =	vst.idx.msk $0xffff, v6  }
0x25b: {  	v16 =	vor.u32 s19, v2;
	v17 =	vld [tilespmem:s13+$0x110];
	[tilespmem:v7+s22+$0x0] =	vst.idx.msk $0xffff, v8  }
0x25c: {  	[tilespmem:v3+s22+$0x0] =	vst.idx.msk $0xffff, v4;
	v3 =	vor.u32 s11, v2;
	v4 =	vld [tilespmem:s13+$0x30]  }
0x25d: {  	v7 =	vor.u32 s29, v2;
	v8 =	vld [tilespmem:s13+$0x70];
	[tilespmem:v9+s22+$0x0] =	vst.idx.msk $0xffff, v10  }
0x25e: {  	v9 =	vor.u32 s15, v2;
	v10 =	vld [tilespmem:s13+$0x90];
	[tilespmem:v11+s22+$0x0] =	vst.idx.msk $0xffff, v12  }
0x25f: {  	[tilespmem:v13+s22+$0x0] =	vst.idx.msk $0xffff, v14;
	v11 =	vor.u32 s16, v2;
	v12 =	vld [tilespmem:s13+$0xB0]  }
0x260: {  	v5 =	vor.u32 s12, v2;
	v6 =	vld [tilespmem:s13+$0x50];
	[tilespmem:v16+s22+$0x0] =	vst.idx.msk $0xffff, v17  }
0x261: {  	v13 =	vld [tilespmem:s13+$0xD0];
	[tilespmem:v3+s22+$0x0] =	vst.idx.msk $0xffff, v4;
	v4 =	vor.u32 s30, v2  }
0x262: {  	p0 =	por $0x1, $0x1;
	v15 =	vld [tilespmem:s13+$0xF0];
	v14 =	vor.u32 s18, v2;
	[tilespmem:v7+s22+$0x0] =	vst.idx.msk $0xffff, v8  }
.Ltmp12:
0x263: {  	[tilespmem:v9+s22+$0x0] =	vst.idx.msk $0xffff, v10;
	v10 =	vld [tilespmem:s13+$0x130];
	(pc) =	sbr.rel @!p0 .LBB2_20-.Ltmp12, $4  }
0x264: {  	[tilespmem:v11+s22+$0x0] =	vst.idx.msk $0xffff, v12;
	v12 =	vor.u32 s20, v2;
	v7 =	vld [tilespmem:s13+$0x190]  }
0x265: {  	[tilespmem:v5+s22+$0x0] =	vst.idx.msk $0xffff, v6;
	v6 =	vor.u32 s23, v2;
	v3 =	vld [tilespmem:s13+$0x150]  }
0x266: {  	v5 =	vor.u32 s24, v2;
	[tilespmem:v4+s22+$0x0] =	vst.idx.msk $0xffff, v13;
	v4 =	vld [tilespmem:s13+$0x170]  }
0x267: {  	s14 =	simm.s32 $0x14400;
	s5 =	simm.s32 $0x0;
	[tilespmem:v14+s22+$0x0] =	vst.idx.msk $0xffff, v15;
	v8 =	vor.u32 s25, v2;
	v9 =	vor.u32 s26, v2;
	v11 =	vld [tilespmem:s13+$0x1B0]  }
.LBB2_19:
0x268: {  	s2 =	sadd.s32 $0x81F, s5  }
0x269: {  	[tilespmem:v12+s22+$0x0] =	vst.idx.msk $0xffff, v10;
	v10 =	vor.u32 s10, v2;
	v12 =	vld [tilespmem:s13+$0x1D0];
	s13 =	sadd.s32 $0x200, s13;
	s10 =	smov.u32 s5;
	s5 =	sadd.s32 $0x10, s5  }
0x26a: {  	s11 =	sadd.s32 $0x810, s10;
	v13 =	vor.u32 s2, v1;
	v14 =	vld [tilespmem:s13+$0x1E0];
	p0 =	slt.u32 s5, $0x70;
	[tilespmem:v6+s22+$0x0] =	vst.idx.msk $0xffff, v3  }
0x26b: {  	s26 =	sadd.s32 $0x811, s10;
	v3 =	vor.u32 s11, v1;
	v6 =	vld [tilespmem:s13+$0x0];
	[tilespmem:v5+s22+$0x0] =	vst.idx.msk $0xffff, v4  }
0x26c: {  	s29 =	sadd.s32 $0x812, s10;
	v4 =	vor.u32 s26, v1;
	v5 =	vld [tilespmem:s13+$0x20];
	[tilespmem:v8+s22+$0x0] =	vst.idx.msk $0xffff, v7  }
0x26d: {  	s16 =	sadd.s32 $0x813, s10;
	v7 =	vor.u32 s29, v1;
	v8 =	vld [tilespmem:s13+$0x40];
	[tilespmem:v9+s22+$0x0] =	vst.idx.msk $0xffff, v11  }
0x26e: {  	s18 =	sadd.s32 $0x814, s10;
	v9 =	vor.u32 s16, v1;
	v11 =	vld [tilespmem:s13+$0x60];
	[tilespmem:v10+s22+$0x0] =	vst.idx.msk $0xffff, v12  }
0x26f: {  	v10 =	vor.u32 s18, v1;
	v12 =	vld [tilespmem:s13+$0x80];
	[tilespmem:v13+s22+$0x0] =	vst.idx.msk $0xffff, v14  }
0x270: {  	s19 =	sadd.s32 $0x815, s10;
	[tilespmem:v3+s22+$0x0] =	vst.idx.msk $0xffff, v6;
	v3 =	vor.u32 s2, v2;
	v6 =	vld [tilespmem:s13+$0x1F0]  }
0x271: {  	s20 =	sadd.s32 $0x816, s10;
	[tilespmem:v4+s22+$0x0] =	vst.idx.msk $0xffff, v5;
	v4 =	vor.u32 s19, v1;
	v5 =	vld [tilespmem:s13+$0xA0]  }
0x272: {  	s23 =	sadd.s32 $0x817, s10;
	[tilespmem:v7+s22+$0x0] =	vst.idx.msk $0xffff, v8;
	v7 =	vor.u32 s20, v1;
	v8 =	vld [tilespmem:s13+$0xC0]  }
0x273: {  	s24 =	sadd.s32 $0x818, s10;
	[tilespmem:v9+s22+$0x0] =	vst.idx.msk $0xffff, v11;
	v9 =	vor.u32 s23, v1;
	v11 =	vld [tilespmem:s13+$0xE0]  }
0x274: {  	s12 =	sadd.s32 $0x819, s10;
	[tilespmem:v10+s22+$0x0] =	vst.idx.msk $0xffff, v12;
	v10 =	vor.u32 s24, v1;
	v12 =	vld [tilespmem:s13+$0x100]  }
0x275: {  	s25 =	sadd.s32 $0x81A, s10;
	v13 =	vor.u32 s12, v1;
	v14 =	vld [tilespmem:s13+$0x120];
	[tilespmem:v3+s22+$0x0] =	vst.idx.msk $0xffff, v6  }
0x276: {  	s2 =	sadd.s32 $0x81B, s10;
	v3 =	vor.u32 s25, v1;
	[tilespmem:v4+s22+$0x0] =	vst.idx.msk $0xffff, v5;
	v4 =	vld [tilespmem:s13+$0x140]  }
0x277: {  	s30 =	sadd.s32 $0x81C, s10;
	v5 =	vor.u32 s2, v1;
	[tilespmem:v7+s22+$0x0] =	vst.idx.msk $0xffff, v8;
	v6 =	vld [tilespmem:s13+$0x160]  }
0x278: {  	s15 =	sadd.s32 $0x81D, s10;
	v7 =	vor.u32 s30, v1;
	[tilespmem:v9+s22+$0x0] =	vst.idx.msk $0xffff, v11;
	v8 =	vld [tilespmem:s13+$0x180]  }
0x279: {  	s10 =	sadd.s32 $0x81E, s10;
	v9 =	vor.u32 s15, v1;
	[tilespmem:v10+s22+$0x0] =	vst.idx.msk $0xffff, v12;
	v10 =	vld [tilespmem:s13+$0x1A0]  }
0x27a: {  	v11 =	vor.u32 s10, v1;
	[tilespmem:v13+s22+$0x0] =	vst.idx.msk $0xffff, v14;
	v12 =	vld [tilespmem:s13+$0x1C0]  }
0x27b: {  	v13 =	vor.u32 s11, v2;
	v14 =	vld [tilespmem:s13+$0x10];
	[tilespmem:v3+s22+$0x0] =	vst.idx.msk $0xffff, v4  }
0x27c: {  	v3 =	vor.u32 s26, v2;
	v4 =	vld [tilespmem:s13+$0x30];
	[tilespmem:v5+s22+$0x0] =	vst.idx.msk $0xffff, v6  }
0x27d: {  	v5 =	vor.u32 s29, v2;
	v6 =	vld [tilespmem:s13+$0x50];
	[tilespmem:v7+s22+$0x0] =	vst.idx.msk $0xffff, v8  }
0x27e: {  	v7 =	vor.u32 s16, v2;
	v8 =	vld [tilespmem:s13+$0x70];
	[tilespmem:v9+s22+$0x0] =	vst.idx.msk $0xffff, v10  }
0x27f: {  	v9 =	vor.u32 s18, v2;
	v10 =	vld [tilespmem:s13+$0x90];
	[tilespmem:v11+s22+$0x0] =	vst.idx.msk $0xffff, v12  }
0x280: {  	v11 =	vor.u32 s19, v2;
	[tilespmem:v13+s22+$0x0] =	vst.idx.msk $0xffff, v14;
	v13 =	vld [tilespmem:s13+$0xB0]  }
0x281: {  	[tilespmem:v3+s22+$0x0] =	vst.idx.msk $0xffff, v4;
	v4 =	vor.u32 s20, v2;
	v14 =	vld [tilespmem:s13+$0xD0]  }
0x282: {  	v15 =	vor.u32 s23, v2;
	[tilespmem:v5+s22+$0x0] =	vst.idx.msk $0xffff, v6;
	v16 =	vld [tilespmem:s13+$0xF0]  }
0x283: {  	v17 =	vor.u32 s24, v2;
	[tilespmem:v7+s22+$0x0] =	vst.idx.msk $0xffff, v8;
	v18 =	vld [tilespmem:s13+$0x110]  }
.Ltmp13:
0x284: {  	v12 =	vor.u32 s12, v2;
	[tilespmem:v9+s22+$0x0] =	vst.idx.msk $0xffff, v10;
	v10 =	vld [tilespmem:s13+$0x130];
	(pc) =	sbr.rel @p0 .LBB2_19-.Ltmp13, $4  }
0x285: {  	v6 =	vor.u32 s25, v2;
	[tilespmem:v11+s22+$0x0] =	vst.idx.msk $0xffff, v13;
	v3 =	vld [tilespmem:s13+$0x150]  }
0x286: {  	v5 =	vor.u32 s2, v2;
	[tilespmem:v4+s22+$0x0] =	vst.idx.msk $0xffff, v14;
	v4 =	vld [tilespmem:s13+$0x170]  }
0x287: {  	v8 =	vor.u32 s30, v2;
	[tilespmem:v15+s22+$0x0] =	vst.idx.msk $0xffff, v16;
	v7 =	vld [tilespmem:s13+$0x190]  }
0x288: {  	v9 =	vor.u32 s15, v2;
	[tilespmem:v17+s22+$0x0] =	vst.idx.msk $0xffff, v18;
	v11 =	vld [tilespmem:s13+$0x1B0]  }
.LBB2_20:
0x289: {  	_ =	sdelay $0x3  }
0x28a: {  	[tilespmem:v12+s22+$0x0] =	vst.idx.msk $0xffff, v10;
	v10 =	vor.u32 s10, v2;
	v12 =	vld [tilespmem:s13+$0x1D0]  }
0x28b: {  	[tilespmem:v6+s22+$0x0] =	vst.idx.msk $0xffff, v3  }
0x28c: {  	[tilespmem:v5+s22+$0x0] =	vst.idx.msk $0xffff, v4  }
0x28d: {  	[tilespmem:v8+s22+$0x0] =	vst.idx.msk $0xffff, v7  }
0x28e: {  	[tilespmem:v9+s22+$0x0] =	vst.idx.msk $0xffff, v11  }
0x28f: {  	s2 =	sadd.s32 $0xC1F, s0;
	[tilespmem:v10+s22+$0x0] =	vst.idx.msk $0xffff, v12  }
0x290: {  	s13 =	sadd.s32 $0xC10, s0;
	v3 =	vor.u32 s2, v1;
	v4 =	vld [tilespmem:s14+$0x1E0]  }
0x291: {  	s11 =	sadd.s32 $0xC11, s0;
	v5 =	vor.u32 s13, v1;
	v6 =	vld [tilespmem:s14+$0x0]  }
0x292: {  	s12 =	sadd.s32 $0xC12, s0;
	v7 =	vor.u32 s11, v1;
	v8 =	vld [tilespmem:s14+$0x20]  }
0x293: {  	s29 =	sadd.s32 $0xC13, s0;
	v9 =	vor.u32 s12, v1;
	v10 =	vld [tilespmem:s14+$0x40]  }
0x294: {  	s15 =	sadd.s32 $0xC14, s0;
	v11 =	vor.u32 s29, v1;
	v12 =	vld [tilespmem:s14+$0x60]  }
0x295: {  	s16 =	sadd.s32 $0xC15, s0;
	v13 =	vor.u32 s15, v1;
	v14 =	vld [tilespmem:s14+$0x80];
	[tilespmem:v3+s22+$0x0] =	vst.idx.msk $0xffff, v4  }
0x296: {  	s30 =	sadd.s32 $0xC16, s0;
	[tilespmem:v5+s22+$0x0] =	vst.idx.msk $0xffff, v6;
	v5 =	vor.u32 s16, v1;
	v6 =	vld [tilespmem:s14+$0xA0]  }
0x297: {  	s18 =	sadd.s32 $0xC17, s0;
	[tilespmem:v7+s22+$0x0] =	vst.idx.msk $0xffff, v8;
	v7 =	vor.u32 s30, v1;
	v8 =	vld [tilespmem:s14+$0xC0]  }
0x298: {  	[tilespmem:v9+s22+$0x0] =	vst.idx.msk $0xffff, v10;
	v9 =	vor.u32 s18, v1;
	v10 =	vld [tilespmem:s14+$0xE0]  }
0x299: {  	s19 =	sadd.s32 $0xC18, s0;
	v3 =	vor.u32 s2, v2;
	[tilespmem:v11+s22+$0x0] =	vst.idx.msk $0xffff, v12;
	v4 =	vld [tilespmem:s14+$0x1F0]  }
0x29a: {  	s20 =	sadd.s32 $0xC19, s0;
	[tilespmem:v13+s22+$0x0] =	vst.idx.msk $0xffff, v14;
	v11 =	vor.u32 s19, v1;
	v12 =	vld [tilespmem:s14+$0x100]  }
0x29b: {  	s24 =	sadd.s32 $0xC1B, s0;
	v13 =	vor.u32 s20, v1;
	v14 =	vld [tilespmem:s14+$0x120];
	[tilespmem:v5+s22+$0x0] =	vst.idx.msk $0xffff, v6  }
0x29c: {  	s25 =	sadd.s32 $0xC1C, s0;
	[tilespmem:v7+s22+$0x0] =	vst.idx.msk $0xffff, v8;
	v5 =	vor.u32 s24, v1;
	v6 =	vld [tilespmem:s14+$0x160]  }
0x29d: {  	s23 =	sadd.s32 $0xC1A, s0;
	[tilespmem:v9+s22+$0x0] =	vst.idx.msk $0xffff, v10;
	v7 =	vor.u32 s25, v1;
	v8 =	vld [tilespmem:s14+$0x180]  }
0x29e: {  	s26 =	sadd.s32 $0xC1D, s0;
	[tilespmem:v3+s22+$0x0] =	vst.idx.msk $0xffff, v4;
	v3 =	vor.u32 s23, v1;
	v4 =	vld [tilespmem:s14+$0x140]  }
0x29f: {  	s5 =	sadd.s32 $0xC1E, s0;
	[tilespmem:v11+s22+$0x0] =	vst.idx.msk $0xffff, v12;
	v9 =	vor.u32 s26, v1;
	v10 =	vld [tilespmem:s14+$0x1A0]  }
0x2a0: {  	[tilespmem:v13+s22+$0x0] =	vst.idx.msk $0xffff, v14;
	v11 =	vor.u32 s5, v1;
	v12 =	vld [tilespmem:s14+$0x1C0]  }
0x2a1: {  	v13 =	vor.u32 s13, v2;
	v14 =	vld [tilespmem:s14+$0x10];
	[tilespmem:v5+s22+$0x0] =	vst.idx.msk $0xffff, v6  }
0x2a2: {  	v16 =	vor.u32 s19, v2;
	v17 =	vld [tilespmem:s14+$0x110];
	[tilespmem:v7+s22+$0x0] =	vst.idx.msk $0xffff, v8  }
0x2a3: {  	[tilespmem:v3+s22+$0x0] =	vst.idx.msk $0xffff, v4;
	v3 =	vor.u32 s11, v2;
	v4 =	vld [tilespmem:s14+$0x30]  }
0x2a4: {  	v5 =	vor.u32 s12, v2;
	v6 =	vld [tilespmem:s14+$0x50];
	[tilespmem:v9+s22+$0x0] =	vst.idx.msk $0xffff, v10  }
0x2a5: {  	v7 =	vor.u32 s29, v2;
	v8 =	vld [tilespmem:s14+$0x70];
	[tilespmem:v11+s22+$0x0] =	vst.idx.msk $0xffff, v12  }
0x2a6: {  	[tilespmem:v13+s22+$0x0] =	vst.idx.msk $0xffff, v14;
	v12 =	vor.u32 s16, v2;
	v13 =	vld [tilespmem:s14+$0xB0]  }
0x2a7: {  	v9 =	vor.u32 s15, v2;
	v10 =	vld [tilespmem:s14+$0x90];
	[tilespmem:v16+s22+$0x0] =	vst.idx.msk $0xffff, v17  }
0x2a8: {  	s0 =	sadd.s32 $0x10, s0;
	v14 =	vld [tilespmem:s14+$0xD0];
	[tilespmem:v3+s22+$0x0] =	vst.idx.msk $0xffff, v4;
	v4 =	vor.u32 s30, v2  }
0x2a9: {  	p0 =	slt.u32 s0, $0x70;
	v15 =	vld [tilespmem:s14+$0xF0];
	[tilespmem:v5+s22+$0x0] =	vst.idx.msk $0xffff, v6;
	v5 =	vor.u32 s18, v2  }
.Ltmp14:
0x2aa: {  	v11 =	vld [tilespmem:s14+$0x130];
	[tilespmem:v7+s22+$0x0] =	vst.idx.msk $0xffff, v8;
	(pc) =	sbr.rel @!p0 .LBB2_22-.Ltmp14, $4  }
0x2ab: {  	[tilespmem:v12+s22+$0x0] =	vst.idx.msk $0xffff, v13;
	v12 =	vor.u32 s20, v2;
	v7 =	vld [tilespmem:s14+$0x190]  }
0x2ac: {  	[tilespmem:v9+s22+$0x0] =	vst.idx.msk $0xffff, v10;
	v9 =	vor.u32 s23, v2;
	v3 =	vld [tilespmem:s14+$0x150]  }
0x2ad: {  	v6 =	vor.u32 s24, v2;
	[tilespmem:v4+s22+$0x0] =	vst.idx.msk $0xffff, v14;
	v4 =	vld [tilespmem:s14+$0x170]  }
0x2ae: {  	v8 =	vor.u32 s25, v2;
	v10 =	vld [tilespmem:s14+$0x1B0];
	[tilespmem:v5+s22+$0x0] =	vst.idx.msk $0xffff, v15;
	v5 =	vor.u32 s26, v2  }
.LBB2_21:
0x2af: {  	s2 =	sadd.s32 $0xC1F, s0  }
0x2b0: {  	[tilespmem:v12+s22+$0x0] =	vst.idx.msk $0xffff, v11;
	v11 =	vor.u32 s5, v2;
	v12 =	vld [tilespmem:s14+$0x1D0];
	s14 =	sadd.s32 $0x200, s14;
	s5 =	smov.u32 s0;
	s0 =	sadd.s32 $0x10, s0  }
0x2b1: {  	s10 =	sadd.s32 $0xC10, s5;
	v13 =	vor.u32 s2, v1;
	v14 =	vld [tilespmem:s14+$0x1E0];
	p0 =	slt.u32 s0, $0x70;
	[tilespmem:v9+s22+$0x0] =	vst.idx.msk $0xffff, v3  }
0x2b2: {  	s11 =	sadd.s32 $0xC11, s5;
	v3 =	vor.u32 s10, v1;
	v9 =	vld [tilespmem:s14+$0x0];
	[tilespmem:v6+s22+$0x0] =	vst.idx.msk $0xffff, v4  }
0x2b3: {  	s13 =	sadd.s32 $0xC12, s5;
	v4 =	vor.u32 s11, v1;
	v6 =	vld [tilespmem:s14+$0x20];
	[tilespmem:v8+s22+$0x0] =	vst.idx.msk $0xffff, v7  }
0x2b4: {  	s16 =	sadd.s32 $0xC13, s5;
	v7 =	vor.u32 s13, v1;
	v8 =	vld [tilespmem:s14+$0x40];
	[tilespmem:v5+s22+$0x0] =	vst.idx.msk $0xffff, v10  }
0x2b5: {  	s18 =	sadd.s32 $0xC14, s5;
	v5 =	vor.u32 s16, v1;
	v10 =	vld [tilespmem:s14+$0x60];
	[tilespmem:v11+s22+$0x0] =	vst.idx.msk $0xffff, v12  }
0x2b6: {  	v11 =	vor.u32 s18, v1;
	v12 =	vld [tilespmem:s14+$0x80];
	[tilespmem:v13+s22+$0x0] =	vst.idx.msk $0xffff, v14  }
0x2b7: {  	s19 =	sadd.s32 $0xC15, s5;
	[tilespmem:v3+s22+$0x0] =	vst.idx.msk $0xffff, v9;
	v3 =	vor.u32 s2, v2;
	v9 =	vld [tilespmem:s14+$0x1F0]  }
0x2b8: {  	s20 =	sadd.s32 $0xC16, s5;
	[tilespmem:v4+s22+$0x0] =	vst.idx.msk $0xffff, v6;
	v4 =	vor.u32 s19, v1;
	v6 =	vld [tilespmem:s14+$0xA0]  }
0x2b9: {  	s23 =	sadd.s32 $0xC17, s5;
	[tilespmem:v7+s22+$0x0] =	vst.idx.msk $0xffff, v8;
	v7 =	vor.u32 s20, v1;
	v8 =	vld [tilespmem:s14+$0xC0]  }
0x2ba: {  	s24 =	sadd.s32 $0xC18, s5;
	[tilespmem:v5+s22+$0x0] =	vst.idx.msk $0xffff, v10;
	v5 =	vor.u32 s23, v1;
	v10 =	vld [tilespmem:s14+$0xE0]  }
0x2bb: {  	s12 =	sadd.s32 $0xC19, s5;
	[tilespmem:v11+s22+$0x0] =	vst.idx.msk $0xffff, v12;
	v11 =	vor.u32 s24, v1;
	v12 =	vld [tilespmem:s14+$0x100]  }
0x2bc: {  	s25 =	sadd.s32 $0xC1A, s5;
	v13 =	vor.u32 s12, v1;
	v14 =	vld [tilespmem:s14+$0x120];
	[tilespmem:v3+s22+$0x0] =	vst.idx.msk $0xffff, v9  }
0x2bd: {  	s2 =	sadd.s32 $0xC1B, s5;
	v3 =	vor.u32 s25, v1;
	[tilespmem:v4+s22+$0x0] =	vst.idx.msk $0xffff, v6;
	v4 =	vld [tilespmem:s14+$0x140]  }
0x2be: {  	s26 =	sadd.s32 $0xC1C, s5;
	v6 =	vor.u32 s2, v1;
	[tilespmem:v7+s22+$0x0] =	vst.idx.msk $0xffff, v8;
	v7 =	vld [tilespmem:s14+$0x160]  }
0x2bf: {  	s15 =	sadd.s32 $0xC1D, s5;
	[tilespmem:v5+s22+$0x0] =	vst.idx.msk $0xffff, v10;
	v5 =	vor.u32 s26, v1;
	v8 =	vld [tilespmem:s14+$0x180]  }
0x2c0: {  	s5 =	sadd.s32 $0xC1E, s5;
	v9 =	vor.u32 s15, v1;
	[tilespmem:v11+s22+$0x0] =	vst.idx.msk $0xffff, v12;
	v10 =	vld [tilespmem:s14+$0x1A0]  }
0x2c1: {  	v11 =	vor.u32 s5, v1;
	[tilespmem:v13+s22+$0x0] =	vst.idx.msk $0xffff, v14;
	v12 =	vld [tilespmem:s14+$0x1C0]  }
0x2c2: {  	v13 =	vor.u32 s10, v2;
	v14 =	vld [tilespmem:s14+$0x10];
	[tilespmem:v3+s22+$0x0] =	vst.idx.msk $0xffff, v4  }
0x2c3: {  	v3 =	vor.u32 s11, v2;
	v4 =	vld [tilespmem:s14+$0x30];
	[tilespmem:v6+s22+$0x0] =	vst.idx.msk $0xffff, v7  }
0x2c4: {  	v6 =	vor.u32 s13, v2;
	v7 =	vld [tilespmem:s14+$0x50];
	[tilespmem:v5+s22+$0x0] =	vst.idx.msk $0xffff, v8  }
0x2c5: {  	v5 =	vor.u32 s16, v2;
	v8 =	vld [tilespmem:s14+$0x70];
	[tilespmem:v9+s22+$0x0] =	vst.idx.msk $0xffff, v10  }
0x2c6: {  	v9 =	vor.u32 s18, v2;
	v10 =	vld [tilespmem:s14+$0x90];
	[tilespmem:v11+s22+$0x0] =	vst.idx.msk $0xffff, v12  }
0x2c7: {  	[tilespmem:v13+s22+$0x0] =	vst.idx.msk $0xffff, v14;
	v13 =	vor.u32 s19, v2;
	v14 =	vld [tilespmem:s14+$0xB0]  }
0x2c8: {  	[tilespmem:v3+s22+$0x0] =	vst.idx.msk $0xffff, v4;
	v4 =	vor.u32 s20, v2;
	v15 =	vld [tilespmem:s14+$0xD0]  }
0x2c9: {  	[tilespmem:v6+s22+$0x0] =	vst.idx.msk $0xffff, v7;
	v7 =	vor.u32 s23, v2;
	v16 =	vld [tilespmem:s14+$0xF0]  }
0x2ca: {  	[tilespmem:v5+s22+$0x0] =	vst.idx.msk $0xffff, v8;
	v5 =	vor.u32 s24, v2;
	v17 =	vld [tilespmem:s14+$0x110]  }
.Ltmp15:
0x2cb: {  	v12 =	vor.u32 s12, v2;
	[tilespmem:v9+s22+$0x0] =	vst.idx.msk $0xffff, v10;
	v11 =	vld [tilespmem:s14+$0x130];
	(pc) =	sbr.rel @p0 .LBB2_21-.Ltmp15, $4  }
0x2cc: {  	v9 =	vor.u32 s25, v2;
	[tilespmem:v13+s22+$0x0] =	vst.idx.msk $0xffff, v14;
	v3 =	vld [tilespmem:s14+$0x150]  }
0x2cd: {  	v6 =	vor.u32 s2, v2;
	[tilespmem:v4+s22+$0x0] =	vst.idx.msk $0xffff, v15;
	v4 =	vld [tilespmem:s14+$0x170]  }
0x2ce: {  	v8 =	vor.u32 s26, v2;
	[tilespmem:v7+s22+$0x0] =	vst.idx.msk $0xffff, v16;
	v7 =	vld [tilespmem:s14+$0x190]  }
0x2cf: {  	[tilespmem:v5+s22+$0x0] =	vst.idx.msk $0xffff, v17;
	v5 =	vor.u32 s15, v2;
	v10 =	vld [tilespmem:s14+$0x1B0]  }
.LBB2_22:
0x2d0: {  	_ =	sdelay $0x3  }
0x2d1: {  	[tilespmem:v12+s22+$0x0] =	vst.idx.msk $0xffff, v11;
	v62 =	vor.u32 s5, v2;
	v63 =	vld [tilespmem:s14+$0x1D0]  }
0x2d2: {  	[tilespmem:v9+s22+$0x0] =	vst.idx.msk $0xffff, v3  }
0x2d3: {  	s0 =	sshll.u32 s1, $0x13;
	[tilespmem:v6+s22+$0x0] =	vst.idx.msk $0xffff, v4  }
0x2d4: {  	s0 =	sor.u32 s6, s0;
	[tilespmem:v8+s22+$0x0] =	vst.idx.msk $0xffff, v7  }
0x2d5: {  	s24 =	rddreg [dreg:$0x1];
	s0 =	sshrl.u32 s0, $0x3;
	[tilespmem:v5+s22+$0x0] =	vst.idx.msk $0xffff, v10  }
0x2d6: {  	s31 =	sadd.s32 $0x1, s31;
	s1 =	sadd.s32 s24, s0;
	[tilespmem:v62+s22+$0x0] =	vst.idx.msk $0xffff, v63  }
0x2d7: {  	[hbm4b:s1+s3] =	stream.linear.scatter [tilespmem:s22], [sflag:$0x4], $0x1000, $0x38;
	[tilespmem:$0x1D400] =	vst v63  }
0x2d8: {  	s2 =	simm.s32 $0x1A400;
	p0 =	sne.s32 s31, $0x19;
	s25 =	sadd.s32 s0, s7  }
0x2d9: {  	[hbm4b:s25+s3] =	stream.linear.scatter [tilespmem:s2], [sflag:$0x4], $0x1000, $0x38;
	[tilespmem:$0x1D400] =	vst v63  }
.Ltmp16:
0x2da: {  	_ = 	snop;
	(pc) =	sbr.rel @p0 .LBB2_6-.Ltmp16, $4  }
0x2db: {  	s29 =	simm.s32 $0x1B400;
	s26 =	sadd.s32 s0, s8  }
0x2dc: {  	[hbm4b:s26+s3] =	stream.linear.scatter [tilespmem:s29], [sflag:$0x4], $0x1000, $0x38;
	[tilespmem:$0x1D400] =	vst v63  }
0x2dd: {  	s30 =	simm.s32 $0x1C400;
	s0 =	sadd.s32 s0, s9  }
0x2de: {  	[hbm4b:s0+s3] =	stream.linear.scatter [tilespmem:s30], [sflag:$0x4], $0x1000, $0x38;
	[tilespmem:$0x1D400] =	vst v63  }
0x2df: {  	s0 =	simm.s32 $0x3  }
0x2e0: {  	_ =	swait.ge [sflag:s0], $0x1000  }
0x2e1: {  	[sflag:s0] =	ssyncset.done $0x0  }
0x2e2: {  	[sflag:s0] =	ssyncadd.s32 $0xFFFFF000  }
0x2e3: {  	_ =	swait.ge [sflag:s0], $0x1000  }
0x2e4: {  	[sflag:s0] =	ssyncset.done $0x0  }
0x2e5: {  	[sflag:s0] =	ssyncadd.s32 $0xFFFFF000  }
0x2e6: {  	_ =	swait.ge [sflag:s0], $0x1000  }
0x2e7: {  	[sflag:s0] =	ssyncset.done $0x0  }
0x2e8: {  	[sflag:s0] =	ssyncadd.s32 $0xFFFFF000  }
0x2e9: {  	_ =	swait.ge [sflag:s0], $0x1000  }
0x2ea: {  	[sflag:s0] =	ssyncset.done $0x0  }
0x2eb: {  	[sflag:s0] =	ssyncadd.s32 $0xFFFFF000  }
0x2ec: {  	_ =	swait.ge [sflag:s28], $0x1000  }
0x2ed: {  	[sflag:s28] =	ssyncset.done $0x0  }
0x2ee: {  	[sflag:s28] =	ssyncadd.s32 $0xFFFFF000  }
0x2ef: {  	_ =	swait.ge [sflag:s28], $0x1000  }
0x2f0: {  	[sflag:s28] =	ssyncset.done $0x0  }
0x2f1: {  	[sflag:s28] =	ssyncadd.s32 $0xFFFFF000  }
0x2f2: {  	_ =	swait.ge [sflag:s28], $0x1000  }
0x2f3: {  	[sflag:s28] =	ssyncset.done $0x0  }
0x2f4: {  	[sflag:s28] =	ssyncadd.s32 $0xFFFFF000  }
0x2f5: {  	_ =	swait.ge [sflag:s28], $0x1000  }
0x2f6: {  	s1 =	rddreg [dreg:$0x5]  }
0x2f7: {  	s31 =	rddreg [dreg:$0x4];
	s1 =	sadd.s32 $0x1, s1  }
0x2f8: {  	p0 =	sne.s32 s1, s31  }
.Ltmp17:
0x2f9: {  	_ = 	snop;
	(pc) =	sbr.rel @p0 .LBB2_1-.Ltmp17, $3  }
0x2fa: {  	_ =	sdelay $0x1  }
0x2fb: {  	[sflag:s28] =	ssyncset.done $0x0  }
0x2fc: {  	[sflag:s28] =	ssyncadd.s32 $0xFFFFF000  }
0x2fd: {  	_ =	sfence.sel $0x180000  }
0x2fe: {  	[bflag:$0x0] =	sbarrier.arrive $0xFFFF  }
0x2ff: {  	_ =	strace $0x90000047  }
0x300: {  	s0 =	stileid.u32;
	[bflag:$0x2] =	sbarrier.arrive $0xFFFF  }
0x301: {  	p0 =	sne.s32 s0, $0x0;
	s0 =	rddreg [dreg:$0x2]  }
0x302: {  	s0 =	sadd.s32 @!p0 $0x100000, s0  }
0x303: {  	[sflag:s0] =	ssyncadd.tile.s32 @!p0 $0x1;
	_ =	shalt  }
.Lfunc_end2:
_tile_overlayer_lowered:
.L_overlay_start_2:
0x304: {  	(tag) =	ssettag $0x2  }
0x305: {  	s0 =	rddreg [dreg:$0x0];
	s2 =	stileid.u32  }
0x306: {  	s1 =	rddreg [dreg:$0x1];
	p0 =	sne.s32 s2, $0x0  }
0x307: {  	s3 =	rddreg [dreg:$0x2];
	[bflag:$0x3] =	sbarrier.arrive $0xFFFF;
	s2 =	simm.s32 @!p0 $0x1C05  }
0x308: {  	[timem:s3], [sflag:s2] =	dma.local @!p0 [hbm:s0], s1  }
0x309: {  	s0 =	simm.s32 @!p0 $0x5  }
0x30a: {  	_ =	swait.ge @!p0 [sflag:s0], s1  }
0x30b: {  	s1 =	ssub.s32 @!p0 $0x0, s1;
	[sflag:s0] =	ssyncset.done @!p0 $0x0  }
0x30c: {  	[sflag:s0] =	ssyncadd.s32 @!p0 s1  }
0x30d: {  	[bflag:$0x3] =	sbarrier.arrive $0xFFFF  }
0x30e: {  	_ =	shalt  }

</sc_bundles>
